<compile_context>
chip_gen: v7x
topology: tpu7x:2x2x1
jax: 0.10.2.dev20260603
libtpu: 0.0.44.dev20260713+nightly
codegen_flags: <defaults>
</compile_context>

<pallas_src>
import functools

import jax
import jax.numpy as jnp
from jax import lax
from jax.experimental import pallas as pl
from jax.experimental.pallas import tpu as pltpu
from jax.experimental.pallas import tpu_sc as plsc

N_NODES_C = 10000
N_EDGES_C = 320000
D = 128
W = D // 2
LANES = 16



def _zmat_body(x_ref, t_ref, o_ref):
    o_ref[...] = lax.dot_general(
        x_ref[...],
        t_ref[...],
        (((1,), (1,)), ((), ())),
        preferred_element_type=jnp.float32,
        precision=lax.Precision.HIGHEST,
    )


def _z_matmul(x, t0):
    n = x.shape[0]
    blk = 2000
    return pl.pallas_call(
        _zmat_body,
        out_shape=jax.ShapeDtypeStruct((n, D), jnp.float32),
        grid=(n // blk,),
        in_specs=[
            pl.BlockSpec((blk, D), lambda i: (i, 0)),
            pl.BlockSpec((D, D), lambda i: (0, 0)),
        ],
        out_specs=pl.BlockSpec((blk, D), lambda i: (i, 0)),
    )(x, t0)


def _pack_bf16(a):
    return lax.bitcast_convert_type(
        a.astype(jnp.bfloat16).reshape(a.shape[0], W, 2), jnp.int32)



_INFO = plsc.get_sparse_core_info()
_NC = _INFO.num_cores
_NS = _INFO.num_subcores
_NW = _NC * _NS
_EPW = N_EDGES_C // _NW
_CHUNK = 20 * LANES
_NFULL = _EPW // _CHUNK
_REM = _EPW - _NFULL * _CHUNK
_GROUPS = _CHUNK // LANES

_HI_MASK = -65536


def _dot_groups(xr_v, zc_v, ov_v, lane, ngroups):

    def g_body(g, carry):
        e_vec = lane + g * LANES

        def w_body(t, accs, e_vec=e_vec):
            ae0, ae1, ao0, ao1 = accs
            w0 = (lane + (t * 2)) & (W - 1)
            w1 = w0 ^ 1
            xw0 = plsc.load_gather(xr_v, [e_vec, w0])
            zw0 = plsc.load_gather(zc_v, [e_vec, w0])
            xw1 = plsc.load_gather(xr_v, [e_vec, w1])
            zw1 = plsc.load_gather(zc_v, [e_vec, w1])
            xe0 = lax.bitcast_convert_type(xw0 << 16, jnp.float32)
            ze0 = lax.bitcast_convert_type(zw0 << 16, jnp.float32)
            xo0 = lax.bitcast_convert_type(xw0 & _HI_MASK, jnp.float32)
            zo0 = lax.bitcast_convert_type(zw0 & _HI_MASK, jnp.float32)
            xe1 = lax.bitcast_convert_type(xw1 << 16, jnp.float32)
            ze1 = lax.bitcast_convert_type(zw1 << 16, jnp.float32)
            xo1 = lax.bitcast_convert_type(xw1 & _HI_MASK, jnp.float32)
            zo1 = lax.bitcast_convert_type(zw1 & _HI_MASK, jnp.float32)
            return (ae0 + xe0 * ze0, ae1 + xe1 * ze1,
                    ao0 + xo0 * zo0, ao1 + xo1 * zo1)

        zero = jnp.zeros((LANES,), jnp.float32)
        a0, a1, a2, a3 = lax.fori_loop(
            0, W // 2, w_body, (zero, zero, zero, zero), unroll=8)
        m = (a0 + a1) + (a2 + a3)
        t = jnp.exp(jnp.abs(m) * -2.0)
        r = (1.0 - t) / (1.0 + t)
        ov_v[pl.ds(pl.multiple_of(g * LANES, LANES), LANES)] = (
            jnp.where(m < 0.0, -r, r))
        return carry

    lax.fori_loop(0, ngroups, g_body, 0, unroll=False)


def _edge_dot_body(x_hbm, z_hbm, row_hbm, col_hbm, out_hbm,
                   ridx0, ridx1, cidx0, cidx1, xr0, xr1, zc0, zc1, ov0, ov1,
                   x_sp, sem_i0, sem_i1, sem_x0, sem_x1, sem_z0, sem_z1,
                   sem_o0, sem_o1):
    wid = lax.axis_index("s") * _NC + lax.axis_index("c")
    sid = lax.axis_index("s")
    wbase = wid * _EPW
    lane = lax.iota(jnp.int32, LANES)

    ridx = (ridx0, ridx1)
    cidx = (cidx0, cidx1)
    xr = (xr0, xr1)
    zc = (zc0, zc1)
    ov = (ov0, ov1)
    sem_i = (sem_i0, sem_i1)
    sem_x = (sem_x0, sem_x1)
    sem_z = (sem_z0, sem_z1)
    sem_o = (sem_o0, sem_o1)

    rows_per_sub = 624
    sbase = pl.multiple_of(sid * rows_per_sub, 8)
    pltpu.sync_copy(x_hbm.at[pl.ds(sbase, rows_per_sub)],
                    x_sp.at[pl.ds(sbase, rows_per_sub)])

    @pl.when(sid == 0)
    def _():
        pltpu.sync_copy(x_hbm.at[pl.ds(_NS * rows_per_sub, 16)],
                        x_sp.at[pl.ds(_NS * rows_per_sub, 16)])

    plsc.subcore_barrier()

    def issue_idx(c, p):
        off = pl.multiple_of(wbase + c * _CHUNK, 8)
        pltpu.async_copy(row_hbm.at[pl.ds(off, _CHUNK)], ridx[p], sem_i[p])
        pltpu.async_copy(col_hbm.at[pl.ds(off, _CHUNK)], cidx[p], sem_i[p])

    def wait_idx(c, p):
        off = pl.multiple_of(wbase + c * _CHUNK, 8)
        pltpu.make_async_copy(row_hbm.at[pl.ds(off, _CHUNK)], ridx[p],
                              sem_i[p]).wait()
        pltpu.make_async_copy(col_hbm.at[pl.ds(off, _CHUNK)], cidx[p],
                              sem_i[p]).wait()

    def issue_rows(p):
        pltpu.async_copy(x_sp.at[ridx[p]], xr[p], sem_x[p])
        pltpu.async_copy(z_hbm.at[cidx[p]], zc[p], sem_z[p])

    def wait_rows(p):
        pltpu.make_async_copy(x_sp.at[ridx[p]], xr[p], sem_x[p]).wait()
        pltpu.make_async_copy(z_hbm.at[cidx[p]], zc[p], sem_z[p]).wait()

    def wait_out(c, p):
        off = pl.multiple_of(wbase + c * _CHUNK, 8)
        pltpu.make_async_copy(ov[p], out_hbm.at[pl.ds(off, _CHUNK)],
                              sem_o[p]).wait()

    issue_idx(0, 0)
    issue_idx(1, 1)
    wait_idx(0, 0)
    issue_rows(0)

    def pair_body(j, carry):
        for b in range(2):
            c = j * 2 + b

            @pl.when(c + 1 < _NFULL)
            def _():
                wait_idx(c + 1, 1 - b)
                issue_rows(1 - b)

            wait_rows(b)

            @pl.when(c + 2 < _NFULL)
            def _():
                issue_idx(c + 2, b)

            @pl.when(c >= 2)
            def _():
                wait_out(c - 2, b)

            _dot_groups(xr[b], zc[b], ov[b], lane, _GROUPS)
            off = pl.multiple_of(wbase + c * _CHUNK, 8)
            pltpu.async_copy(ov[b], out_hbm.at[pl.ds(off, _CHUNK)], sem_o[b])
        return carry

    lax.fori_loop(0, _NFULL // 2, pair_body, 0, unroll=False)

    c_last = _NFULL - 1
    wait_rows(0)
    wait_out(c_last - 2, 0)
    wait_out(c_last - 1, 1)
    _dot_groups(xr0, zc0, ov0, lane, _GROUPS)
    off_l = pl.multiple_of(wbase + c_last * _CHUNK, 8)
    pltpu.async_copy(ov0, out_hbm.at[pl.ds(off_l, _CHUNK)], sem_o0)

    tbase = wbase + _EPW - _REM
    ridx_t = ridx1.at[pl.ds(0, _REM)]
    cidx_t = cidx1.at[pl.ds(0, _REM)]
    pltpu.sync_copy(row_hbm.at[pl.ds(tbase, _REM)], ridx_t)
    pltpu.sync_copy(col_hbm.at[pl.ds(tbase, _REM)], cidx_t)
    xr_t = xr1.at[pl.ds(0, _REM)]
    zc_t = zc1.at[pl.ds(0, _REM)]
    cp_x = pltpu.async_copy(x_sp.at[ridx_t], xr_t, sem_x1)
    cp_z = pltpu.async_copy(z_hbm.at[cidx_t], zc_t, sem_z1)
    cp_x.wait()
    cp_z.wait()
    _dot_groups(xr1, zc1, ov1, lane, _REM // LANES)
    wait_out(c_last, 0)
    pltpu.sync_copy(ov1.at[pl.ds(0, _REM)],
                    out_hbm.at[pl.ds(tbase, _REM)])


def _edge_dot(xb, zb, row, col):
    mesh = plsc.VectorSubcoreMesh(core_axis_name="c", subcore_axis_name="s")
    kern = functools.partial(
        pl.kernel,
        mesh=mesh,
        compiler_params=pltpu.CompilerParams(
            needs_layout_passes=False, use_tc_tiling_on_sc=False),
        out_type=jax.ShapeDtypeStruct((N_EDGES_C,), jnp.float32),
        scratch_types=[
            pltpu.VMEM((_CHUNK,), jnp.int32),
            pltpu.VMEM((_CHUNK,), jnp.int32),
            pltpu.VMEM((_CHUNK,), jnp.int32),
            pltpu.VMEM((_CHUNK,), jnp.int32),
            pltpu.VMEM((_CHUNK, W), jnp.int32),
            pltpu.VMEM((_CHUNK, W), jnp.int32),
            pltpu.VMEM((_CHUNK, W), jnp.int32),
            pltpu.VMEM((_CHUNK, W), jnp.int32),
            pltpu.VMEM((_CHUNK,), jnp.float32),
            pltpu.VMEM((_CHUNK,), jnp.float32),
            pltpu.VMEM_SHARED((N_NODES_C, W), jnp.int32),
            pltpu.SemaphoreType.DMA,
            pltpu.SemaphoreType.DMA,
            pltpu.SemaphoreType.DMA,
            pltpu.SemaphoreType.DMA,
            pltpu.SemaphoreType.DMA,
            pltpu.SemaphoreType.DMA,
            pltpu.SemaphoreType.DMA,
            pltpu.SemaphoreType.DMA,
        ],
    )(_edge_dot_body)
    return kern(xb, zb, row, col)


def kernel(x, edge_index, tensor):
    row = edge_index[0].astype(jnp.int32)
    col = edge_index[1].astype(jnp.int32)
    z = _z_matmul(x, tensor[0])
    maps = _edge_dot(_pack_bf16(x), _pack_bf16(z), row, col)
    return maps.reshape(-1, 1)

# --- scband reference (transcript-rebuilt; emitter-appended) ---
"""Pipeline reference for scband-quadratic-form-sheaf-learner-8976481648851 (READ-ONLY COPY).

The authoritative reference and input builder live on the scoring server;
editing this copy changes nothing except your own understanding.
"""

import jax, jax.numpy as jnp
import numpy as np

N_NODES = 10000
N_EDGES = 320000
D_FEAT = 128
OUT_SHAPE = (1,)
K = int(np.prod(OUT_SHAPE))


def setup_inputs(seed: int = 0) -> dict:
    key = jax.random.key(seed)
    k1, k2 = jax.random.split(key)
    x = jax.random.normal(k1, (N_NODES, D_FEAT), dtype=jnp.float32)
    edge_index = jax.random.randint(k2, (2, N_EDGES), 0, N_NODES).astype(jnp.int64)
    # Learned parameter: identity matrices tiled over prod(out_shape), per __init__
    tensor = jnp.tile(jnp.eye(D_FEAT, dtype=jnp.float32)[None, :, :], (K, 1, 1))
    return {"x": x, "edge_index": edge_index, "tensor": tensor}


def reference(x, edge_index, tensor):
    row = edge_index[0]
    col = edge_index[1]
    x_row = jnp.take(x, row, axis=0)  # [E, d]
    x_col = jnp.take(x, col, axis=0)  # [E, d]
    # map_builder: quadratic form per output component k:
    # maps[e, k] = x_row[e] @ tensor[k] @ x_col[e]
    maps = jnp.einsum('ed,kdf,ef->ek', x_row, tensor, x_col)
    # len(out_shape) == 1 branch
    return jnp.tanh(maps).reshape(-1, OUT_SHAPE[0])

if __name__ == "__main__":
    import jax
    _d = setup_inputs()
    print(jax.jit(kernel)(*tuple(_d.values())))

</pallas_src>

<mosaic_0001>
#map = affine_map<(d0, d1) -> (0, 0)>
#map1 = affine_map<(d0, d1) -> (0)>
module attributes {stable_mosaic.version = 14 : i64} {
  func.func @_edge_dot_body(%arg0: i32, %arg1: i32, %arg2: memref<10000x64xi32, #tpu.memory_space<hbm>>, %arg3: memref<10000x64xi32, #tpu.memory_space<hbm>>, %arg4: memref<320000xi32, #tpu.memory_space<hbm>>, %arg5: memref<320000xi32, #tpu.memory_space<hbm>>, %arg6: memref<320000xf32, #tpu.memory_space<hbm>>, %arg7: memref<320xi32, #tpu.memory_space<vmem>>, %arg8: memref<320xi32, #tpu.memory_space<vmem>>, %arg9: memref<320xi32, #tpu.memory_space<vmem>>, %arg10: memref<320xi32, #tpu.memory_space<vmem>>, %arg11: memref<320x64xi32, #tpu.memory_space<vmem>>, %arg12: memref<320x64xi32, #tpu.memory_space<vmem>>, %arg13: memref<320x64xi32, #tpu.memory_space<vmem>>, %arg14: memref<320x64xi32, #tpu.memory_space<vmem>>, %arg15: memref<320xf32, #tpu.memory_space<vmem>>, %arg16: memref<320xf32, #tpu.memory_space<vmem>>, %arg17: memref<10000x64xi32, #tpu.memory_space<vmem_shared>>, %arg18: memref<!tpu.dma_semaphore, #tpu.memory_space<semaphore_mem>>, %arg19: memref<!tpu.dma_semaphore, #tpu.memory_space<semaphore_mem>>, %arg20: memref<!tpu.dma_semaphore, #tpu.memory_space<semaphore_mem>>, %arg21: memref<!tpu.dma_semaphore, #tpu.memory_space<semaphore_mem>>, %arg22: memref<!tpu.dma_semaphore, #tpu.memory_space<semaphore_mem>>, %arg23: memref<!tpu.dma_semaphore, #tpu.memory_space<semaphore_mem>>, %arg24: memref<!tpu.dma_semaphore, #tpu.memory_space<semaphore_mem>>, %arg25: memref<!tpu.dma_semaphore, #tpu.memory_space<semaphore_mem>>) attributes {dimension_semantics = [#tpu.dimension_semantics<core_parallel>, #tpu.dimension_semantics<subcore_parallel>], iteration_bounds = array<i64: 2, 16>, scalar_prefetch = 0 : i64, scratch_operands = 19 : i64, tpu.core_type = #tpu.core_type<sc_vector_subcore>, window_params = [{transform_indices = #map}, {transform_indices = #map}, {transform_indices = #map1}, {transform_indices = #map1}, {transform_indices = #map1}]} {
    %mul3A = arith.constant 2 : i32
    %mul3A_0 = arith.muli %arg1, %mul3A : i32
    %add3A = arith.addi %mul3A_0, %arg0 : i32
    %mul3A_1 = arith.constant 10000 : i32
    %mul3A_2 = arith.muli %add3A, %mul3A_1 : i32
    %iota3A = tpu.iota {dimensions = array<i32: 0>} : vector<16xi32>
    %mul3A_3 = arith.constant 624 : i32
    %mul3A_4 = arith.muli %arg1, %mul3A_3 : i32
    %multiple_of3A = tpu.assume_multiple %mul3A_4, 8 : i32
    "tpu.region"() ({
      %run_scoped3A = tpu.sem_alloc : memref<!tpu.dma_semaphore, #tpu.memory_space<semaphore_mem>>
      %dma_start3A_110 = arith.constant 0 : i32
      %dma_start3A_111 = tpu.memref_slice %arg17[%multiple_of3A, %dma_start3A_110] : memref<10000x64xi32, #tpu.memory_space<vmem_shared>> -> memref<624x64xi32, #tpu.memory_space<vmem_shared>>
      %dma_start3A_112 = arith.constant 0 : i32
      %dma_start3A_113 = tpu.memref_slice %arg2[%multiple_of3A, %dma_start3A_112] : memref<10000x64xi32, #tpu.memory_space<hbm>> -> memref<624x64xi32, #tpu.memory_space<hbm>>
      tpu.enqueue_dma source(%dma_start3A_113 : memref<624x64xi32, #tpu.memory_space<hbm>>) target(%dma_start3A_111 : memref<624x64xi32, #tpu.memory_space<vmem_shared>>) target_semaphore(%run_scoped3A : memref<!tpu.dma_semaphore, #tpu.memory_space<semaphore_mem>>)
      %dma_wait3A_114 = arith.constant 0 : i32
      %dma_wait3A_115 = tpu.memref_slice %arg17[%multiple_of3A, %dma_wait3A_114] : memref<10000x64xi32, #tpu.memory_space<vmem_shared>> -> memref<624x64xi32, #tpu.memory_space<vmem_shared>>
      %dma_wait3A_116 = arith.constant 0 : i32
      %dma_wait3A_117 = tpu.memref_slice %arg2[%multiple_of3A, %dma_wait3A_116] : memref<10000x64xi32, #tpu.memory_space<hbm>> -> memref<624x64xi32, #tpu.memory_space<hbm>>
      tpu.wait_dma2 semaphore(%run_scoped3A : memref<!tpu.dma_semaphore, #tpu.memory_space<semaphore_mem>>) src(%dma_wait3A_117 : memref<624x64xi32, #tpu.memory_space<hbm>>) dst(%dma_wait3A_115 : memref<624x64xi32, #tpu.memory_space<vmem_shared>>)
      tpu.yield
    }) : () -> ()
    %eq3A = arith.constant 0 : i32
    %eq3A_5 = arith.cmpi eq, %arg1, %eq3A : i32
    %convert_element_type3A = arith.extui %eq3A_5 : i1 to i32
    %cond3A = arith.constant 0 : i32
    %cond3A_6 = arith.cmpi ne, %convert_element_type3A, %cond3A : i32
    scf.if %cond3A_6 {
      "tpu.region"() ({
        %run_scoped3A = tpu.sem_alloc : memref<!tpu.dma_semaphore, #tpu.memory_space<semaphore_mem>>
        %dma_start3A_110 = arith.constant 9984 : i32
        %dma_start3A_111 = arith.constant 0 : i32
        %dma_start3A_112 = tpu.memref_slice %arg17[%dma_start3A_110, %dma_start3A_111] : memref<10000x64xi32, #tpu.memory_space<vmem_shared>> -> memref<16x64xi32, #tpu.memory_space<vmem_shared>>
        %dma_start3A_113 = arith.constant 9984 : i32
        %dma_start3A_114 = arith.constant 0 : i32
        %dma_start3A_115 = tpu.memref_slice %arg2[%dma_start3A_113, %dma_start3A_114] : memref<10000x64xi32, #tpu.memory_space<hbm>> -> memref<16x64xi32, #tpu.memory_space<hbm>>
        tpu.enqueue_dma source(%dma_start3A_115 : memref<16x64xi32, #tpu.memory_space<hbm>>) target(%dma_start3A_112 : memref<16x64xi32, #tpu.memory_space<vmem_shared>>) target_semaphore(%run_scoped3A : memref<!tpu.dma_semaphore, #tpu.memory_space<semaphore_mem>>)
        %dma_wait3A_116 = arith.constant 9984 : i32
        %dma_wait3A_117 = arith.constant 0 : i32
        %dma_wait3A_118 = tpu.memref_slice %arg17[%dma_wait3A_116, %dma_wait3A_117] : memref<10000x64xi32, #tpu.memory_space<vmem_shared>> -> memref<16x64xi32, #tpu.memory_space<vmem_shared>>
        %dma_wait3A_119 = arith.constant 9984 : i32
        %dma_wait3A_120 = arith.constant 0 : i32
        %dma_wait3A_121 = tpu.memref_slice %arg2[%dma_wait3A_119, %dma_wait3A_120] : memref<10000x64xi32, #tpu.memory_space<hbm>> -> memref<16x64xi32, #tpu.memory_space<hbm>>
        tpu.wait_dma2 semaphore(%run_scoped3A : memref<!tpu.dma_semaphore, #tpu.memory_space<semaphore_mem>>) src(%dma_wait3A_121 : memref<16x64xi32, #tpu.memory_space<hbm>>) dst(%dma_wait3A_118 : memref<16x64xi32, #tpu.memory_space<vmem_shared>>)
        tpu.yield
      }) : () -> ()
    } else {
    }
    %barrier3A = arith.constant 0 : index
    tpu.barrier barrier_id(%barrier3A)
    %add3A_7 = arith.constant 0 : i32
    %add3A_8 = arith.addi %mul3A_2, %add3A_7 : i32
    %multiple_of3A_9 = tpu.assume_multiple %add3A_8, 8 : i32
    %dma_start3A = tpu.memref_slice %arg4[%multiple_of3A_9] : memref<320000xi32, #tpu.memory_space<hbm>> -> memref<320xi32, #tpu.memory_space<hbm>>
    %dma_start3A_10 = tpu.memref_slice %arg4[%multiple_of3A_9] : memref<320000xi32, #tpu.memory_space<hbm>> -> memref<320xi32, #tpu.memory_space<hbm>>
    tpu.enqueue_dma source(%dma_start3A_10 : memref<320xi32, #tpu.memory_space<hbm>>) target(%arg7 : memref<320xi32, #tpu.memory_space<vmem>>) target_semaphore(%arg18 : memref<!tpu.dma_semaphore, #tpu.memory_space<semaphore_mem>>)
    %dma_start3A_11 = tpu.memref_slice %arg5[%multiple_of3A_9] : memref<320000xi32, #tpu.memory_space<hbm>> -> memref<320xi32, #tpu.memory_space<hbm>>
    %dma_start3A_12 = tpu.memref_slice %arg5[%multiple_of3A_9] : memref<320000xi32, #tpu.memory_space<hbm>> -> memref<320xi32, #tpu.memory_space<hbm>>
    tpu.enqueue_dma source(%dma_start3A_12 : memref<320xi32, #tpu.memory_space<hbm>>) target(%arg9 : memref<320xi32, #tpu.memory_space<vmem>>) target_semaphore(%arg18 : memref<!tpu.dma_semaphore, #tpu.memory_space<semaphore_mem>>)
    %add3A_13 = arith.constant 320 : i32
    %add3A_14 = arith.addi %mul3A_2, %add3A_13 : i32
    %multiple_of3A_15 = tpu.assume_multiple %add3A_14, 8 : i32
    %dma_start3A_16 = tpu.memref_slice %arg4[%multiple_of3A_15] : memref<320000xi32, #tpu.memory_space<hbm>> -> memref<320xi32, #tpu.memory_space<hbm>>
    %dma_start3A_17 = tpu.memref_slice %arg4[%multiple_of3A_15] : memref<320000xi32, #tpu.memory_space<hbm>> -> memref<320xi32, #tpu.memory_space<hbm>>
    tpu.enqueue_dma source(%dma_start3A_17 : memref<320xi32, #tpu.memory_space<hbm>>) target(%arg8 : memref<320xi32, #tpu.memory_space<vmem>>) target_semaphore(%arg19 : memref<!tpu.dma_semaphore, #tpu.memory_space<semaphore_mem>>)
    %dma_start3A_18 = tpu.memref_slice %arg5[%multiple_of3A_15] : memref<320000xi32, #tpu.memory_space<hbm>> -> memref<320xi32, #tpu.memory_space<hbm>>
    %dma_start3A_19 = tpu.memref_slice %arg5[%multiple_of3A_15] : memref<320000xi32, #tpu.memory_space<hbm>> -> memref<320xi32, #tpu.memory_space<hbm>>
    tpu.enqueue_dma source(%dma_start3A_19 : memref<320xi32, #tpu.memory_space<hbm>>) target(%arg10 : memref<320xi32, #tpu.memory_space<vmem>>) target_semaphore(%arg19 : memref<!tpu.dma_semaphore, #tpu.memory_space<semaphore_mem>>)
    %add3A_20 = arith.constant 0 : i32
    %add3A_21 = arith.addi %mul3A_2, %add3A_20 : i32
    %multiple_of3A_22 = tpu.assume_multiple %add3A_21, 8 : i32
    %dma_wait3A = tpu.memref_slice %arg4[%multiple_of3A_22] : memref<320000xi32, #tpu.memory_space<hbm>> -> memref<320xi32, #tpu.memory_space<hbm>>
    %dma_wait3A_23 = tpu.memref_slice %arg4[%multiple_of3A_22] : memref<320000xi32, #tpu.memory_space<hbm>> -> memref<320xi32, #tpu.memory_space<hbm>>
    tpu.wait_dma2 semaphore(%arg18 : memref<!tpu.dma_semaphore, #tpu.memory_space<semaphore_mem>>) src(%dma_wait3A_23 : memref<320xi32, #tpu.memory_space<hbm>>) dst(%arg7 : memref<320xi32, #tpu.memory_space<vmem>>)
    %dma_wait3A_24 = tpu.memref_slice %arg5[%multiple_of3A_22] : memref<320000xi32, #tpu.memory_space<hbm>> -> memref<320xi32, #tpu.memory_space<hbm>>
    %dma_wait3A_25 = tpu.memref_slice %arg5[%multiple_of3A_22] : memref<320000xi32, #tpu.memory_space<hbm>> -> memref<320xi32, #tpu.memory_space<hbm>>
    tpu.wait_dma2 semaphore(%arg18 : memref<!tpu.dma_semaphore, #tpu.memory_space<semaphore_mem>>) src(%dma_wait3A_25 : memref<320xi32, #tpu.memory_space<hbm>>) dst(%arg9 : memref<320xi32, #tpu.memory_space<vmem>>)
    %dma_start3A_26 = arith.constant 0 : i32
    %dma_start3A_27 = arith.constant 0 : i32
    %dma_start3A_28 = tpu.memref_slice %arg17[%dma_start3A_26, %dma_start3A_27] : memref<10000x64xi32, #tpu.memory_space<vmem_shared>> -> memref<10000x64xi32, #tpu.memory_space<vmem_shared>>
    tpu.enqueue_indirect_dma source(%dma_start3A_28 : memref<10000x64xi32, #tpu.memory_space<vmem_shared>>) target(%arg11 : memref<320x64xi32, #tpu.memory_space<vmem>>) offsets(%arg7 : memref<320xi32, #tpu.memory_space<vmem>>) semaphore(%arg20 : memref<!tpu.dma_semaphore, #tpu.memory_space<semaphore_mem>>)
    %dma_start3A_29 = arith.constant 0 : i32
    %dma_start3A_30 = arith.constant 0 : i32
    %dma_start3A_31 = tpu.memref_slice %arg3[%dma_start3A_29, %dma_start3A_30] : memref<10000x64xi32, #tpu.memory_space<hbm>> -> memref<10000x64xi32, #tpu.memory_space<hbm>>
    tpu.enqueue_indirect_dma source(%dma_start3A_31 : memref<10000x64xi32, #tpu.memory_space<hbm>>) target(%arg13 : memref<320x64xi32, #tpu.memory_space<vmem>>) offsets(%arg9 : memref<320xi32, #tpu.memory_space<vmem>>) semaphore(%arg22 : memref<!tpu.dma_semaphore, #tpu.memory_space<semaphore_mem>>)
    %scan3A = arith.constant 0 : i32
    %scan3A_32 = arith.constant 0 : i32
    %scan3A_33 = arith.constant 15 : i32
    %scan3A_34 = arith.addi %scan3A_32, %scan3A_33 : i32
    %scan3A_35 = arith.constant 1 : i32
    scf.for %scan3A_110 = %scan3A_32 to %scan3A_34 step %scan3A_35  : i32 {
      %mul3A_111 = arith.constant 2 : i32
      %mul3A_112 = arith.muli %scan3A_110, %mul3A_111 : i32
      %add3A_113 = arith.constant 0 : i32
      %add3A_114 = arith.addi %mul3A_112, %add3A_113 : i32
      %add3A_115 = arith.constant 1 : i32
      %add3A_116 = arith.addi %add3A_114, %add3A_115 : i32
      %lt3A = arith.constant 31 : i32
      %lt3A_117 = arith.cmpi slt, %add3A_116, %lt3A : i32
      %convert_element_type3A_118 = arith.extui %lt3A_117 : i1 to i32
      %cond3A_119 = arith.constant 0 : i32
      %cond3A_120 = arith.cmpi ne, %convert_element_type3A_118, %cond3A_119 : i32
      scf.if %cond3A_120 {
        %add3A_191 = arith.constant 1 : i32
        %add3A_192 = arith.addi %add3A_114, %add3A_191 : i32
        %mul3A_193 = arith.constant 320 : i32
        %mul3A_194 = arith.muli %add3A_192, %mul3A_193 : i32
        %add3A_195 = arith.addi %mul3A_2, %mul3A_194 : i32
        %multiple_of3A_196 = tpu.assume_multiple %add3A_195, 8 : i32
        %dma_wait3A_197 = tpu.memref_slice %arg4[%multiple_of3A_196] : memref<320000xi32, #tpu.memory_space<hbm>> -> memref<320xi32, #tpu.memory_space<hbm>>
        %dma_wait3A_198 = tpu.memref_slice %arg4[%multiple_of3A_196] : memref<320000xi32, #tpu.memory_space<hbm>> -> memref<320xi32, #tpu.memory_space<hbm>>
        tpu.wait_dma2 semaphore(%arg19 : memref<!tpu.dma_semaphore, #tpu.memory_space<semaphore_mem>>) src(%dma_wait3A_198 : memref<320xi32, #tpu.memory_space<hbm>>) dst(%arg8 : memref<320xi32, #tpu.memory_space<vmem>>)
        %dma_wait3A_199 = tpu.memref_slice %arg5[%multiple_of3A_196] : memref<320000xi32, #tpu.memory_space<hbm>> -> memref<320xi32, #tpu.memory_space<hbm>>
        %dma_wait3A_200 = tpu.memref_slice %arg5[%multiple_of3A_196] : memref<320000xi32, #tpu.memory_space<hbm>> -> memref<320xi32, #tpu.memory_space<hbm>>
        tpu.wait_dma2 semaphore(%arg19 : memref<!tpu.dma_semaphore, #tpu.memory_space<semaphore_mem>>) src(%dma_wait3A_200 : memref<320xi32, #tpu.memory_space<hbm>>) dst(%arg10 : memref<320xi32, #tpu.memory_space<vmem>>)
        %dma_start3A_201 = arith.constant 0 : i32
        %dma_start3A_202 = arith.constant 0 : i32
        %dma_start3A_203 = tpu.memref_slice %arg17[%dma_start3A_201, %dma_start3A_202] : memref<10000x64xi32, #tpu.memory_space<vmem_shared>> -> memref<10000x64xi32, #tpu.memory_space<vmem_shared>>
        tpu.enqueue_indirect_dma source(%dma_start3A_203 : memref<10000x64xi32, #tpu.memory_space<vmem_shared>>) target(%arg12 : memref<320x64xi32, #tpu.memory_space<vmem>>) offsets(%arg8 : memref<320xi32, #tpu.memory_space<vmem>>) semaphore(%arg21 : memref<!tpu.dma_semaphore, #tpu.memory_space<semaphore_mem>>)
        %dma_start3A_204 = arith.constant 0 : i32
        %dma_start3A_205 = arith.constant 0 : i32
        %dma_start3A_206 = tpu.memref_slice %arg3[%dma_start3A_204, %dma_start3A_205] : memref<10000x64xi32, #tpu.memory_space<hbm>> -> memref<10000x64xi32, #tpu.memory_space<hbm>>
        tpu.enqueue_indirect_dma source(%dma_start3A_206 : memref<10000x64xi32, #tpu.memory_space<hbm>>) target(%arg14 : memref<320x64xi32, #tpu.memory_space<vmem>>) offsets(%arg10 : memref<320xi32, #tpu.memory_space<vmem>>) semaphore(%arg23 : memref<!tpu.dma_semaphore, #tpu.memory_space<semaphore_mem>>)
      } else {
      }
      %dma_wait3A_121 = arith.constant 0 : i32
      %dma_wait3A_122 = arith.constant 0 : i32
      %dma_wait3A_123 = tpu.memref_slice %arg17[%dma_wait3A_121, %dma_wait3A_122] : memref<10000x64xi32, #tpu.memory_space<vmem_shared>> -> memref<10000x64xi32, #tpu.memory_space<vmem_shared>>
      tpu.wait_indirect_dma semaphore(%arg20 : memref<!tpu.dma_semaphore, #tpu.memory_space<semaphore_mem>>) src(%dma_wait3A_123 : memref<10000x64xi32, #tpu.memory_space<vmem_shared>>) dst(%arg11 : memref<320x64xi32, #tpu.memory_space<vmem>>)
      %dma_wait3A_124 = arith.constant 0 : i32
      %dma_wait3A_125 = arith.constant 0 : i32
      %dma_wait3A_126 = tpu.memref_slice %arg3[%dma_wait3A_124, %dma_wait3A_125] : memref<10000x64xi32, #tpu.memory_space<hbm>> -> memref<10000x64xi32, #tpu.memory_space<hbm>>
      tpu.wait_indirect_dma semaphore(%arg22 : memref<!tpu.dma_semaphore, #tpu.memory_space<semaphore_mem>>) src(%dma_wait3A_126 : memref<10000x64xi32, #tpu.memory_space<hbm>>) dst(%arg13 : memref<320x64xi32, #tpu.memory_space<vmem>>)
      %add3A_127 = arith.constant 2 : i32
      %add3A_128 = arith.addi %add3A_114, %add3A_127 : i32
      %lt3A_129 = arith.constant 31 : i32
      %lt3A_130 = arith.cmpi slt, %add3A_128, %lt3A_129 : i32
      %convert_element_type3A_131 = arith.extui %lt3A_130 : i1 to i32
      %cond3A_132 = arith.constant 0 : i32
      %cond3A_133 = arith.cmpi ne, %convert_element_type3A_131, %cond3A_132 : i32
      scf.if %cond3A_133 {
        %add3A_191 = arith.constant 2 : i32
        %add3A_192 = arith.addi %add3A_114, %add3A_191 : i32
        %mul3A_193 = arith.constant 320 : i32
        %mul3A_194 = arith.muli %add3A_192, %mul3A_193 : i32
        %add3A_195 = arith.addi %mul3A_2, %mul3A_194 : i32
        %multiple_of3A_196 = tpu.assume_multiple %add3A_195, 8 : i32
        %dma_start3A_197 = tpu.memref_slice %arg4[%multiple_of3A_196] : memref<320000xi32, #tpu.memory_space<hbm>> -> memref<320xi32, #tpu.memory_space<hbm>>
        %dma_start3A_198 = tpu.memref_slice %arg4[%multiple_of3A_196] : memref<320000xi32, #tpu.memory_space<hbm>> -> memref<320xi32, #tpu.memory_space<hbm>>
        tpu.enqueue_dma source(%dma_start3A_198 : memref<320xi32, #tpu.memory_space<hbm>>) target(%arg7 : memref<320xi32, #tpu.memory_space<vmem>>) target_semaphore(%arg18 : memref<!tpu.dma_semaphore, #tpu.memory_space<semaphore_mem>>)
        %dma_start3A_199 = tpu.memref_slice %arg5[%multiple_of3A_196] : memref<320000xi32, #tpu.memory_space<hbm>> -> memref<320xi32, #tpu.memory_space<hbm>>
        %dma_start3A_200 = tpu.memref_slice %arg5[%multiple_of3A_196] : memref<320000xi32, #tpu.memory_space<hbm>> -> memref<320xi32, #tpu.memory_space<hbm>>
        tpu.enqueue_dma source(%dma_start3A_200 : memref<320xi32, #tpu.memory_space<hbm>>) target(%arg9 : memref<320xi32, #tpu.memory_space<vmem>>) target_semaphore(%arg18 : memref<!tpu.dma_semaphore, #tpu.memory_space<semaphore_mem>>)
      } else {
      }
      %ge3A = arith.constant 2 : i32
      %ge3A_134 = arith.cmpi sge, %add3A_114, %ge3A : i32
      %convert_element_type3A_135 = arith.extui %ge3A_134 : i1 to i32
      %cond3A_136 = arith.constant 0 : i32
      %cond3A_137 = arith.cmpi ne, %convert_element_type3A_135, %cond3A_136 : i32
      scf.if %cond3A_137 {
        %sub3A_191 = arith.constant 2 : i32
        %sub3A_192 = arith.subi %add3A_114, %sub3A_191 : i32
        %mul3A_193 = arith.constant 320 : i32
        %mul3A_194 = arith.muli %sub3A_192, %mul3A_193 : i32
        %add3A_195 = arith.addi %mul3A_2, %mul3A_194 : i32
        %multiple_of3A_196 = tpu.assume_multiple %add3A_195, 8 : i32
        %dma_wait3A_197 = tpu.memref_slice %arg6[%multiple_of3A_196] : memref<320000xf32, #tpu.memory_space<hbm>> -> memref<320xf32, #tpu.memory_space<hbm>>
        %dma_wait3A_198 = tpu.memref_slice %arg6[%multiple_of3A_196] : memref<320000xf32, #tpu.memory_space<hbm>> -> memref<320xf32, #tpu.memory_space<hbm>>
        tpu.wait_dma2 semaphore(%arg24 : memref<!tpu.dma_semaphore, #tpu.memory_space<semaphore_mem>>) src(%arg15 : memref<320xf32, #tpu.memory_space<vmem>>) dst(%dma_wait3A_198 : memref<320xf32, #tpu.memory_space<hbm>>)
      } else {
      }
      %scan3A_138 = arith.constant 0 : i32
      %scan3A_139 = arith.constant 0 : i32
      %scan3A_140 = arith.constant 20 : i32
      %scan3A_141 = arith.addi %scan3A_139, %scan3A_140 : i32
      %scan3A_142 = arith.constant 1 : i32
      scf.for %scan3A_191 = %scan3A_139 to %scan3A_141 step %scan3A_142  : i32 {
        %mul3A_192 = arith.constant 16 : i32
        %mul3A_193 = arith.muli %scan3A_191, %mul3A_192 : i32
        %add3A_194 = vector.broadcast %mul3A_193 : i32 to vector<16xi32>
        %add3A_195 = arith.addi %iota3A, %add3A_194 : vector<16xi32>
        %broadcast_in_dim3A = arith.constant 0.000000e+00 : f32
        %broadcast_in_dim3A_196 = vector.broadcast %broadcast_in_dim3A : f32 to vector<16xf32>
        %scan3A_197 = arith.constant 0 : i32
        %scan3A_198 = arith.constant 32 : i32
        %scan3A_199 = arith.addi %scan3A_197, %scan3A_198 : i32
        %scan3A_200 = arith.constant 8 : i32
        %scan3A_201:4 = scf.for %scan3A_224 = %scan3A_197 to %scan3A_199 step %scan3A_200 iter_args(%scan3A_225 = %broadcast_in_dim3A_196, %scan3A_226 = %broadcast_in_dim3A_196, %scan3A_227 = %broadcast_in_dim3A_196, %scan3A_228 = %broadcast_in_dim3A_196) -> (vector<16xf32>, vector<16xf32>, vector<16xf32>, vector<16xf32>)  : i32 {
          %mul3A_229 = arith.constant 2 : i32
          %mul3A_230 = arith.muli %scan3A_224, %mul3A_229 : i32
          %add3A_231 = vector.broadcast %mul3A_230 : i32 to vector<16xi32>
          %add3A_232 = arith.addi %iota3A, %add3A_231 : vector<16xi32>
          %and3A = arith.constant 63 : i32
          %and3A_233 = vector.broadcast %and3A : i32 to vector<16xi32>
          %and3A_234 = arith.andi %add3A_232, %and3A_233 : vector<16xi32>
          %xor3A = arith.constant 1 : i32
          %xor3A_235 = vector.broadcast %xor3A : i32 to vector<16xi32>
          %xor3A_236 = arith.xori %and3A_234, %xor3A_235 : vector<16xi32>
          %gather3A = tpu.vector_load_idx %arg11[%add3A_195, %and3A_234] : memref<320x64xi32, #tpu.memory_space<vmem>>[vector<16xi32>, vector<16xi32>], vector<16xi32>,
          %gather3A_237 = tpu.vector_load_idx %arg13[%add3A_195, %and3A_234] : memref<320x64xi32, #tpu.memory_space<vmem>>[vector<16xi32>, vector<16xi32>], vector<16xi32>,
          %gather3A_238 = tpu.vector_load_idx %arg11[%add3A_195, %xor3A_236] : memref<320x64xi32, #tpu.memory_space<vmem>>[vector<16xi32>, vector<16xi32>], vector<16xi32>,
          %gather3A_239 = tpu.vector_load_idx %arg13[%add3A_195, %xor3A_236] : memref<320x64xi32, #tpu.memory_space<vmem>>[vector<16xi32>, vector<16xi32>], vector<16xi32>,
          %shift_left3A = arith.constant 16 : i32
          %shift_left3A_240 = vector.broadcast %shift_left3A : i32 to vector<16xi32>
          %shift_left3A_241 = arith.shli %gather3A, %shift_left3A_240 : vector<16xi32>
          %bitcast_convert_type3A = tpu.bitcast %shift_left3A_241 : vector<16xi32> -> vector<16xf32>
          %shift_left3A_242 = arith.constant 16 : i32
          %shift_left3A_243 = vector.broadcast %shift_left3A_242 : i32 to vector<16xi32>
          %shift_left3A_244 = arith.shli %gather3A_237, %shift_left3A_243 : vector<16xi32>
          %bitcast_convert_type3A_245 = tpu.bitcast %shift_left3A_244 : vector<16xi32> -> vector<16xf32>
          %and3A_246 = arith.constant -65536 : i32
          %and3A_247 = vector.broadcast %and3A_246 : i32 to vector<16xi32>
          %and3A_248 = arith.andi %gather3A, %and3A_247 : vector<16xi32>
          %bitcast_convert_type3A_249 = tpu.bitcast %and3A_248 : vector<16xi32> -> vector<16xf32>
          %and3A_250 = arith.constant -65536 : i32
          %and3A_251 = vector.broadcast %and3A_250 : i32 to vector<16xi32>
          %and3A_252 = arith.andi %gather3A_237, %and3A_251 : vector<16xi32>
          %bitcast_convert_type3A_253 = tpu.bitcast %and3A_252 : vector<16xi32> -> vector<16xf32>
          %shift_left3A_254 = arith.constant 16 : i32
          %shift_left3A_255 = vector.broadcast %shift_left3A_254 : i32 to vector<16xi32>
          %shift_left3A_256 = arith.shli %gather3A_238, %shift_left3A_255 : vector<16xi32>
          %bitcast_convert_type3A_257 = tpu.bitcast %shift_left3A_256 : vector<16xi32> -> vector<16xf32>
          %shift_left3A_258 = arith.constant 16 : i32
          %shift_left3A_259 = vector.broadcast %shift_left3A_258 : i32 to vector<16xi32>
          %shift_left3A_260 = arith.shli %gather3A_239, %shift_left3A_259 : vector<16xi32>
          %bitcast_convert_type3A_261 = tpu.bitcast %shift_left3A_260 : vector<16xi32> -> vector<16xf32>
          %and3A_262 = arith.constant -65536 : i32
          %and3A_263 = vector.broadcast %and3A_262 : i32 to vector<16xi32>
          %and3A_264 = arith.andi %gather3A_238, %and3A_263 : vector<16xi32>
          %bitcast_convert_type3A_265 = tpu.bitcast %and3A_264 : vector<16xi32> -> vector<16xf32>
          %and3A_266 = arith.constant -65536 : i32
          %and3A_267 = vector.broadcast %and3A_266 : i32 to vector<16xi32>
          %and3A_268 = arith.andi %gather3A_239, %and3A_267 : vector<16xi32>
          %bitcast_convert_type3A_269 = tpu.bitcast %and3A_268 : vector<16xi32> -> vector<16xf32>
          %mul3A_270 = arith.mulf %bitcast_convert_type3A, %bitcast_convert_type3A_245 : vector<16xf32>
          %add3A_271 = arith.addf %scan3A_225, %mul3A_270 : vector<16xf32>
          %mul3A_272 = arith.mulf %bitcast_convert_type3A_257, %bitcast_convert_type3A_261 : vector<16xf32>
          %add3A_273 = arith.addf %scan3A_226, %mul3A_272 : vector<16xf32>
          %mul3A_274 = arith.mulf %bitcast_convert_type3A_249, %bitcast_convert_type3A_253 : vector<16xf32>
          %add3A_275 = arith.addf %scan3A_227, %mul3A_274 : vector<16xf32>
          %mul3A_276 = arith.mulf %bitcast_convert_type3A_265, %bitcast_convert_type3A_269 : vector<16xf32>
          %add3A_277 = arith.addf %scan3A_228, %mul3A_276 : vector<16xf32>
          %scan3A_278 = arith.constant 1 : i32
          %scan3A_279 = arith.addi %scan3A_224, %scan3A_278 : i32
          %mul3A_280 = arith.constant 2 : i32
          %mul3A_281 = arith.muli %scan3A_279, %mul3A_280 : i32
          %add3A_282 = vector.broadcast %mul3A_281 : i32 to vector<16xi32>
          %add3A_283 = arith.addi %iota3A, %add3A_282 : vector<16xi32>
          %and3A_284 = arith.constant 63 : i32
          %and3A_285 = vector.broadcast %and3A_284 : i32 to vector<16xi32>
          %and3A_286 = arith.andi %add3A_283, %and3A_285 : vector<16xi32>
          %xor3A_287 = arith.constant 1 : i32
          %xor3A_288 = vector.broadcast %xor3A_287 : i32 to vector<16xi32>
          %xor3A_289 = arith.xori %and3A_286, %xor3A_288 : vector<16xi32>
          %gather3A_290 = tpu.vector_load_idx %arg11[%add3A_195, %and3A_286] : memref<320x64xi32, #tpu.memory_space<vmem>>[vector<16xi32>, vector<16xi32>], vector<16xi32>,
          %gather3A_291 = tpu.vector_load_idx %arg13[%add3A_195, %and3A_286] : memref<320x64xi32, #tpu.memory_space<vmem>>[vector<16xi32>, vector<16xi32>], vector<16xi32>,
          %gather3A_292 = tpu.vector_load_idx %arg11[%add3A_195, %xor3A_289] : memref<320x64xi32, #tpu.memory_space<vmem>>[vector<16xi32>, vector<16xi32>], vector<16xi32>,
          %gather3A_293 = tpu.vector_load_idx %arg13[%add3A_195, %xor3A_289] : memref<320x64xi32, #tpu.memory_space<vmem>>[vector<16xi32>, vector<16xi32>], vector<16xi32>,
          %shift_left3A_294 = arith.constant 16 : i32
          %shift_left3A_295 = vector.broadcast %shift_left3A_294 : i32 to vector<16xi32>
          %shift_left3A_296 = arith.shli %gather3A_290, %shift_left3A_295 : vector<16xi32>
          %bitcast_convert_type3A_297 = tpu.bitcast %shift_left3A_296 : vector<16xi32> -> vector<16xf32>
          %shift_left3A_298 = arith.constant 16 : i32
          %shift_left3A_299 = vector.broadcast %shift_left3A_298 : i32 to vector<16xi32>
          %shift_left3A_300 = arith.shli %gather3A_291, %shift_left3A_299 : vector<16xi32>
          %bitcast_convert_type3A_301 = tpu.bitcast %shift_left3A_300 : vector<16xi32> -> vector<16xf32>
          %and3A_302 = arith.constant -65536 : i32
          %and3A_303 = vector.broadcast %and3A_302 : i32 to vector<16xi32>
          %and3A_304 = arith.andi %gather3A_290, %and3A_303 : vector<16xi32>
          %bitcast_convert_type3A_305 = tpu.bitcast %and3A_304 : vector<16xi32> -> vector<16xf32>
          %and3A_306 = arith.constant -65536 : i32
          %and3A_307 = vector.broadcast %and3A_306 : i32 to vector<16xi32>
          %and3A_308 = arith.andi %gather3A_291, %and3A_307 : vector<16xi32>
          %bitcast_convert_type3A_309 = tpu.bitcast %and3A_308 : vector<16xi32> -> vector<16xf32>
          %shift_left3A_310 = arith.constant 16 : i32
          %shift_left3A_311 = vector.broadcast %shift_left3A_310 : i32 to vector<16xi32>
          %shift_left3A_312 = arith.shli %gather3A_292, %shift_left3A_311 : vector<16xi32>
          %bitcast_convert_type3A_313 = tpu.bitcast %shift_left3A_312 : vector<16xi32> -> vector<16xf32>
          %shift_left3A_314 = arith.constant 16 : i32
          %shift_left3A_315 = vector.broadcast %shift_left3A_314 : i32 to vector<16xi32>
          %shift_left3A_316 = arith.shli %gather3A_293, %shift_left3A_315 : vector<16xi32>
          %bitcast_convert_type3A_317 = tpu.bitcast %shift_left3A_316 : vector<16xi32> -> vector<16xf32>
          %and3A_318 = arith.constant -65536 : i32
          %and3A_319 = vector.broadcast %and3A_318 : i32 to vector<16xi32>
          %and3A_320 = arith.andi %gather3A_292, %and3A_319 : vector<16xi32>
          %bitcast_convert_type3A_321 = tpu.bitcast %and3A_320 : vector<16xi32> -> vector<16xf32>
          %and3A_322 = arith.constant -65536 : i32
          %and3A_323 = vector.broadcast %and3A_322 : i32 to vector<16xi32>
          %and3A_324 = arith.andi %gather3A_293, %and3A_323 : vector<16xi32>
          %bitcast_convert_type3A_325 = tpu.bitcast %and3A_324 : vector<16xi32> -> vector<16xf32>
          %mul3A_326 = arith.mulf %bitcast_convert_type3A_297, %bitcast_convert_type3A_301 : vector<16xf32>
          %add3A_327 = arith.addf %add3A_271, %mul3A_326 : vector<16xf32>
          %mul3A_328 = arith.mulf %bitcast_convert_type3A_313, %bitcast_convert_type3A_317 : vector<16xf32>
          %add3A_329 = arith.addf %add3A_273, %mul3A_328 : vector<16xf32>
          %mul3A_330 = arith.mulf %bitcast_convert_type3A_305, %bitcast_convert_type3A_309 : vector<16xf32>
          %add3A_331 = arith.addf %add3A_275, %mul3A_330 : vector<16xf32>
          %mul3A_332 = arith.mulf %bitcast_convert_type3A_321, %bitcast_convert_type3A_325 : vector<16xf32>
          %add3A_333 = arith.addf %add3A_277, %mul3A_332 : vector<16xf32>
          %scan3A_334 = arith.constant 2 : i32
          %scan3A_335 = arith.addi %scan3A_224, %scan3A_334 : i32
          %mul3A_336 = arith.constant 2 : i32
          %mul3A_337 = arith.muli %scan3A_335, %mul3A_336 : i32
          %add3A_338 = vector.broadcast %mul3A_337 : i32 to vector<16xi32>
          %add3A_339 = arith.addi %iota3A, %add3A_338 : vector<16xi32>
          %and3A_340 = arith.constant 63 : i32
          %and3A_341 = vector.broadcast %and3A_340 : i32 to vector<16xi32>
          %and3A_342 = arith.andi %add3A_339, %and3A_341 : vector<16xi32>
          %xor3A_343 = arith.constant 1 : i32
          %xor3A_344 = vector.broadcast %xor3A_343 : i32 to vector<16xi32>
          %xor3A_345 = arith.xori %and3A_342, %xor3A_344 : vector<16xi32>
          %gather3A_346 = tpu.vector_load_idx %arg11[%add3A_195, %and3A_342] : memref<320x64xi32, #tpu.memory_space<vmem>>[vector<16xi32>, vector<16xi32>], vector<16xi32>,
          %gather3A_347 = tpu.vector_load_idx %arg13[%add3A_195, %and3A_342] : memref<320x64xi32, #tpu.memory_space<vmem>>[vector<16xi32>, vector<16xi32>], vector<16xi32>,
          %gather3A_348 = tpu.vector_load_idx %arg11[%add3A_195, %xor3A_345] : memref<320x64xi32, #tpu.memory_space<vmem>>[vector<16xi32>, vector<16xi32>], vector<16xi32>,
          %gather3A_349 = tpu.vector_load_idx %arg13[%add3A_195, %xor3A_345] : memref<320x64xi32, #tpu.memory_space<vmem>>[vector<16xi32>, vector<16xi32>], vector<16xi32>,
          %shift_left3A_350 = arith.constant 16 : i32
          %shift_left3A_351 = vector.broadcast %shift_left3A_350 : i32 to vector<16xi32>
          %shift_left3A_352 = arith.shli %gather3A_346, %shift_left3A_351 : vector<16xi32>
          %bitcast_convert_type3A_353 = tpu.bitcast %shift_left3A_352 : vector<16xi32> -> vector<16xf32>
          %shift_left3A_354 = arith.constant 16 : i32
          %shift_left3A_355 = vector.broadcast %shift_left3A_354 : i32 to vector<16xi32>
          %shift_left3A_356 = arith.shli %gather3A_347, %shift_left3A_355 : vector<16xi32>
          %bitcast_convert_type3A_357 = tpu.bitcast %shift_left3A_356 : vector<16xi32> -> vector<16xf32>
          %and3A_358 = arith.constant -65536 : i32
          %and3A_359 = vector.broadcast %and3A_358 : i32 to vector<16xi32>
          %and3A_360 = arith.andi %gather3A_346, %and3A_359 : vector<16xi32>
          %bitcast_convert_type3A_361 = tpu.bitcast %and3A_360 : vector<16xi32> -> vector<16xf32>
          %and3A_362 = arith.constant -65536 : i32
          %and3A_363 = vector.broadcast %and3A_362 : i32 to vector<16xi32>
          %and3A_364 = arith.andi %gather3A_347, %and3A_363 : vector<16xi32>
          %bitcast_convert_type3A_365 = tpu.bitcast %and3A_364 : vector<16xi32> -> vector<16xf32>
          %shift_left3A_366 = arith.constant 16 : i32
          %shift_left3A_367 = vector.broadcast %shift_left3A_366 : i32 to vector<16xi32>
          %shift_left3A_368 = arith.shli %gather3A_348, %shift_left3A_367 : vector<16xi32>
          %bitcast_convert_type3A_369 = tpu.bitcast %shift_left3A_368 : vector<16xi32> -> vector<16xf32>
          %shift_left3A_370 = arith.constant 16 : i32
          %shift_left3A_371 = vector.broadcast %shift_left3A_370 : i32 to vector<16xi32>
          %shift_left3A_372 = arith.shli %gather3A_349, %shift_left3A_371 : vector<16xi32>
          %bitcast_convert_type3A_373 = tpu.bitcast %shift_left3A_372 : vector<16xi32> -> vector<16xf32>
          %and3A_374 = arith.constant -65536 : i32
          %and3A_375 = vector.broadcast %and3A_374 : i32 to vector<16xi32>
          %and3A_376 = arith.andi %gather3A_348, %and3A_375 : vector<16xi32>
          %bitcast_convert_type3A_377 = tpu.bitcast %and3A_376 : vector<16xi32> -> vector<16xf32>
          %and3A_378 = arith.constant -65536 : i32
          %and3A_379 = vector.broadcast %and3A_378 : i32 to vector<16xi32>
          %and3A_380 = arith.andi %gather3A_349, %and3A_379 : vector<16xi32>
          %bitcast_convert_type3A_381 = tpu.bitcast %and3A_380 : vector<16xi32> -> vector<16xf32>
          %mul3A_382 = arith.mulf %bitcast_convert_type3A_353, %bitcast_convert_type3A_357 : vector<16xf32>
          %add3A_383 = arith.addf %add3A_327, %mul3A_382 : vector<16xf32>
          %mul3A_384 = arith.mulf %bitcast_convert_type3A_369, %bitcast_convert_type3A_373 : vector<16xf32>
          %add3A_385 = arith.addf %add3A_329, %mul3A_384 : vector<16xf32>
          %mul3A_386 = arith.mulf %bitcast_convert_type3A_361, %bitcast_convert_type3A_365 : vector<16xf32>
          %add3A_387 = arith.addf %add3A_331, %mul3A_386 : vector<16xf32>
          %mul3A_388 = arith.mulf %bitcast_convert_type3A_377, %bitcast_convert_type3A_381 : vector<16xf32>
          %add3A_389 = arith.addf %add3A_333, %mul3A_388 : vector<16xf32>
          %scan3A_390 = arith.constant 3 : i32
          %scan3A_391 = arith.addi %scan3A_224, %scan3A_390 : i32
          %mul3A_392 = arith.constant 2 : i32
          %mul3A_393 = arith.muli %scan3A_391, %mul3A_392 : i32
          %add3A_394 = vector.broadcast %mul3A_393 : i32 to vector<16xi32>
          %add3A_395 = arith.addi %iota3A, %add3A_394 : vector<16xi32>
          %and3A_396 = arith.constant 63 : i32
          %and3A_397 = vector.broadcast %and3A_396 : i32 to vector<16xi32>
          %and3A_398 = arith.andi %add3A_395, %and3A_397 : vector<16xi32>
          %xor3A_399 = arith.constant 1 : i32
          %xor3A_400 = vector.broadcast %xor3A_399 : i32 to vector<16xi32>
          %xor3A_401 = arith.xori %and3A_398, %xor3A_400 : vector<16xi32>
          %gather3A_402 = tpu.vector_load_idx %arg11[%add3A_195, %and3A_398] : memref<320x64xi32, #tpu.memory_space<vmem>>[vector<16xi32>, vector<16xi32>], vector<16xi32>,
          %gather3A_403 = tpu.vector_load_idx %arg13[%add3A_195, %and3A_398] : memref<320x64xi32, #tpu.memory_space<vmem>>[vector<16xi32>, vector<16xi32>], vector<16xi32>,
          %gather3A_404 = tpu.vector_load_idx %arg11[%add3A_195, %xor3A_401] : memref<320x64xi32, #tpu.memory_space<vmem>>[vector<16xi32>, vector<16xi32>], vector<16xi32>,
          %gather3A_405 = tpu.vector_load_idx %arg13[%add3A_195, %xor3A_401] : memref<320x64xi32, #tpu.memory_space<vmem>>[vector<16xi32>, vector<16xi32>], vector<16xi32>,
          %shift_left3A_406 = arith.constant 16 : i32
          %shift_left3A_407 = vector.broadcast %shift_left3A_406 : i32 to vector<16xi32>
          %shift_left3A_408 = arith.shli %gather3A_402, %shift_left3A_407 : vector<16xi32>
          %bitcast_convert_type3A_409 = tpu.bitcast %shift_left3A_408 : vector<16xi32> -> vector<16xf32>
          %shift_left3A_410 = arith.constant 16 : i32
          %shift_left3A_411 = vector.broadcast %shift_left3A_410 : i32 to vector<16xi32>
          %shift_left3A_412 = arith.shli %gather3A_403, %shift_left3A_411 : vector<16xi32>
          %bitcast_convert_type3A_413 = tpu.bitcast %shift_left3A_412 : vector<16xi32> -> vector<16xf32>
          %and3A_414 = arith.constant -65536 : i32
          %and3A_415 = vector.broadcast %and3A_414 : i32 to vector<16xi32>
          %and3A_416 = arith.andi %gather3A_402, %and3A_415 : vector<16xi32>
          %bitcast_convert_type3A_417 = tpu.bitcast %and3A_416 : vector<16xi32> -> vector<16xf32>
          %and3A_418 = arith.constant -65536 : i32
          %and3A_419 = vector.broadcast %and3A_418 : i32 to vector<16xi32>
          %and3A_420 = arith.andi %gather3A_403, %and3A_419 : vector<16xi32>
          %bitcast_convert_type3A_421 = tpu.bitcast %and3A_420 : vector<16xi32> -> vector<16xf32>
          %shift_left3A_422 = arith.constant 16 : i32
          %shift_left3A_423 = vector.broadcast %shift_left3A_422 : i32 to vector<16xi32>
          %shift_left3A_424 = arith.shli %gather3A_404, %shift_left3A_423 : vector<16xi32>
          %bitcast_convert_type3A_425 = tpu.bitcast %shift_left3A_424 : vector<16xi32> -> vector<16xf32>
          %shift_left3A_426 = arith.constant 16 : i32
          %shift_left3A_427 = vector.broadcast %shift_left3A_426 : i32 to vector<16xi32>
          %shift_left3A_428 = arith.shli %gather3A_405, %shift_left3A_427 : vector<16xi32>
          %bitcast_convert_type3A_429 = tpu.bitcast %shift_left3A_428 : vector<16xi32> -> vector<16xf32>
          %and3A_430 = arith.constant -65536 : i32
          %and3A_431 = vector.broadcast %and3A_430 : i32 to vector<16xi32>
          %and3A_432 = arith.andi %gather3A_404, %and3A_431 : vector<16xi32>
          %bitcast_convert_type3A_433 = tpu.bitcast %and3A_432 : vector<16xi32> -> vector<16xf32>
          %and3A_434 = arith.constant -65536 : i32
          %and3A_435 = vector.broadcast %and3A_434 : i32 to vector<16xi32>
          %and3A_436 = arith.andi %gather3A_405, %and3A_435 : vector<16xi32>
          %bitcast_convert_type3A_437 = tpu.bitcast %and3A_436 : vector<16xi32> -> vector<16xf32>
          %mul3A_438 = arith.mulf %bitcast_convert_type3A_409, %bitcast_convert_type3A_413 : vector<16xf32>
          %add3A_439 = arith.addf %add3A_383, %mul3A_438 : vector<16xf32>
          %mul3A_440 = arith.mulf %bitcast_convert_type3A_425, %bitcast_convert_type3A_429 : vector<16xf32>
          %add3A_441 = arith.addf %add3A_385, %mul3A_440 : vector<16xf32>
          %mul3A_442 = arith.mulf %bitcast_convert_type3A_417, %bitcast_convert_type3A_421 : vector<16xf32>
          %add3A_443 = arith.addf %add3A_387, %mul3A_442 : vector<16xf32>
          %mul3A_444 = arith.mulf %bitcast_convert_type3A_433, %bitcast_convert_type3A_437 : vector<16xf32>
          %add3A_445 = arith.addf %add3A_389, %mul3A_444 : vector<16xf32>
          %scan3A_446 = arith.constant 4 : i32
          %scan3A_447 = arith.addi %scan3A_224, %scan3A_446 : i32
          %mul3A_448 = arith.constant 2 : i32
          %mul3A_449 = arith.muli %scan3A_447, %mul3A_448 : i32
          %add3A_450 = vector.broadcast %mul3A_449 : i32 to vector<16xi32>
          %add3A_451 = arith.addi %iota3A, %add3A_450 : vector<16xi32>
          %and3A_452 = arith.constant 63 : i32
          %and3A_453 = vector.broadcast %and3A_452 : i32 to vector<16xi32>
          %and3A_454 = arith.andi %add3A_451, %and3A_453 : vector<16xi32>
          %xor3A_455 = arith.constant 1 : i32
          %xor3A_456 = vector.broadcast %xor3A_455 : i32 to vector<16xi32>
          %xor3A_457 = arith.xori %and3A_454, %xor3A_456 : vector<16xi32>
          %gather3A_458 = tpu.vector_load_idx %arg11[%add3A_195, %and3A_454] : memref<320x64xi32, #tpu.memory_space<vmem>>[vector<16xi32>, vector<16xi32>], vector<16xi32>,
          %gather3A_459 = tpu.vector_load_idx %arg13[%add3A_195, %and3A_454] : memref<320x64xi32, #tpu.memory_space<vmem>>[vector<16xi32>, vector<16xi32>], vector<16xi32>,
          %gather3A_460 = tpu.vector_load_idx %arg11[%add3A_195, %xor3A_457] : memref<320x64xi32, #tpu.memory_space<vmem>>[vector<16xi32>, vector<16xi32>], vector<16xi32>,
          %gather3A_461 = tpu.vector_load_idx %arg13[%add3A_195, %xor3A_457] : memref<320x64xi32, #tpu.memory_space<vmem>>[vector<16xi32>, vector<16xi32>], vector<16xi32>,
          %shift_left3A_462 = arith.constant 16 : i32
          %shift_left3A_463 = vector.broadcast %shift_left3A_462 : i32 to vector<16xi32>
          %shift_left3A_464 = arith.shli %gather3A_458, %shift_left3A_463 : vector<16xi32>
          %bitcast_convert_type3A_465 = tpu.bitcast %shift_left3A_464 : vector<16xi32> -> vector<16xf32>
          %shift_left3A_466 = arith.constant 16 : i32
          %shift_left3A_467 = vector.broadcast %shift_left3A_466 : i32 to vector<16xi32>
          %shift_left3A_468 = arith.shli %gather3A_459, %shift_left3A_467 : vector<16xi32>
          %bitcast_convert_type3A_469 = tpu.bitcast %shift_left3A_468 : vector<16xi32> -> vector<16xf32>
          %and3A_470 = arith.constant -65536 : i32
          %and3A_471 = vector.broadcast %and3A_470 : i32 to vector<16xi32>
          %and3A_472 = arith.andi %gather3A_458, %and3A_471 : vector<16xi32>
          %bitcast_convert_type3A_473 = tpu.bitcast %and3A_472 : vector<16xi32> -> vector<16xf32>
          %and3A_474 = arith.constant -65536 : i32
          %and3A_475 = vector.broadcast %and3A_474 : i32 to vector<16xi32>
          %and3A_476 = arith.andi %gather3A_459, %and3A_475 : vector<16xi32>
          %bitcast_convert_type3A_477 = tpu.bitcast %and3A_476 : vector<16xi32> -> vector<16xf32>
          %shift_left3A_478 = arith.constant 16 : i32
          %shift_left3A_479 = vector.broadcast %shift_left3A_478 : i32 to vector<16xi32>
          %shift_left3A_480 = arith.shli %gather3A_460, %shift_left3A_479 : vector<16xi32>
          %bitcast_convert_type3A_481 = tpu.bitcast %shift_left3A_480 : vector<16xi32> -> vector<16xf32>
          %shift_left3A_482 = arith.constant 16 : i32
          %shift_left3A_483 = vector.broadcast %shift_left3A_482 : i32 to vector<16xi32>
          %shift_left3A_484 = arith.shli %gather3A_461, %shift_left3A_483 : vector<16xi32>
          %bitcast_convert_type3A_485 = tpu.bitcast %shift_left3A_484 : vector<16xi32> -> vector<16xf32>
          %and3A_486 = arith.constant -65536 : i32
          %and3A_487 = vector.broadcast %and3A_486 : i32 to vector<16xi32>
          %and3A_488 = arith.andi %gather3A_460, %and3A_487 : vector<16xi32>
          %bitcast_convert_type3A_489 = tpu.bitcast %and3A_488 : vector<16xi32> -> vector<16xf32>
          %and3A_490 = arith.constant -65536 : i32
          %and3A_491 = vector.broadcast %and3A_490 : i32 to vector<16xi32>
          %and3A_492 = arith.andi %gather3A_461, %and3A_491 : vector<16xi32>
          %bitcast_convert_type3A_493 = tpu.bitcast %and3A_492 : vector<16xi32> -> vector<16xf32>
          %mul3A_494 = arith.mulf %bitcast_convert_type3A_465, %bitcast_convert_type3A_469 : vector<16xf32>
          %add3A_495 = arith.addf %add3A_439, %mul3A_494 : vector<16xf32>
          %mul3A_496 = arith.mulf %bitcast_convert_type3A_481, %bitcast_convert_type3A_485 : vector<16xf32>
          %add3A_497 = arith.addf %add3A_441, %mul3A_496 : vector<16xf32>
          %mul3A_498 = arith.mulf %bitcast_convert_type3A_473, %bitcast_convert_type3A_477 : vector<16xf32>
          %add3A_499 = arith.addf %add3A_443, %mul3A_498 : vector<16xf32>
          %mul3A_500 = arith.mulf %bitcast_convert_type3A_489, %bitcast_convert_type3A_493 : vector<16xf32>
          %add3A_501 = arith.addf %add3A_445, %mul3A_500 : vector<16xf32>
          %scan3A_502 = arith.constant 5 : i32
          %scan3A_503 = arith.addi %scan3A_224, %scan3A_502 : i32
          %mul3A_504 = arith.constant 2 : i32
          %mul3A_505 = arith.muli %scan3A_503, %mul3A_504 : i32
          %add3A_506 = vector.broadcast %mul3A_505 : i32 to vector<16xi32>
          %add3A_507 = arith.addi %iota3A, %add3A_506 : vector<16xi32>
          %and3A_508 = arith.constant 63 : i32
          %and3A_509 = vector.broadcast %and3A_508 : i32 to vector<16xi32>
          %and3A_510 = arith.andi %add3A_507, %and3A_509 : vector<16xi32>
          %xor3A_511 = arith.constant 1 : i32
          %xor3A_512 = vector.broadcast %xor3A_511 : i32 to vector<16xi32>
          %xor3A_513 = arith.xori %and3A_510, %xor3A_512 : vector<16xi32>
          %gather3A_514 = tpu.vector_load_idx %arg11[%add3A_195, %and3A_510] : memref<320x64xi32, #tpu.memory_space<vmem>>[vector<16xi32>, vector<16xi32>], vector<16xi32>,
          %gather3A_515 = tpu.vector_load_idx %arg13[%add3A_195, %and3A_510] : memref<320x64xi32, #tpu.memory_space<vmem>>[vector<16xi32>, vector<16xi32>], vector<16xi32>,
          %gather3A_516 = tpu.vector_load_idx %arg11[%add3A_195, %xor3A_513] : memref<320x64xi32, #tpu.memory_space<vmem>>[vector<16xi32>, vector<16xi32>], vector<16xi32>,
          %gather3A_517 = tpu.vector_load_idx %arg13[%add3A_195, %xor3A_513] : memref<320x64xi32, #tpu.memory_space<vmem>>[vector<16xi32>, vector<16xi32>], vector<16xi32>,
          %shift_left3A_518 = arith.constant 16 : i32
          %shift_left3A_519 = vector.broadcast %shift_left3A_518 : i32 to vector<16xi32>
          %shift_left3A_520 = arith.shli %gather3A_514, %shift_left3A_519 : vector<16xi32>
          %bitcast_convert_type3A_521 = tpu.bitcast %shift_left3A_520 : vector<16xi32> -> vector<16xf32>
          %shift_left3A_522 = arith.constant 16 : i32
          %shift_left3A_523 = vector.broadcast %shift_left3A_522 : i32 to vector<16xi32>
          %shift_left3A_524 = arith.shli %gather3A_515, %shift_left3A_523 : vector<16xi32>
          %bitcast_convert_type3A_525 = tpu.bitcast %shift_left3A_524 : vector<16xi32> -> vector<16xf32>
          %and3A_526 = arith.constant -65536 : i32
          %and3A_527 = vector.broadcast %and3A_526 : i32 to vector<16xi32>
          %and3A_528 = arith.andi %gather3A_514, %and3A_527 : vector<16xi32>
          %bitcast_convert_type3A_529 = tpu.bitcast %and3A_528 : vector<16xi32> -> vector<16xf32>
          %and3A_530 = arith.constant -65536 : i32
          %and3A_531 = vector.broadcast %and3A_530 : i32 to vector<16xi32>
          %and3A_532 = arith.andi %gather3A_515, %and3A_531 : vector<16xi32>
          %bitcast_convert_type3A_533 = tpu.bitcast %and3A_532 : vector<16xi32> -> vector<16xf32>
          %shift_left3A_534 = arith.constant 16 : i32
          %shift_left3A_535 = vector.broadcast %shift_left3A_534 : i32 to vector<16xi32>
          %shift_left3A_536 = arith.shli %gather3A_516, %shift_left3A_535 : vector<16xi32>
          %bitcast_convert_type3A_537 = tpu.bitcast %shift_left3A_536 : vector<16xi32> -> vector<16xf32>
          %shift_left3A_538 = arith.constant 16 : i32
          %shift_left3A_539 = vector.broadcast %shift_left3A_538 : i32 to vector<16xi32>
          %shift_left3A_540 = arith.shli %gather3A_517, %shift_left3A_539 : vector<16xi32>
          %bitcast_convert_type3A_541 = tpu.bitcast %shift_left3A_540 : vector<16xi32> -> vector<16xf32>
          %and3A_542 = arith.constant -65536 : i32
          %and3A_543 = vector.broadcast %and3A_542 : i32 to vector<16xi32>
          %and3A_544 = arith.andi %gather3A_516, %and3A_543 : vector<16xi32>
          %bitcast_convert_type3A_545 = tpu.bitcast %and3A_544 : vector<16xi32> -> vector<16xf32>
          %and3A_546 = arith.constant -65536 : i32
          %and3A_547 = vector.broadcast %and3A_546 : i32 to vector<16xi32>
          %and3A_548 = arith.andi %gather3A_517, %and3A_547 : vector<16xi32>
          %bitcast_convert_type3A_549 = tpu.bitcast %and3A_548 : vector<16xi32> -> vector<16xf32>
          %mul3A_550 = arith.mulf %bitcast_convert_type3A_521, %bitcast_convert_type3A_525 : vector<16xf32>
          %add3A_551 = arith.addf %add3A_495, %mul3A_550 : vector<16xf32>
          %mul3A_552 = arith.mulf %bitcast_convert_type3A_537, %bitcast_convert_type3A_541 : vector<16xf32>
          %add3A_553 = arith.addf %add3A_497, %mul3A_552 : vector<16xf32>
          %mul3A_554 = arith.mulf %bitcast_convert_type3A_529, %bitcast_convert_type3A_533 : vector<16xf32>
          %add3A_555 = arith.addf %add3A_499, %mul3A_554 : vector<16xf32>
          %mul3A_556 = arith.mulf %bitcast_convert_type3A_545, %bitcast_convert_type3A_549 : vector<16xf32>
          %add3A_557 = arith.addf %add3A_501, %mul3A_556 : vector<16xf32>
          %scan3A_558 = arith.constant 6 : i32
          %scan3A_559 = arith.addi %scan3A_224, %scan3A_558 : i32
          %mul3A_560 = arith.constant 2 : i32
          %mul3A_561 = arith.muli %scan3A_559, %mul3A_560 : i32
          %add3A_562 = vector.broadcast %mul3A_561 : i32 to vector<16xi32>
          %add3A_563 = arith.addi %iota3A, %add3A_562 : vector<16xi32>
          %and3A_564 = arith.constant 63 : i32
          %and3A_565 = vector.broadcast %and3A_564 : i32 to vector<16xi32>
          %and3A_566 = arith.andi %add3A_563, %and3A_565 : vector<16xi32>
          %xor3A_567 = arith.constant 1 : i32
          %xor3A_568 = vector.broadcast %xor3A_567 : i32 to vector<16xi32>
          %xor3A_569 = arith.xori %and3A_566, %xor3A_568 : vector<16xi32>
          %gather3A_570 = tpu.vector_load_idx %arg11[%add3A_195, %and3A_566] : memref<320x64xi32, #tpu.memory_space<vmem>>[vector<16xi32>, vector<16xi32>], vector<16xi32>,
          %gather3A_571 = tpu.vector_load_idx %arg13[%add3A_195, %and3A_566] : memref<320x64xi32, #tpu.memory_space<vmem>>[vector<16xi32>, vector<16xi32>], vector<16xi32>,
          %gather3A_572 = tpu.vector_load_idx %arg11[%add3A_195, %xor3A_569] : memref<320x64xi32, #tpu.memory_space<vmem>>[vector<16xi32>, vector<16xi32>], vector<16xi32>,
          %gather3A_573 = tpu.vector_load_idx %arg13[%add3A_195, %xor3A_569] : memref<320x64xi32, #tpu.memory_space<vmem>>[vector<16xi32>, vector<16xi32>], vector<16xi32>,
          %shift_left3A_574 = arith.constant 16 : i32
          %shift_left3A_575 = vector.broadcast %shift_left3A_574 : i32 to vector<16xi32>
          %shift_left3A_576 = arith.shli %gather3A_570, %shift_left3A_575 : vector<16xi32>
          %bitcast_convert_type3A_577 = tpu.bitcast %shift_left3A_576 : vector<16xi32> -> vector<16xf32>
          %shift_left3A_578 = arith.constant 16 : i32
          %shift_left3A_579 = vector.broadcast %shift_left3A_578 : i32 to vector<16xi32>
          %shift_left3A_580 = arith.shli %gather3A_571, %shift_left3A_579 : vector<16xi32>
          %bitcast_convert_type3A_581 = tpu.bitcast %shift_left3A_580 : vector<16xi32> -> vector<16xf32>
          %and3A_582 = arith.constant -65536 : i32
          %and3A_583 = vector.broadcast %and3A_582 : i32 to vector<16xi32>
          %and3A_584 = arith.andi %gather3A_570, %and3A_583 : vector<16xi32>
          %bitcast_convert_type3A_585 = tpu.bitcast %and3A_584 : vector<16xi32> -> vector<16xf32>
          %and3A_586 = arith.constant -65536 : i32
          %and3A_587 = vector.broadcast %and3A_586 : i32 to vector<16xi32>
          %and3A_588 = arith.andi %gather3A_571, %and3A_587 : vector<16xi32>
          %bitcast_convert_type3A_589 = tpu.bitcast %and3A_588 : vector<16xi32> -> vector<16xf32>
          %shift_left3A_590 = arith.constant 16 : i32
          %shift_left3A_591 = vector.broadcast %shift_left3A_590 : i32 to vector<16xi32>
          %shift_left3A_592 = arith.shli %gather3A_572, %shift_left3A_591 : vector<16xi32>
          %bitcast_convert_type3A_593 = tpu.bitcast %shift_left3A_592 : vector<16xi32> -> vector<16xf32>
          %shift_left3A_594 = arith.constant 16 : i32
          %shift_left3A_595 = vector.broadcast %shift_left3A_594 : i32 to vector<16xi32>
          %shift_left3A_596 = arith.shli %gather3A_573, %shift_left3A_595 : vector<16xi32>
          %bitcast_convert_type3A_597 = tpu.bitcast %shift_left3A_596 : vector<16xi32> -> vector<16xf32>
          %and3A_598 = arith.constant -65536 : i32
          %and3A_599 = vector.broadcast %and3A_598 : i32 to vector<16xi32>
          %and3A_600 = arith.andi %gather3A_572, %and3A_599 : vector<16xi32>
          %bitcast_convert_type3A_601 = tpu.bitcast %and3A_600 : vector<16xi32> -> vector<16xf32>
          %and3A_602 = arith.constant -65536 : i32
          %and3A_603 = vector.broadcast %and3A_602 : i32 to vector<16xi32>
          %and3A_604 = arith.andi %gather3A_573, %and3A_603 : vector<16xi32>
          %bitcast_convert_type3A_605 = tpu.bitcast %and3A_604 : vector<16xi32> -> vector<16xf32>
          %mul3A_606 = arith.mulf %bitcast_convert_type3A_577, %bitcast_convert_type3A_581 : vector<16xf32>
          %add3A_607 = arith.addf %add3A_551, %mul3A_606 : vector<16xf32>
          %mul3A_608 = arith.mulf %bitcast_convert_type3A_593, %bitcast_convert_type3A_597 : vector<16xf32>
          %add3A_609 = arith.addf %add3A_553, %mul3A_608 : vector<16xf32>
          %mul3A_610 = arith.mulf %bitcast_convert_type3A_585, %bitcast_convert_type3A_589 : vector<16xf32>
          %add3A_611 = arith.addf %add3A_555, %mul3A_610 : vector<16xf32>
          %mul3A_612 = arith.mulf %bitcast_convert_type3A_601, %bitcast_convert_type3A_605 : vector<16xf32>
          %add3A_613 = arith.addf %add3A_557, %mul3A_612 : vector<16xf32>
          %scan3A_614 = arith.constant 7 : i32
          %scan3A_615 = arith.addi %scan3A_224, %scan3A_614 : i32
          %mul3A_616 = arith.constant 2 : i32
          %mul3A_617 = arith.muli %scan3A_615, %mul3A_616 : i32
          %add3A_618 = vector.broadcast %mul3A_617 : i32 to vector<16xi32>
          %add3A_619 = arith.addi %iota3A, %add3A_618 : vector<16xi32>
          %and3A_620 = arith.constant 63 : i32
          %and3A_621 = vector.broadcast %and3A_620 : i32 to vector<16xi32>
          %and3A_622 = arith.andi %add3A_619, %and3A_621 : vector<16xi32>
          %xor3A_623 = arith.constant 1 : i32
          %xor3A_624 = vector.broadcast %xor3A_623 : i32 to vector<16xi32>
          %xor3A_625 = arith.xori %and3A_622, %xor3A_624 : vector<16xi32>
          %gather3A_626 = tpu.vector_load_idx %arg11[%add3A_195, %and3A_622] : memref<320x64xi32, #tpu.memory_space<vmem>>[vector<16xi32>, vector<16xi32>], vector<16xi32>,
          %gather3A_627 = tpu.vector_load_idx %arg13[%add3A_195, %and3A_622] : memref<320x64xi32, #tpu.memory_space<vmem>>[vector<16xi32>, vector<16xi32>], vector<16xi32>,
          %gather3A_628 = tpu.vector_load_idx %arg11[%add3A_195, %xor3A_625] : memref<320x64xi32, #tpu.memory_space<vmem>>[vector<16xi32>, vector<16xi32>], vector<16xi32>,
          %gather3A_629 = tpu.vector_load_idx %arg13[%add3A_195, %xor3A_625] : memref<320x64xi32, #tpu.memory_space<vmem>>[vector<16xi32>, vector<16xi32>], vector<16xi32>,
          %shift_left3A_630 = arith.constant 16 : i32
          %shift_left3A_631 = vector.broadcast %shift_left3A_630 : i32 to vector<16xi32>
          %shift_left3A_632 = arith.shli %gather3A_626, %shift_left3A_631 : vector<16xi32>
          %bitcast_convert_type3A_633 = tpu.bitcast %shift_left3A_632 : vector<16xi32> -> vector<16xf32>
          %shift_left3A_634 = arith.constant 16 : i32
          %shift_left3A_635 = vector.broadcast %shift_left3A_634 : i32 to vector<16xi32>
          %shift_left3A_636 = arith.shli %gather3A_627, %shift_left3A_635 : vector<16xi32>
          %bitcast_convert_type3A_637 = tpu.bitcast %shift_left3A_636 : vector<16xi32> -> vector<16xf32>
          %and3A_638 = arith.constant -65536 : i32
          %and3A_639 = vector.broadcast %and3A_638 : i32 to vector<16xi32>
          %and3A_640 = arith.andi %gather3A_626, %and3A_639 : vector<16xi32>
          %bitcast_convert_type3A_641 = tpu.bitcast %and3A_640 : vector<16xi32> -> vector<16xf32>
          %and3A_642 = arith.constant -65536 : i32
          %and3A_643 = vector.broadcast %and3A_642 : i32 to vector<16xi32>
          %and3A_644 = arith.andi %gather3A_627, %and3A_643 : vector<16xi32>
          %bitcast_convert_type3A_645 = tpu.bitcast %and3A_644 : vector<16xi32> -> vector<16xf32>
          %shift_left3A_646 = arith.constant 16 : i32
          %shift_left3A_647 = vector.broadcast %shift_left3A_646 : i32 to vector<16xi32>
          %shift_left3A_648 = arith.shli %gather3A_628, %shift_left3A_647 : vector<16xi32>
          %bitcast_convert_type3A_649 = tpu.bitcast %shift_left3A_648 : vector<16xi32> -> vector<16xf32>
          %shift_left3A_650 = arith.constant 16 : i32
          %shift_left3A_651 = vector.broadcast %shift_left3A_650 : i32 to vector<16xi32>
          %shift_left3A_652 = arith.shli %gather3A_629, %shift_left3A_651 : vector<16xi32>
          %bitcast_convert_type3A_653 = tpu.bitcast %shift_left3A_652 : vector<16xi32> -> vector<16xf32>
          %and3A_654 = arith.constant -65536 : i32
          %and3A_655 = vector.broadcast %and3A_654 : i32 to vector<16xi32>
          %and3A_656 = arith.andi %gather3A_628, %and3A_655 : vector<16xi32>
          %bitcast_convert_type3A_657 = tpu.bitcast %and3A_656 : vector<16xi32> -> vector<16xf32>
          %and3A_658 = arith.constant -65536 : i32
          %and3A_659 = vector.broadcast %and3A_658 : i32 to vector<16xi32>
          %and3A_660 = arith.andi %gather3A_629, %and3A_659 : vector<16xi32>
          %bitcast_convert_type3A_661 = tpu.bitcast %and3A_660 : vector<16xi32> -> vector<16xf32>
          %mul3A_662 = arith.mulf %bitcast_convert_type3A_633, %bitcast_convert_type3A_637 : vector<16xf32>
          %add3A_663 = arith.addf %add3A_607, %mul3A_662 : vector<16xf32>
          %mul3A_664 = arith.mulf %bitcast_convert_type3A_649, %bitcast_convert_type3A_653 : vector<16xf32>
          %add3A_665 = arith.addf %add3A_609, %mul3A_664 : vector<16xf32>
          %mul3A_666 = arith.mulf %bitcast_convert_type3A_641, %bitcast_convert_type3A_645 : vector<16xf32>
          %add3A_667 = arith.addf %add3A_611, %mul3A_666 : vector<16xf32>
          %mul3A_668 = arith.mulf %bitcast_convert_type3A_657, %bitcast_convert_type3A_661 : vector<16xf32>
          %add3A_669 = arith.addf %add3A_613, %mul3A_668 : vector<16xf32>
          scf.yield %add3A_663, %add3A_665, %add3A_667, %add3A_669 : vector<16xf32>, vector<16xf32>, vector<16xf32>, vector<16xf32>
        }
        %scan3A_202 = arith.constant 32 : i32
        %add3A_203 = arith.addf %scan3A_201#0, %scan3A_201#1 : vector<16xf32>
        %add3A_204 = arith.addf %scan3A_201#2, %scan3A_201#3 : vector<16xf32>
        %add3A_205 = arith.addf %add3A_203, %add3A_204 : vector<16xf32>
        %abs3A = math.absf %add3A_205 : vector<16xf32>
        %mul3A_206 = arith.constant -2.000000e+00 : f32
        %mul3A_207 = vector.broadcast %mul3A_206 : f32 to vector<16xf32>
        %mul3A_208 = arith.mulf %abs3A, %mul3A_207 : vector<16xf32>
        %exp3A = math.exp %mul3A_208 : vector<16xf32>
        %sub3A_209 = arith.constant 1.000000e+00 : f32
        %sub3A_210 = vector.broadcast %sub3A_209 : f32 to vector<16xf32>
        %sub3A_211 = arith.subf %sub3A_210, %exp3A : vector<16xf32>
        %add3A_212 = arith.constant 1.000000e+00 : f32
        %add3A_213 = vector.broadcast %add3A_212 : f32 to vector<16xf32>
        %add3A_214 = arith.addf %add3A_213, %exp3A : vector<16xf32>
        %div3A = arith.divf %sub3A_211, %add3A_214 : vector<16xf32>
        %lt3A_215 = arith.constant 0.000000e+00 : f32
        %lt3A_216 = vector.broadcast %lt3A_215 : f32 to vector<16xf32>
        %lt3A_217 = arith.cmpf olt, %add3A_205, %lt3A_216 : vector<16xf32>
        %neg3A = arith.constant 0.000000e+00 : f32
        %neg3A_218 = vector.broadcast %neg3A : f32 to vector<16xf32>
        %neg3A_219 = arith.subf %neg3A_218, %div3A : vector<16xf32>
        %select_n3A = arith.select %lt3A_217, %neg3A_219, %div3A : vector<16xi1>, vector<16xf32>
        %mul3A_220 = arith.constant 16 : i32
        %mul3A_221 = arith.muli %scan3A_191, %mul3A_220 : i32
        %multiple_of3A_222 = tpu.assume_multiple %mul3A_221, 16 : i32
        %swap3A = arith.index_cast %multiple_of3A_222 : i32 to index
        %swap3A_223 = tpu.vector_load %arg15[%swap3A] {strides = array<i32>} : memref<320xf32, #tpu.memory_space<vmem>>, vector<16xf32>,
        tpu.vector_store %arg15[%swap3A], %select_n3A {strides = array<i32>} : memref<320xf32, #tpu.memory_space<vmem>>, vector<16xf32>,
      }
      %scan3A_143 = arith.constant 20 : i32
      %mul3A_144 = arith.constant 320 : i32
      %mul3A_145 = arith.muli %add3A_114, %mul3A_144 : i32
      %add3A_146 = arith.addi %mul3A_2, %mul3A_145 : i32
      %multiple_of3A_147 = tpu.assume_multiple %add3A_146, 8 : i32
      %dma_start3A_148 = tpu.memref_slice %arg6[%multiple_of3A_147] : memref<320000xf32, #tpu.memory_space<hbm>> -> memref<320xf32, #tpu.memory_space<hbm>>
      %dma_start3A_149 = tpu.memref_slice %arg6[%multiple_of3A_147] : memref<320000xf32, #tpu.memory_space<hbm>> -> memref<320xf32, #tpu.memory_space<hbm>>
      tpu.enqueue_dma source(%arg15 : memref<320xf32, #tpu.memory_space<vmem>>) target(%dma_start3A_149 : memref<320xf32, #tpu.memory_space<hbm>>) target_semaphore(%arg24 : memref<!tpu.dma_semaphore, #tpu.memory_space<semaphore_mem>>)
      %mul3A_150 = arith.constant 2 : i32
      %mul3A_151 = arith.muli %scan3A_110, %mul3A_150 : i32
      %add3A_152 = arith.constant 1 : i32
      %add3A_153 = arith.addi %mul3A_151, %add3A_152 : i32
      %add3A_154 = arith.constant 1 : i32
      %add3A_155 = arith.addi %add3A_153, %add3A_154 : i32
      %lt3A_156 = arith.constant 31 : i32
      %lt3A_157 = arith.cmpi slt, %add3A_155, %lt3A_156 : i32
      %convert_element_type3A_158 = arith.extui %lt3A_157 : i1 to i32
      %cond3A_159 = arith.constant 0 : i32
      %cond3A_160 = arith.cmpi ne, %convert_element_type3A_158, %cond3A_159 : i32
      scf.if %cond3A_160 {
        %add3A_191 = arith.constant 1 : i32
        %add3A_192 = arith.addi %add3A_153, %add3A_191 : i32
        %mul3A_193 = arith.constant 320 : i32
        %mul3A_194 = arith.muli %add3A_192, %mul3A_193 : i32
        %add3A_195 = arith.addi %mul3A_2, %mul3A_194 : i32
        %multiple_of3A_196 = tpu.assume_multiple %add3A_195, 8 : i32
        %dma_wait3A_197 = tpu.memref_slice %arg4[%multiple_of3A_196] : memref<320000xi32, #tpu.memory_space<hbm>> -> memref<320xi32, #tpu.memory_space<hbm>>
        %dma_wait3A_198 = tpu.memref_slice %arg4[%multiple_of3A_196] : memref<320000xi32, #tpu.memory_space<hbm>> -> memref<320xi32, #tpu.memory_space<hbm>>
        tpu.wait_dma2 semaphore(%arg18 : memref<!tpu.dma_semaphore, #tpu.memory_space<semaphore_mem>>) src(%dma_wait3A_198 : memref<320xi32, #tpu.memory_space<hbm>>) dst(%arg7 : memref<320xi32, #tpu.memory_space<vmem>>)
        %dma_wait3A_199 = tpu.memref_slice %arg5[%multiple_of3A_196] : memref<320000xi32, #tpu.memory_space<hbm>> -> memref<320xi32, #tpu.memory_space<hbm>>
        %dma_wait3A_200 = tpu.memref_slice %arg5[%multiple_of3A_196] : memref<320000xi32, #tpu.memory_space<hbm>> -> memref<320xi32, #tpu.memory_space<hbm>>
        tpu.wait_dma2 semaphore(%arg18 : memref<!tpu.dma_semaphore, #tpu.memory_space<semaphore_mem>>) src(%dma_wait3A_200 : memref<320xi32, #tpu.memory_space<hbm>>) dst(%arg9 : memref<320xi32, #tpu.memory_space<vmem>>)
        %dma_start3A_201 = arith.constant 0 : i32
        %dma_start3A_202 = arith.constant 0 : i32
        %dma_start3A_203 = tpu.memref_slice %arg17[%dma_start3A_201, %dma_start3A_202] : memref<10000x64xi32, #tpu.memory_space<vmem_shared>> -> memref<10000x64xi32, #tpu.memory_space<vmem_shared>>
        tpu.enqueue_indirect_dma source(%dma_start3A_203 : memref<10000x64xi32, #tpu.memory_space<vmem_shared>>) target(%arg11 : memref<320x64xi32, #tpu.memory_space<vmem>>) offsets(%arg7 : memref<320xi32, #tpu.memory_space<vmem>>) semaphore(%arg20 : memref<!tpu.dma_semaphore, #tpu.memory_space<semaphore_mem>>)
        %dma_start3A_204 = arith.constant 0 : i32
        %dma_start3A_205 = arith.constant 0 : i32
        %dma_start3A_206 = tpu.memref_slice %arg3[%dma_start3A_204, %dma_start3A_205] : memref<10000x64xi32, #tpu.memory_space<hbm>> -> memref<10000x64xi32, #tpu.memory_space<hbm>>
        tpu.enqueue_indirect_dma source(%dma_start3A_206 : memref<10000x64xi32, #tpu.memory_space<hbm>>) target(%arg13 : memref<320x64xi32, #tpu.memory_space<vmem>>) offsets(%arg9 : memref<320xi32, #tpu.memory_space<vmem>>) semaphore(%arg22 : memref<!tpu.dma_semaphore, #tpu.memory_space<semaphore_mem>>)
      } else {
      }
      %dma_wait3A_161 = arith.constant 0 : i32
      %dma_wait3A_162 = arith.constant 0 : i32
      %dma_wait3A_163 = tpu.memref_slice %arg17[%dma_wait3A_161, %dma_wait3A_162] : memref<10000x64xi32, #tpu.memory_space<vmem_shared>> -> memref<10000x64xi32, #tpu.memory_space<vmem_shared>>
      tpu.wait_indirect_dma semaphore(%arg21 : memref<!tpu.dma_semaphore, #tpu.memory_space<semaphore_mem>>) src(%dma_wait3A_163 : memref<10000x64xi32, #tpu.memory_space<vmem_shared>>) dst(%arg12 : memref<320x64xi32, #tpu.memory_space<vmem>>)
      %dma_wait3A_164 = arith.constant 0 : i32
      %dma_wait3A_165 = arith.constant 0 : i32
      %dma_wait3A_166 = tpu.memref_slice %arg3[%dma_wait3A_164, %dma_wait3A_165] : memref<10000x64xi32, #tpu.memory_space<hbm>> -> memref<10000x64xi32, #tpu.memory_space<hbm>>
      tpu.wait_indirect_dma semaphore(%arg23 : memref<!tpu.dma_semaphore, #tpu.memory_space<semaphore_mem>>) src(%dma_wait3A_166 : memref<10000x64xi32, #tpu.memory_space<hbm>>) dst(%arg14 : memref<320x64xi32, #tpu.memory_space<vmem>>)
      %add3A_167 = arith.constant 2 : i32
      %add3A_168 = arith.addi %add3A_153, %add3A_167 : i32
      %lt3A_169 = arith.constant 31 : i32
      %lt3A_170 = arith.cmpi slt, %add3A_168, %lt3A_169 : i32
      %convert_element_type3A_171 = arith.extui %lt3A_170 : i1 to i32
      %cond3A_172 = arith.constant 0 : i32
      %cond3A_173 = arith.cmpi ne, %convert_element_type3A_171, %cond3A_172 : i32
      scf.if %cond3A_173 {
        %add3A_191 = arith.constant 2 : i32
        %add3A_192 = arith.addi %add3A_153, %add3A_191 : i32
        %mul3A_193 = arith.constant 320 : i32
        %mul3A_194 = arith.muli %add3A_192, %mul3A_193 : i32
        %add3A_195 = arith.addi %mul3A_2, %mul3A_194 : i32
        %multiple_of3A_196 = tpu.assume_multiple %add3A_195, 8 : i32
        %dma_start3A_197 = tpu.memref_slice %arg4[%multiple_of3A_196] : memref<320000xi32, #tpu.memory_space<hbm>> -> memref<320xi32, #tpu.memory_space<hbm>>
        %dma_start3A_198 = tpu.memref_slice %arg4[%multiple_of3A_196] : memref<320000xi32, #tpu.memory_space<hbm>> -> memref<320xi32, #tpu.memory_space<hbm>>
        tpu.enqueue_dma source(%dma_start3A_198 : memref<320xi32, #tpu.memory_space<hbm>>) target(%arg8 : memref<320xi32, #tpu.memory_space<vmem>>) target_semaphore(%arg19 : memref<!tpu.dma_semaphore, #tpu.memory_space<semaphore_mem>>)
        %dma_start3A_199 = tpu.memref_slice %arg5[%multiple_of3A_196] : memref<320000xi32, #tpu.memory_space<hbm>> -> memref<320xi32, #tpu.memory_space<hbm>>
        %dma_start3A_200 = tpu.memref_slice %arg5[%multiple_of3A_196] : memref<320000xi32, #tpu.memory_space<hbm>> -> memref<320xi32, #tpu.memory_space<hbm>>
        tpu.enqueue_dma source(%dma_start3A_200 : memref<320xi32, #tpu.memory_space<hbm>>) target(%arg10 : memref<320xi32, #tpu.memory_space<vmem>>) target_semaphore(%arg19 : memref<!tpu.dma_semaphore, #tpu.memory_space<semaphore_mem>>)
      } else {
      }
      %ge3A_174 = arith.constant 2 : i32
      %ge3A_175 = arith.cmpi sge, %add3A_153, %ge3A_174 : i32
      %convert_element_type3A_176 = arith.extui %ge3A_175 : i1 to i32
      %cond3A_177 = arith.constant 0 : i32
      %cond3A_178 = arith.cmpi ne, %convert_element_type3A_176, %cond3A_177 : i32
      scf.if %cond3A_178 {
        %sub3A_191 = arith.constant 2 : i32
        %sub3A_192 = arith.subi %add3A_153, %sub3A_191 : i32
        %mul3A_193 = arith.constant 320 : i32
        %mul3A_194 = arith.muli %sub3A_192, %mul3A_193 : i32
        %add3A_195 = arith.addi %mul3A_2, %mul3A_194 : i32
        %multiple_of3A_196 = tpu.assume_multiple %add3A_195, 8 : i32
        %dma_wait3A_197 = tpu.memref_slice %arg6[%multiple_of3A_196] : memref<320000xf32, #tpu.memory_space<hbm>> -> memref<320xf32, #tpu.memory_space<hbm>>
        %dma_wait3A_198 = tpu.memref_slice %arg6[%multiple_of3A_196] : memref<320000xf32, #tpu.memory_space<hbm>> -> memref<320xf32, #tpu.memory_space<hbm>>
        tpu.wait_dma2 semaphore(%arg25 : memref<!tpu.dma_semaphore, #tpu.memory_space<semaphore_mem>>) src(%arg16 : memref<320xf32, #tpu.memory_space<vmem>>) dst(%dma_wait3A_198 : memref<320xf32, #tpu.memory_space<hbm>>)
      } else {
      }
      %scan3A_179 = arith.constant 0 : i32
      %scan3A_180 = arith.constant 0 : i32
      %scan3A_181 = arith.constant 20 : i32
      %scan3A_182 = arith.addi %scan3A_180, %scan3A_181 : i32
      %scan3A_183 = arith.constant 1 : i32
      scf.for %scan3A_191 = %scan3A_180 to %scan3A_182 step %scan3A_183  : i32 {
        %mul3A_192 = arith.constant 16 : i32
        %mul3A_193 = arith.muli %scan3A_191, %mul3A_192 : i32
        %add3A_194 = vector.broadcast %mul3A_193 : i32 to vector<16xi32>
        %add3A_195 = arith.addi %iota3A, %add3A_194 : vector<16xi32>
        %broadcast_in_dim3A = arith.constant 0.000000e+00 : f32
        %broadcast_in_dim3A_196 = vector.broadcast %broadcast_in_dim3A : f32 to vector<16xf32>
        %scan3A_197 = arith.constant 0 : i32
        %scan3A_198 = arith.constant 32 : i32
        %scan3A_199 = arith.addi %scan3A_197, %scan3A_198 : i32
        %scan3A_200 = arith.constant 8 : i32
        %scan3A_201:4 = scf.for %scan3A_224 = %scan3A_197 to %scan3A_199 step %scan3A_200 iter_args(%scan3A_225 = %broadcast_in_dim3A_196, %scan3A_226 = %broadcast_in_dim3A_196, %scan3A_227 = %broadcast_in_dim3A_196, %scan3A_228 = %broadcast_in_dim3A_196) -> (vector<16xf32>, vector<16xf32>, vector<16xf32>, vector<16xf32>)  : i32 {
          %mul3A_229 = arith.constant 2 : i32
          %mul3A_230 = arith.muli %scan3A_224, %mul3A_229 : i32
          %add3A_231 = vector.broadcast %mul3A_230 : i32 to vector<16xi32>
          %add3A_232 = arith.addi %iota3A, %add3A_231 : vector<16xi32>
          %and3A = arith.constant 63 : i32
          %and3A_233 = vector.broadcast %and3A : i32 to vector<16xi32>
          %and3A_234 = arith.andi %add3A_232, %and3A_233 : vector<16xi32>
          %xor3A = arith.constant 1 : i32
          %xor3A_235 = vector.broadcast %xor3A : i32 to vector<16xi32>
          %xor3A_236 = arith.xori %and3A_234, %xor3A_235 : vector<16xi32>
          %gather3A = tpu.vector_load_idx %arg12[%add3A_195, %and3A_234] : memref<320x64xi32, #tpu.memory_space<vmem>>[vector<16xi32>, vector<16xi32>], vector<16xi32>,
          %gather3A_237 = tpu.vector_load_idx %arg14[%add3A_195, %and3A_234] : memref<320x64xi32, #tpu.memory_space<vmem>>[vector<16xi32>, vector<16xi32>], vector<16xi32>,
          %gather3A_238 = tpu.vector_load_idx %arg12[%add3A_195, %xor3A_236] : memref<320x64xi32, #tpu.memory_space<vmem>>[vector<16xi32>, vector<16xi32>], vector<16xi32>,
          %gather3A_239 = tpu.vector_load_idx %arg14[%add3A_195, %xor3A_236] : memref<320x64xi32, #tpu.memory_space<vmem>>[vector<16xi32>, vector<16xi32>], vector<16xi32>,
          %shift_left3A = arith.constant 16 : i32
          %shift_left3A_240 = vector.broadcast %shift_left3A : i32 to vector<16xi32>
          %shift_left3A_241 = arith.shli %gather3A, %shift_left3A_240 : vector<16xi32>
          %bitcast_convert_type3A = tpu.bitcast %shift_left3A_241 : vector<16xi32> -> vector<16xf32>
          %shift_left3A_242 = arith.constant 16 : i32
          %shift_left3A_243 = vector.broadcast %shift_left3A_242 : i32 to vector<16xi32>
          %shift_left3A_244 = arith.shli %gather3A_237, %shift_left3A_243 : vector<16xi32>
          %bitcast_convert_type3A_245 = tpu.bitcast %shift_left3A_244 : vector<16xi32> -> vector<16xf32>
          %and3A_246 = arith.constant -65536 : i32
          %and3A_247 = vector.broadcast %and3A_246 : i32 to vector<16xi32>
          %and3A_248 = arith.andi %gather3A, %and3A_247 : vector<16xi32>
          %bitcast_convert_type3A_249 = tpu.bitcast %and3A_248 : vector<16xi32> -> vector<16xf32>
          %and3A_250 = arith.constant -65536 : i32
          %and3A_251 = vector.broadcast %and3A_250 : i32 to vector<16xi32>
          %and3A_252 = arith.andi %gather3A_237, %and3A_251 : vector<16xi32>
          %bitcast_convert_type3A_253 = tpu.bitcast %and3A_252 : vector<16xi32> -> vector<16xf32>
          %shift_left3A_254 = arith.constant 16 : i32
          %shift_left3A_255 = vector.broadcast %shift_left3A_254 : i32 to vector<16xi32>
          %shift_left3A_256 = arith.shli %gather3A_238, %shift_left3A_255 : vector<16xi32>
          %bitcast_convert_type3A_257 = tpu.bitcast %shift_left3A_256 : vector<16xi32> -> vector<16xf32>
          %shift_left3A_258 = arith.constant 16 : i32
          %shift_left3A_259 = vector.broadcast %shift_left3A_258 : i32 to vector<16xi32>
          %shift_left3A_260 = arith.shli %gather3A_239, %shift_left3A_259 : vector<16xi32>
          %bitcast_convert_type3A_261 = tpu.bitcast %shift_left3A_260 : vector<16xi32> -> vector<16xf32>
          %and3A_262 = arith.constant -65536 : i32
          %and3A_263 = vector.broadcast %and3A_262 : i32 to vector<16xi32>
          %and3A_264 = arith.andi %gather3A_238, %and3A_263 : vector<16xi32>
          %bitcast_convert_type3A_265 = tpu.bitcast %and3A_264 : vector<16xi32> -> vector<16xf32>
          %and3A_266 = arith.constant -65536 : i32
          %and3A_267 = vector.broadcast %and3A_266 : i32 to vector<16xi32>
          %and3A_268 = arith.andi %gather3A_239, %and3A_267 : vector<16xi32>
          %bitcast_convert_type3A_269 = tpu.bitcast %and3A_268 : vector<16xi32> -> vector<16xf32>
          %mul3A_270 = arith.mulf %bitcast_convert_type3A, %bitcast_convert_type3A_245 : vector<16xf32>
          %add3A_271 = arith.addf %scan3A_225, %mul3A_270 : vector<16xf32>
          %mul3A_272 = arith.mulf %bitcast_convert_type3A_257, %bitcast_convert_type3A_261 : vector<16xf32>
          %add3A_273 = arith.addf %scan3A_226, %mul3A_272 : vector<16xf32>
          %mul3A_274 = arith.mulf %bitcast_convert_type3A_249, %bitcast_convert_type3A_253 : vector<16xf32>
          %add3A_275 = arith.addf %scan3A_227, %mul3A_274 : vector<16xf32>
          %mul3A_276 = arith.mulf %bitcast_convert_type3A_265, %bitcast_convert_type3A_269 : vector<16xf32>
          %add3A_277 = arith.addf %scan3A_228, %mul3A_276 : vector<16xf32>
          %scan3A_278 = arith.constant 1 : i32
          %scan3A_279 = arith.addi %scan3A_224, %scan3A_278 : i32
          %mul3A_280 = arith.constant 2 : i32
          %mul3A_281 = arith.muli %scan3A_279, %mul3A_280 : i32
          %add3A_282 = vector.broadcast %mul3A_281 : i32 to vector<16xi32>
          %add3A_283 = arith.addi %iota3A, %add3A_282 : vector<16xi32>
          %and3A_284 = arith.constant 63 : i32
          %and3A_285 = vector.broadcast %and3A_284 : i32 to vector<16xi32>
          %and3A_286 = arith.andi %add3A_283, %and3A_285 : vector<16xi32>
          %xor3A_287 = arith.constant 1 : i32
          %xor3A_288 = vector.broadcast %xor3A_287 : i32 to vector<16xi32>
          %xor3A_289 = arith.xori %and3A_286, %xor3A_288 : vector<16xi32>
          %gather3A_290 = tpu.vector_load_idx %arg12[%add3A_195, %and3A_286] : memref<320x64xi32, #tpu.memory_space<vmem>>[vector<16xi32>, vector<16xi32>], vector<16xi32>,
          %gather3A_291 = tpu.vector_load_idx %arg14[%add3A_195, %and3A_286] : memref<320x64xi32, #tpu.memory_space<vmem>>[vector<16xi32>, vector<16xi32>], vector<16xi32>,
          %gather3A_292 = tpu.vector_load_idx %arg12[%add3A_195, %xor3A_289] : memref<320x64xi32, #tpu.memory_space<vmem>>[vector<16xi32>, vector<16xi32>], vector<16xi32>,
          %gather3A_293 = tpu.vector_load_idx %arg14[%add3A_195, %xor3A_289] : memref<320x64xi32, #tpu.memory_space<vmem>>[vector<16xi32>, vector<16xi32>], vector<16xi32>,
          %shift_left3A_294 = arith.constant 16 : i32
          %shift_left3A_295 = vector.broadcast %shift_left3A_294 : i32 to vector<16xi32>
          %shift_left3A_296 = arith.shli %gather3A_290, %shift_left3A_295 : vector<16xi32>
          %bitcast_convert_type3A_297 = tpu.bitcast %shift_left3A_296 : vector<16xi32> -> vector<16xf32>
          %shift_left3A_298 = arith.constant 16 : i32
          %shift_left3A_299 = vector.broadcast %shift_left3A_298 : i32 to vector<16xi32>
          %shift_left3A_300 = arith.shli %gather3A_291, %shift_left3A_299 : vector<16xi32>
          %bitcast_convert_type3A_301 = tpu.bitcast %shift_left3A_300 : vector<16xi32> -> vector<16xf32>
          %and3A_302 = arith.constant -65536 : i32
          %and3A_303 = vector.broadcast %and3A_302 : i32 to vector<16xi32>
          %and3A_304 = arith.andi %gather3A_290, %and3A_303 : vector<16xi32>
          %bitcast_convert_type3A_305 = tpu.bitcast %and3A_304 : vector<16xi32> -> vector<16xf32>
          %and3A_306 = arith.constant -65536 : i32
          %and3A_307 = vector.broadcast %and3A_306 : i32 to vector<16xi32>
          %and3A_308 = arith.andi %gather3A_291, %and3A_307 : vector<16xi32>
          %bitcast_convert_type3A_309 = tpu.bitcast %and3A_308 : vector<16xi32> -> vector<16xf32>
          %shift_left3A_310 = arith.constant 16 : i32
          %shift_left3A_311 = vector.broadcast %shift_left3A_310 : i32 to vector<16xi32>
          %shift_left3A_312 = arith.shli %gather3A_292, %shift_left3A_311 : vector<16xi32>
          %bitcast_convert_type3A_313 = tpu.bitcast %shift_left3A_312 : vector<16xi32> -> vector<16xf32>
          %shift_left3A_314 = arith.constant 16 : i32
          %shift_left3A_315 = vector.broadcast %shift_left3A_314 : i32 to vector<16xi32>
          %shift_left3A_316 = arith.shli %gather3A_293, %shift_left3A_315 : vector<16xi32>
          %bitcast_convert_type3A_317 = tpu.bitcast %shift_left3A_316 : vector<16xi32> -> vector<16xf32>
          %and3A_318 = arith.constant -65536 : i32
          %and3A_319 = vector.broadcast %and3A_318 : i32 to vector<16xi32>
          %and3A_320 = arith.andi %gather3A_292, %and3A_319 : vector<16xi32>
          %bitcast_convert_type3A_321 = tpu.bitcast %and3A_320 : vector<16xi32> -> vector<16xf32>
          %and3A_322 = arith.constant -65536 : i32
          %and3A_323 = vector.broadcast %and3A_322 : i32 to vector<16xi32>
          %and3A_324 = arith.andi %gather3A_293, %and3A_323 : vector<16xi32>
          %bitcast_convert_type3A_325 = tpu.bitcast %and3A_324 : vector<16xi32> -> vector<16xf32>
          %mul3A_326 = arith.mulf %bitcast_convert_type3A_297, %bitcast_convert_type3A_301 : vector<16xf32>
          %add3A_327 = arith.addf %add3A_271, %mul3A_326 : vector<16xf32>
          %mul3A_328 = arith.mulf %bitcast_convert_type3A_313, %bitcast_convert_type3A_317 : vector<16xf32>
          %add3A_329 = arith.addf %add3A_273, %mul3A_328 : vector<16xf32>
          %mul3A_330 = arith.mulf %bitcast_convert_type3A_305, %bitcast_convert_type3A_309 : vector<16xf32>
          %add3A_331 = arith.addf %add3A_275, %mul3A_330 : vector<16xf32>
          %mul3A_332 = arith.mulf %bitcast_convert_type3A_321, %bitcast_convert_type3A_325 : vector<16xf32>
          %add3A_333 = arith.addf %add3A_277, %mul3A_332 : vector<16xf32>
          %scan3A_334 = arith.constant 2 : i32
          %scan3A_335 = arith.addi %scan3A_224, %scan3A_334 : i32
          %mul3A_336 = arith.constant 2 : i32
          %mul3A_337 = arith.muli %scan3A_335, %mul3A_336 : i32
          %add3A_338 = vector.broadcast %mul3A_337 : i32 to vector<16xi32>
          %add3A_339 = arith.addi %iota3A, %add3A_338 : vector<16xi32>
          %and3A_340 = arith.constant 63 : i32
          %and3A_341 = vector.broadcast %and3A_340 : i32 to vector<16xi32>
          %and3A_342 = arith.andi %add3A_339, %and3A_341 : vector<16xi32>
          %xor3A_343 = arith.constant 1 : i32
          %xor3A_344 = vector.broadcast %xor3A_343 : i32 to vector<16xi32>
          %xor3A_345 = arith.xori %and3A_342, %xor3A_344 : vector<16xi32>
          %gather3A_346 = tpu.vector_load_idx %arg12[%add3A_195, %and3A_342] : memref<320x64xi32, #tpu.memory_space<vmem>>[vector<16xi32>, vector<16xi32>], vector<16xi32>,
          %gather3A_347 = tpu.vector_load_idx %arg14[%add3A_195, %and3A_342] : memref<320x64xi32, #tpu.memory_space<vmem>>[vector<16xi32>, vector<16xi32>], vector<16xi32>,
          %gather3A_348 = tpu.vector_load_idx %arg12[%add3A_195, %xor3A_345] : memref<320x64xi32, #tpu.memory_space<vmem>>[vector<16xi32>, vector<16xi32>], vector<16xi32>,
          %gather3A_349 = tpu.vector_load_idx %arg14[%add3A_195, %xor3A_345] : memref<320x64xi32, #tpu.memory_space<vmem>>[vector<16xi32>, vector<16xi32>], vector<16xi32>,
          %shift_left3A_350 = arith.constant 16 : i32
          %shift_left3A_351 = vector.broadcast %shift_left3A_350 : i32 to vector<16xi32>
          %shift_left3A_352 = arith.shli %gather3A_346, %shift_left3A_351 : vector<16xi32>
          %bitcast_convert_type3A_353 = tpu.bitcast %shift_left3A_352 : vector<16xi32> -> vector<16xf32>
          %shift_left3A_354 = arith.constant 16 : i32
          %shift_left3A_355 = vector.broadcast %shift_left3A_354 : i32 to vector<16xi32>
          %shift_left3A_356 = arith.shli %gather3A_347, %shift_left3A_355 : vector<16xi32>
          %bitcast_convert_type3A_357 = tpu.bitcast %shift_left3A_356 : vector<16xi32> -> vector<16xf32>
          %and3A_358 = arith.constant -65536 : i32
          %and3A_359 = vector.broadcast %and3A_358 : i32 to vector<16xi32>
          %and3A_360 = arith.andi %gather3A_346, %and3A_359 : vector<16xi32>
          %bitcast_convert_type3A_361 = tpu.bitcast %and3A_360 : vector<16xi32> -> vector<16xf32>
          %and3A_362 = arith.constant -65536 : i32
          %and3A_363 = vector.broadcast %and3A_362 : i32 to vector<16xi32>
          %and3A_364 = arith.andi %gather3A_347, %and3A_363 : vector<16xi32>
          %bitcast_convert_type3A_365 = tpu.bitcast %and3A_364 : vector<16xi32> -> vector<16xf32>
          %shift_left3A_366 = arith.constant 16 : i32
          %shift_left3A_367 = vector.broadcast %shift_left3A_366 : i32 to vector<16xi32>
          %shift_left3A_368 = arith.shli %gather3A_348, %shift_left3A_367 : vector<16xi32>
          %bitcast_convert_type3A_369 = tpu.bitcast %shift_left3A_368 : vector<16xi32> -> vector<16xf32>
          %shift_left3A_370 = arith.constant 16 : i32
          %shift_left3A_371 = vector.broadcast %shift_left3A_370 : i32 to vector<16xi32>
          %shift_left3A_372 = arith.shli %gather3A_349, %shift_left3A_371 : vector<16xi32>
          %bitcast_convert_type3A_373 = tpu.bitcast %shift_left3A_372 : vector<16xi32> -> vector<16xf32>
          %and3A_374 = arith.constant -65536 : i32
          %and3A_375 = vector.broadcast %and3A_374 : i32 to vector<16xi32>
          %and3A_376 = arith.andi %gather3A_348, %and3A_375 : vector<16xi32>
          %bitcast_convert_type3A_377 = tpu.bitcast %and3A_376 : vector<16xi32> -> vector<16xf32>
          %and3A_378 = arith.constant -65536 : i32
          %and3A_379 = vector.broadcast %and3A_378 : i32 to vector<16xi32>
          %and3A_380 = arith.andi %gather3A_349, %and3A_379 : vector<16xi32>
          %bitcast_convert_type3A_381 = tpu.bitcast %and3A_380 : vector<16xi32> -> vector<16xf32>
          %mul3A_382 = arith.mulf %bitcast_convert_type3A_353, %bitcast_convert_type3A_357 : vector<16xf32>
          %add3A_383 = arith.addf %add3A_327, %mul3A_382 : vector<16xf32>
          %mul3A_384 = arith.mulf %bitcast_convert_type3A_369, %bitcast_convert_type3A_373 : vector<16xf32>
          %add3A_385 = arith.addf %add3A_329, %mul3A_384 : vector<16xf32>
          %mul3A_386 = arith.mulf %bitcast_convert_type3A_361, %bitcast_convert_type3A_365 : vector<16xf32>
          %add3A_387 = arith.addf %add3A_331, %mul3A_386 : vector<16xf32>
          %mul3A_388 = arith.mulf %bitcast_convert_type3A_377, %bitcast_convert_type3A_381 : vector<16xf32>
          %add3A_389 = arith.addf %add3A_333, %mul3A_388 : vector<16xf32>
          %scan3A_390 = arith.constant 3 : i32
          %scan3A_391 = arith.addi %scan3A_224, %scan3A_390 : i32
          %mul3A_392 = arith.constant 2 : i32
          %mul3A_393 = arith.muli %scan3A_391, %mul3A_392 : i32
          %add3A_394 = vector.broadcast %mul3A_393 : i32 to vector<16xi32>
          %add3A_395 = arith.addi %iota3A, %add3A_394 : vector<16xi32>
          %and3A_396 = arith.constant 63 : i32
          %and3A_397 = vector.broadcast %and3A_396 : i32 to vector<16xi32>
          %and3A_398 = arith.andi %add3A_395, %and3A_397 : vector<16xi32>
          %xor3A_399 = arith.constant 1 : i32
          %xor3A_400 = vector.broadcast %xor3A_399 : i32 to vector<16xi32>
          %xor3A_401 = arith.xori %and3A_398, %xor3A_400 : vector<16xi32>
          %gather3A_402 = tpu.vector_load_idx %arg12[%add3A_195, %and3A_398] : memref<320x64xi32, #tpu.memory_space<vmem>>[vector<16xi32>, vector<16xi32>], vector<16xi32>,
          %gather3A_403 = tpu.vector_load_idx %arg14[%add3A_195, %and3A_398] : memref<320x64xi32, #tpu.memory_space<vmem>>[vector<16xi32>, vector<16xi32>], vector<16xi32>,
          %gather3A_404 = tpu.vector_load_idx %arg12[%add3A_195, %xor3A_401] : memref<320x64xi32, #tpu.memory_space<vmem>>[vector<16xi32>, vector<16xi32>], vector<16xi32>,
          %gather3A_405 = tpu.vector_load_idx %arg14[%add3A_195, %xor3A_401] : memref<320x64xi32, #tpu.memory_space<vmem>>[vector<16xi32>, vector<16xi32>], vector<16xi32>,
          %shift_left3A_406 = arith.constant 16 : i32
          %shift_left3A_407 = vector.broadcast %shift_left3A_406 : i32 to vector<16xi32>
          %shift_left3A_408 = arith.shli %gather3A_402, %shift_left3A_407 : vector<16xi32>
          %bitcast_convert_type3A_409 = tpu.bitcast %shift_left3A_408 : vector<16xi32> -> vector<16xf32>
          %shift_left3A_410 = arith.constant 16 : i32
          %shift_left3A_411 = vector.broadcast %shift_left3A_410 : i32 to vector<16xi32>
          %shift_left3A_412 = arith.shli %gather3A_403, %shift_left3A_411 : vector<16xi32>
          %bitcast_convert_type3A_413 = tpu.bitcast %shift_left3A_412 : vector<16xi32> -> vector<16xf32>
          %and3A_414 = arith.constant -65536 : i32
          %and3A_415 = vector.broadcast %and3A_414 : i32 to vector<16xi32>
          %and3A_416 = arith.andi %gather3A_402, %and3A_415 : vector<16xi32>
          %bitcast_convert_type3A_417 = tpu.bitcast %and3A_416 : vector<16xi32> -> vector<16xf32>
          %and3A_418 = arith.constant -65536 : i32
          %and3A_419 = vector.broadcast %and3A_418 : i32 to vector<16xi32>
          %and3A_420 = arith.andi %gather3A_403, %and3A_419 : vector<16xi32>
          %bitcast_convert_type3A_421 = tpu.bitcast %and3A_420 : vector<16xi32> -> vector<16xf32>
          %shift_left3A_422 = arith.constant 16 : i32
          %shift_left3A_423 = vector.broadcast %shift_left3A_422 : i32 to vector<16xi32>
          %shift_left3A_424 = arith.shli %gather3A_404, %shift_left3A_423 : vector<16xi32>
          %bitcast_convert_type3A_425 = tpu.bitcast %shift_left3A_424 : vector<16xi32> -> vector<16xf32>
          %shift_left3A_426 = arith.constant 16 : i32
          %shift_left3A_427 = vector.broadcast %shift_left3A_426 : i32 to vector<16xi32>
          %shift_left3A_428 = arith.shli %gather3A_405, %shift_left3A_427 : vector<16xi32>
          %bitcast_convert_type3A_429 = tpu.bitcast %shift_left3A_428 : vector<16xi32> -> vector<16xf32>
          %and3A_430 = arith.constant -65536 : i32
          %and3A_431 = vector.broadcast %and3A_430 : i32 to vector<16xi32>
          %and3A_432 = arith.andi %gather3A_404, %and3A_431 : vector<16xi32>
          %bitcast_convert_type3A_433 = tpu.bitcast %and3A_432 : vector<16xi32> -> vector<16xf32>
          %and3A_434 = arith.constant -65536 : i32
          %and3A_435 = vector.broadcast %and3A_434 : i32 to vector<16xi32>
          %and3A_436 = arith.andi %gather3A_405, %and3A_435 : vector<16xi32>
          %bitcast_convert_type3A_437 = tpu.bitcast %and3A_436 : vector<16xi32> -> vector<16xf32>
          %mul3A_438 = arith.mulf %bitcast_convert_type3A_409, %bitcast_convert_type3A_413 : vector<16xf32>
          %add3A_439 = arith.addf %add3A_383, %mul3A_438 : vector<16xf32>
          %mul3A_440 = arith.mulf %bitcast_convert_type3A_425, %bitcast_convert_type3A_429 : vector<16xf32>
          %add3A_441 = arith.addf %add3A_385, %mul3A_440 : vector<16xf32>
          %mul3A_442 = arith.mulf %bitcast_convert_type3A_417, %bitcast_convert_type3A_421 : vector<16xf32>
          %add3A_443 = arith.addf %add3A_387, %mul3A_442 : vector<16xf32>
          %mul3A_444 = arith.mulf %bitcast_convert_type3A_433, %bitcast_convert_type3A_437 : vector<16xf32>
          %add3A_445 = arith.addf %add3A_389, %mul3A_444 : vector<16xf32>
          %scan3A_446 = arith.constant 4 : i32
          %scan3A_447 = arith.addi %scan3A_224, %scan3A_446 : i32
          %mul3A_448 = arith.constant 2 : i32
          %mul3A_449 = arith.muli %scan3A_447, %mul3A_448 : i32
          %add3A_450 = vector.broadcast %mul3A_449 : i32 to vector<16xi32>
          %add3A_451 = arith.addi %iota3A, %add3A_450 : vector<16xi32>
          %and3A_452 = arith.constant 63 : i32
          %and3A_453 = vector.broadcast %and3A_452 : i32 to vector<16xi32>
          %and3A_454 = arith.andi %add3A_451, %and3A_453 : vector<16xi32>
          %xor3A_455 = arith.constant 1 : i32
          %xor3A_456 = vector.broadcast %xor3A_455 : i32 to vector<16xi32>
          %xor3A_457 = arith.xori %and3A_454, %xor3A_456 : vector<16xi32>
          %gather3A_458 = tpu.vector_load_idx %arg12[%add3A_195, %and3A_454] : memref<320x64xi32, #tpu.memory_space<vmem>>[vector<16xi32>, vector<16xi32>], vector<16xi32>,
          %gather3A_459 = tpu.vector_load_idx %arg14[%add3A_195, %and3A_454] : memref<320x64xi32, #tpu.memory_space<vmem>>[vector<16xi32>, vector<16xi32>], vector<16xi32>,
          %gather3A_460 = tpu.vector_load_idx %arg12[%add3A_195, %xor3A_457] : memref<320x64xi32, #tpu.memory_space<vmem>>[vector<16xi32>, vector<16xi32>], vector<16xi32>,
          %gather3A_461 = tpu.vector_load_idx %arg14[%add3A_195, %xor3A_457] : memref<320x64xi32, #tpu.memory_space<vmem>>[vector<16xi32>, vector<16xi32>], vector<16xi32>,
          %shift_left3A_462 = arith.constant 16 : i32
          %shift_left3A_463 = vector.broadcast %shift_left3A_462 : i32 to vector<16xi32>
          %shift_left3A_464 = arith.shli %gather3A_458, %shift_left3A_463 : vector<16xi32>
          %bitcast_convert_type3A_465 = tpu.bitcast %shift_left3A_464 : vector<16xi32> -> vector<16xf32>
          %shift_left3A_466 = arith.constant 16 : i32
          %shift_left3A_467 = vector.broadcast %shift_left3A_466 : i32 to vector<16xi32>
          %shift_left3A_468 = arith.shli %gather3A_459, %shift_left3A_467 : vector<16xi32>
          %bitcast_convert_type3A_469 = tpu.bitcast %shift_left3A_468 : vector<16xi32> -> vector<16xf32>
          %and3A_470 = arith.constant -65536 : i32
          %and3A_471 = vector.broadcast %and3A_470 : i32 to vector<16xi32>
          %and3A_472 = arith.andi %gather3A_458, %and3A_471 : vector<16xi32>
          %bitcast_convert_type3A_473 = tpu.bitcast %and3A_472 : vector<16xi32> -> vector<16xf32>
          %and3A_474 = arith.constant -65536 : i32
          %and3A_475 = vector.broadcast %and3A_474 : i32 to vector<16xi32>
          %and3A_476 = arith.andi %gather3A_459, %and3A_475 : vector<16xi32>
          %bitcast_convert_type3A_477 = tpu.bitcast %and3A_476 : vector<16xi32> -> vector<16xf32>
          %shift_left3A_478 = arith.constant 16 : i32
          %shift_left3A_479 = vector.broadcast %shift_left3A_478 : i32 to vector<16xi32>
          %shift_left3A_480 = arith.shli %gather3A_460, %shift_left3A_479 : vector<16xi32>
          %bitcast_convert_type3A_481 = tpu.bitcast %shift_left3A_480 : vector<16xi32> -> vector<16xf32>
          %shift_left3A_482 = arith.constant 16 : i32
          %shift_left3A_483 = vector.broadcast %shift_left3A_482 : i32 to vector<16xi32>
          %shift_left3A_484 = arith.shli %gather3A_461, %shift_left3A_483 : vector<16xi32>
          %bitcast_convert_type3A_485 = tpu.bitcast %shift_left3A_484 : vector<16xi32> -> vector<16xf32>
          %and3A_486 = arith.constant -65536 : i32
          %and3A_487 = vector.broadcast %and3A_486 : i32 to vector<16xi32>
          %and3A_488 = arith.andi %gather3A_460, %and3A_487 : vector<16xi32>
          %bitcast_convert_type3A_489 = tpu.bitcast %and3A_488 : vector<16xi32> -> vector<16xf32>
          %and3A_490 = arith.constant -65536 : i32
          %and3A_491 = vector.broadcast %and3A_490 : i32 to vector<16xi32>
          %and3A_492 = arith.andi %gather3A_461, %and3A_491 : vector<16xi32>
          %bitcast_convert_type3A_493 = tpu.bitcast %and3A_492 : vector<16xi32> -> vector<16xf32>
          %mul3A_494 = arith.mulf %bitcast_convert_type3A_465, %bitcast_convert_type3A_469 : vector<16xf32>
          %add3A_495 = arith.addf %add3A_439, %mul3A_494 : vector<16xf32>
          %mul3A_496 = arith.mulf %bitcast_convert_type3A_481, %bitcast_convert_type3A_485 : vector<16xf32>
          %add3A_497 = arith.addf %add3A_441, %mul3A_496 : vector<16xf32>
          %mul3A_498 = arith.mulf %bitcast_convert_type3A_473, %bitcast_convert_type3A_477 : vector<16xf32>
          %add3A_499 = arith.addf %add3A_443, %mul3A_498 : vector<16xf32>
          %mul3A_500 = arith.mulf %bitcast_convert_type3A_489, %bitcast_convert_type3A_493 : vector<16xf32>
          %add3A_501 = arith.addf %add3A_445, %mul3A_500 : vector<16xf32>
          %scan3A_502 = arith.constant 5 : i32
          %scan3A_503 = arith.addi %scan3A_224, %scan3A_502 : i32
          %mul3A_504 = arith.constant 2 : i32
          %mul3A_505 = arith.muli %scan3A_503, %mul3A_504 : i32
          %add3A_506 = vector.broadcast %mul3A_505 : i32 to vector<16xi32>
          %add3A_507 = arith.addi %iota3A, %add3A_506 : vector<16xi32>
          %and3A_508 = arith.constant 63 : i32
          %and3A_509 = vector.broadcast %and3A_508 : i32 to vector<16xi32>
          %and3A_510 = arith.andi %add3A_507, %and3A_509 : vector<16xi32>
          %xor3A_511 = arith.constant 1 : i32
          %xor3A_512 = vector.broadcast %xor3A_511 : i32 to vector<16xi32>
          %xor3A_513 = arith.xori %and3A_510, %xor3A_512 : vector<16xi32>
          %gather3A_514 = tpu.vector_load_idx %arg12[%add3A_195, %and3A_510] : memref<320x64xi32, #tpu.memory_space<vmem>>[vector<16xi32>, vector<16xi32>], vector<16xi32>,
          %gather3A_515 = tpu.vector_load_idx %arg14[%add3A_195, %and3A_510] : memref<320x64xi32, #tpu.memory_space<vmem>>[vector<16xi32>, vector<16xi32>], vector<16xi32>,
          %gather3A_516 = tpu.vector_load_idx %arg12[%add3A_195, %xor3A_513] : memref<320x64xi32, #tpu.memory_space<vmem>>[vector<16xi32>, vector<16xi32>], vector<16xi32>,
          %gather3A_517 = tpu.vector_load_idx %arg14[%add3A_195, %xor3A_513] : memref<320x64xi32, #tpu.memory_space<vmem>>[vector<16xi32>, vector<16xi32>], vector<16xi32>,
          %shift_left3A_518 = arith.constant 16 : i32
          %shift_left3A_519 = vector.broadcast %shift_left3A_518 : i32 to vector<16xi32>
          %shift_left3A_520 = arith.shli %gather3A_514, %shift_left3A_519 : vector<16xi32>
          %bitcast_convert_type3A_521 = tpu.bitcast %shift_left3A_520 : vector<16xi32> -> vector<16xf32>
          %shift_left3A_522 = arith.constant 16 : i32
          %shift_left3A_523 = vector.broadcast %shift_left3A_522 : i32 to vector<16xi32>
          %shift_left3A_524 = arith.shli %gather3A_515, %shift_left3A_523 : vector<16xi32>
          %bitcast_convert_type3A_525 = tpu.bitcast %shift_left3A_524 : vector<16xi32> -> vector<16xf32>
          %and3A_526 = arith.constant -65536 : i32
          %and3A_527 = vector.broadcast %and3A_526 : i32 to vector<16xi32>
          %and3A_528 = arith.andi %gather3A_514, %and3A_527 : vector<16xi32>
          %bitcast_convert_type3A_529 = tpu.bitcast %and3A_528 : vector<16xi32> -> vector<16xf32>
          %and3A_530 = arith.constant -65536 : i32
          %and3A_531 = vector.broadcast %and3A_530 : i32 to vector<16xi32>
          %and3A_532 = arith.andi %gather3A_515, %and3A_531 : vector<16xi32>
          %bitcast_convert_type3A_533 = tpu.bitcast %and3A_532 : vector<16xi32> -> vector<16xf32>
          %shift_left3A_534 = arith.constant 16 : i32
          %shift_left3A_535 = vector.broadcast %shift_left3A_534 : i32 to vector<16xi32>
          %shift_left3A_536 = arith.shli %gather3A_516, %shift_left3A_535 : vector<16xi32>
          %bitcast_convert_type3A_537 = tpu.bitcast %shift_left3A_536 : vector<16xi32> -> vector<16xf32>
          %shift_left3A_538 = arith.constant 16 : i32
          %shift_left3A_539 = vector.broadcast %shift_left3A_538 : i32 to vector<16xi32>
          %shift_left3A_540 = arith.shli %gather3A_517, %shift_left3A_539 : vector<16xi32>
          %bitcast_convert_type3A_541 = tpu.bitcast %shift_left3A_540 : vector<16xi32> -> vector<16xf32>
          %and3A_542 = arith.constant -65536 : i32
          %and3A_543 = vector.broadcast %and3A_542 : i32 to vector<16xi32>
          %and3A_544 = arith.andi %gather3A_516, %and3A_543 : vector<16xi32>
          %bitcast_convert_type3A_545 = tpu.bitcast %and3A_544 : vector<16xi32> -> vector<16xf32>
          %and3A_546 = arith.constant -65536 : i32
          %and3A_547 = vector.broadcast %and3A_546 : i32 to vector<16xi32>
          %and3A_548 = arith.andi %gather3A_517, %and3A_547 : vector<16xi32>
          %bitcast_convert_type3A_549 = tpu.bitcast %and3A_548 : vector<16xi32> -> vector<16xf32>
          %mul3A_550 = arith.mulf %bitcast_convert_type3A_521, %bitcast_convert_type3A_525 : vector<16xf32>
          %add3A_551 = arith.addf %add3A_495, %mul3A_550 : vector<16xf32>
          %mul3A_552 = arith.mulf %bitcast_convert_type3A_537, %bitcast_convert_type3A_541 : vector<16xf32>
          %add3A_553 = arith.addf %add3A_497, %mul3A_552 : vector<16xf32>
          %mul3A_554 = arith.mulf %bitcast_convert_type3A_529, %bitcast_convert_type3A_533 : vector<16xf32>
          %add3A_555 = arith.addf %add3A_499, %mul3A_554 : vector<16xf32>
          %mul3A_556 = arith.mulf %bitcast_convert_type3A_545, %bitcast_convert_type3A_549 : vector<16xf32>
          %add3A_557 = arith.addf %add3A_501, %mul3A_556 : vector<16xf32>
          %scan3A_558 = arith.constant 6 : i32
          %scan3A_559 = arith.addi %scan3A_224, %scan3A_558 : i32
          %mul3A_560 = arith.constant 2 : i32
          %mul3A_561 = arith.muli %scan3A_559, %mul3A_560 : i32
          %add3A_562 = vector.broadcast %mul3A_561 : i32 to vector<16xi32>
          %add3A_563 = arith.addi %iota3A, %add3A_562 : vector<16xi32>
          %and3A_564 = arith.constant 63 : i32
          %and3A_565 = vector.broadcast %and3A_564 : i32 to vector<16xi32>
          %and3A_566 = arith.andi %add3A_563, %and3A_565 : vector<16xi32>
          %xor3A_567 = arith.constant 1 : i32
          %xor3A_568 = vector.broadcast %xor3A_567 : i32 to vector<16xi32>
          %xor3A_569 = arith.xori %and3A_566, %xor3A_568 : vector<16xi32>
          %gather3A_570 = tpu.vector_load_idx %arg12[%add3A_195, %and3A_566] : memref<320x64xi32, #tpu.memory_space<vmem>>[vector<16xi32>, vector<16xi32>], vector<16xi32>,
          %gather3A_571 = tpu.vector_load_idx %arg14[%add3A_195, %and3A_566] : memref<320x64xi32, #tpu.memory_space<vmem>>[vector<16xi32>, vector<16xi32>], vector<16xi32>,
          %gather3A_572 = tpu.vector_load_idx %arg12[%add3A_195, %xor3A_569] : memref<320x64xi32, #tpu.memory_space<vmem>>[vector<16xi32>, vector<16xi32>], vector<16xi32>,
          %gather3A_573 = tpu.vector_load_idx %arg14[%add3A_195, %xor3A_569] : memref<320x64xi32, #tpu.memory_space<vmem>>[vector<16xi32>, vector<16xi32>], vector<16xi32>,
          %shift_left3A_574 = arith.constant 16 : i32
          %shift_left3A_575 = vector.broadcast %shift_left3A_574 : i32 to vector<16xi32>
          %shift_left3A_576 = arith.shli %gather3A_570, %shift_left3A_575 : vector<16xi32>
          %bitcast_convert_type3A_577 = tpu.bitcast %shift_left3A_576 : vector<16xi32> -> vector<16xf32>
          %shift_left3A_578 = arith.constant 16 : i32
          %shift_left3A_579 = vector.broadcast %shift_left3A_578 : i32 to vector<16xi32>
          %shift_left3A_580 = arith.shli %gather3A_571, %shift_left3A_579 : vector<16xi32>
          %bitcast_convert_type3A_581 = tpu.bitcast %shift_left3A_580 : vector<16xi32> -> vector<16xf32>
          %and3A_582 = arith.constant -65536 : i32
          %and3A_583 = vector.broadcast %and3A_582 : i32 to vector<16xi32>
          %and3A_584 = arith.andi %gather3A_570, %and3A_583 : vector<16xi32>
          %bitcast_convert_type3A_585 = tpu.bitcast %and3A_584 : vector<16xi32> -> vector<16xf32>
          %and3A_586 = arith.constant -65536 : i32
          %and3A_587 = vector.broadcast %and3A_586 : i32 to vector<16xi32>
          %and3A_588 = arith.andi %gather3A_571, %and3A_587 : vector<16xi32>
          %bitcast_convert_type3A_589 = tpu.bitcast %and3A_588 : vector<16xi32> -> vector<16xf32>
          %shift_left3A_590 = arith.constant 16 : i32
          %shift_left3A_591 = vector.broadcast %shift_left3A_590 : i32 to vector<16xi32>
          %shift_left3A_592 = arith.shli %gather3A_572, %shift_left3A_591 : vector<16xi32>
          %bitcast_convert_type3A_593 = tpu.bitcast %shift_left3A_592 : vector<16xi32> -> vector<16xf32>
          %shift_left3A_594 = arith.constant 16 : i32
          %shift_left3A_595 = vector.broadcast %shift_left3A_594 : i32 to vector<16xi32>
          %shift_left3A_596 = arith.shli %gather3A_573, %shift_left3A_595 : vector<16xi32>
          %bitcast_convert_type3A_597 = tpu.bitcast %shift_left3A_596 : vector<16xi32> -> vector<16xf32>
          %and3A_598 = arith.constant -65536 : i32
          %and3A_599 = vector.broadcast %and3A_598 : i32 to vector<16xi32>
          %and3A_600 = arith.andi %gather3A_572, %and3A_599 : vector<16xi32>
          %bitcast_convert_type3A_601 = tpu.bitcast %and3A_600 : vector<16xi32> -> vector<16xf32>
          %and3A_602 = arith.constant -65536 : i32
          %and3A_603 = vector.broadcast %and3A_602 : i32 to vector<16xi32>
          %and3A_604 = arith.andi %gather3A_573, %and3A_603 : vector<16xi32>
          %bitcast_convert_type3A_605 = tpu.bitcast %and3A_604 : vector<16xi32> -> vector<16xf32>
          %mul3A_606 = arith.mulf %bitcast_convert_type3A_577, %bitcast_convert_type3A_581 : vector<16xf32>
          %add3A_607 = arith.addf %add3A_551, %mul3A_606 : vector<16xf32>
          %mul3A_608 = arith.mulf %bitcast_convert_type3A_593, %bitcast_convert_type3A_597 : vector<16xf32>
          %add3A_609 = arith.addf %add3A_553, %mul3A_608 : vector<16xf32>
          %mul3A_610 = arith.mulf %bitcast_convert_type3A_585, %bitcast_convert_type3A_589 : vector<16xf32>
          %add3A_611 = arith.addf %add3A_555, %mul3A_610 : vector<16xf32>
          %mul3A_612 = arith.mulf %bitcast_convert_type3A_601, %bitcast_convert_type3A_605 : vector<16xf32>
          %add3A_613 = arith.addf %add3A_557, %mul3A_612 : vector<16xf32>
          %scan3A_614 = arith.constant 7 : i32
          %scan3A_615 = arith.addi %scan3A_224, %scan3A_614 : i32
          %mul3A_616 = arith.constant 2 : i32
          %mul3A_617 = arith.muli %scan3A_615, %mul3A_616 : i32
          %add3A_618 = vector.broadcast %mul3A_617 : i32 to vector<16xi32>
          %add3A_619 = arith.addi %iota3A, %add3A_618 : vector<16xi32>
          %and3A_620 = arith.constant 63 : i32
          %and3A_621 = vector.broadcast %and3A_620 : i32 to vector<16xi32>
          %and3A_622 = arith.andi %add3A_619, %and3A_621 : vector<16xi32>
          %xor3A_623 = arith.constant 1 : i32
          %xor3A_624 = vector.broadcast %xor3A_623 : i32 to vector<16xi32>
          %xor3A_625 = arith.xori %and3A_622, %xor3A_624 : vector<16xi32>
          %gather3A_626 = tpu.vector_load_idx %arg12[%add3A_195, %and3A_622] : memref<320x64xi32, #tpu.memory_space<vmem>>[vector<16xi32>, vector<16xi32>], vector<16xi32>,
          %gather3A_627 = tpu.vector_load_idx %arg14[%add3A_195, %and3A_622] : memref<320x64xi32, #tpu.memory_space<vmem>>[vector<16xi32>, vector<16xi32>], vector<16xi32>,
          %gather3A_628 = tpu.vector_load_idx %arg12[%add3A_195, %xor3A_625] : memref<320x64xi32, #tpu.memory_space<vmem>>[vector<16xi32>, vector<16xi32>], vector<16xi32>,
          %gather3A_629 = tpu.vector_load_idx %arg14[%add3A_195, %xor3A_625] : memref<320x64xi32, #tpu.memory_space<vmem>>[vector<16xi32>, vector<16xi32>], vector<16xi32>,
          %shift_left3A_630 = arith.constant 16 : i32
          %shift_left3A_631 = vector.broadcast %shift_left3A_630 : i32 to vector<16xi32>
          %shift_left3A_632 = arith.shli %gather3A_626, %shift_left3A_631 : vector<16xi32>
          %bitcast_convert_type3A_633 = tpu.bitcast %shift_left3A_632 : vector<16xi32> -> vector<16xf32>
          %shift_left3A_634 = arith.constant 16 : i32
          %shift_left3A_635 = vector.broadcast %shift_left3A_634 : i32 to vector<16xi32>
          %shift_left3A_636 = arith.shli %gather3A_627, %shift_left3A_635 : vector<16xi32>
          %bitcast_convert_type3A_637 = tpu.bitcast %shift_left3A_636 : vector<16xi32> -> vector<16xf32>
          %and3A_638 = arith.constant -65536 : i32
          %and3A_639 = vector.broadcast %and3A_638 : i32 to vector<16xi32>
          %and3A_640 = arith.andi %gather3A_626, %and3A_639 : vector<16xi32>
          %bitcast_convert_type3A_641 = tpu.bitcast %and3A_640 : vector<16xi32> -> vector<16xf32>
          %and3A_642 = arith.constant -65536 : i32
          %and3A_643 = vector.broadcast %and3A_642 : i32 to vector<16xi32>
          %and3A_644 = arith.andi %gather3A_627, %and3A_643 : vector<16xi32>
          %bitcast_convert_type3A_645 = tpu.bitcast %and3A_644 : vector<16xi32> -> vector<16xf32>
          %shift_left3A_646 = arith.constant 16 : i32
          %shift_left3A_647 = vector.broadcast %shift_left3A_646 : i32 to vector<16xi32>
          %shift_left3A_648 = arith.shli %gather3A_628, %shift_left3A_647 : vector<16xi32>
          %bitcast_convert_type3A_649 = tpu.bitcast %shift_left3A_648 : vector<16xi32> -> vector<16xf32>
          %shift_left3A_650 = arith.constant 16 : i32
          %shift_left3A_651 = vector.broadcast %shift_left3A_650 : i32 to vector<16xi32>
          %shift_left3A_652 = arith.shli %gather3A_629, %shift_left3A_651 : vector<16xi32>
          %bitcast_convert_type3A_653 = tpu.bitcast %shift_left3A_652 : vector<16xi32> -> vector<16xf32>
          %and3A_654 = arith.constant -65536 : i32
          %and3A_655 = vector.broadcast %and3A_654 : i32 to vector<16xi32>
          %and3A_656 = arith.andi %gather3A_628, %and3A_655 : vector<16xi32>
          %bitcast_convert_type3A_657 = tpu.bitcast %and3A_656 : vector<16xi32> -> vector<16xf32>
          %and3A_658 = arith.constant -65536 : i32
          %and3A_659 = vector.broadcast %and3A_658 : i32 to vector<16xi32>
          %and3A_660 = arith.andi %gather3A_629, %and3A_659 : vector<16xi32>
          %bitcast_convert_type3A_661 = tpu.bitcast %and3A_660 : vector<16xi32> -> vector<16xf32>
          %mul3A_662 = arith.mulf %bitcast_convert_type3A_633, %bitcast_convert_type3A_637 : vector<16xf32>
          %add3A_663 = arith.addf %add3A_607, %mul3A_662 : vector<16xf32>
          %mul3A_664 = arith.mulf %bitcast_convert_type3A_649, %bitcast_convert_type3A_653 : vector<16xf32>
          %add3A_665 = arith.addf %add3A_609, %mul3A_664 : vector<16xf32>
          %mul3A_666 = arith.mulf %bitcast_convert_type3A_641, %bitcast_convert_type3A_645 : vector<16xf32>
          %add3A_667 = arith.addf %add3A_611, %mul3A_666 : vector<16xf32>
          %mul3A_668 = arith.mulf %bitcast_convert_type3A_657, %bitcast_convert_type3A_661 : vector<16xf32>
          %add3A_669 = arith.addf %add3A_613, %mul3A_668 : vector<16xf32>
          scf.yield %add3A_663, %add3A_665, %add3A_667, %add3A_669 : vector<16xf32>, vector<16xf32>, vector<16xf32>, vector<16xf32>
        }
        %scan3A_202 = arith.constant 32 : i32
        %add3A_203 = arith.addf %scan3A_201#0, %scan3A_201#1 : vector<16xf32>
        %add3A_204 = arith.addf %scan3A_201#2, %scan3A_201#3 : vector<16xf32>
        %add3A_205 = arith.addf %add3A_203, %add3A_204 : vector<16xf32>
        %abs3A = math.absf %add3A_205 : vector<16xf32>
        %mul3A_206 = arith.constant -2.000000e+00 : f32
        %mul3A_207 = vector.broadcast %mul3A_206 : f32 to vector<16xf32>
        %mul3A_208 = arith.mulf %abs3A, %mul3A_207 : vector<16xf32>
        %exp3A = math.exp %mul3A_208 : vector<16xf32>
        %sub3A_209 = arith.constant 1.000000e+00 : f32
        %sub3A_210 = vector.broadcast %sub3A_209 : f32 to vector<16xf32>
        %sub3A_211 = arith.subf %sub3A_210, %exp3A : vector<16xf32>
        %add3A_212 = arith.constant 1.000000e+00 : f32
        %add3A_213 = vector.broadcast %add3A_212 : f32 to vector<16xf32>
        %add3A_214 = arith.addf %add3A_213, %exp3A : vector<16xf32>
        %div3A = arith.divf %sub3A_211, %add3A_214 : vector<16xf32>
        %lt3A_215 = arith.constant 0.000000e+00 : f32
        %lt3A_216 = vector.broadcast %lt3A_215 : f32 to vector<16xf32>
        %lt3A_217 = arith.cmpf olt, %add3A_205, %lt3A_216 : vector<16xf32>
        %neg3A = arith.constant 0.000000e+00 : f32
        %neg3A_218 = vector.broadcast %neg3A : f32 to vector<16xf32>
        %neg3A_219 = arith.subf %neg3A_218, %div3A : vector<16xf32>
        %select_n3A = arith.select %lt3A_217, %neg3A_219, %div3A : vector<16xi1>, vector<16xf32>
        %mul3A_220 = arith.constant 16 : i32
        %mul3A_221 = arith.muli %scan3A_191, %mul3A_220 : i32
        %multiple_of3A_222 = tpu.assume_multiple %mul3A_221, 16 : i32
        %swap3A = arith.index_cast %multiple_of3A_222 : i32 to index
        %swap3A_223 = tpu.vector_load %arg16[%swap3A] {strides = array<i32>} : memref<320xf32, #tpu.memory_space<vmem>>, vector<16xf32>,
        tpu.vector_store %arg16[%swap3A], %select_n3A {strides = array<i32>} : memref<320xf32, #tpu.memory_space<vmem>>, vector<16xf32>,
      }
      %scan3A_184 = arith.constant 20 : i32
      %mul3A_185 = arith.constant 320 : i32
      %mul3A_186 = arith.muli %add3A_153, %mul3A_185 : i32
      %add3A_187 = arith.addi %mul3A_2, %mul3A_186 : i32
      %multiple_of3A_188 = tpu.assume_multiple %add3A_187, 8 : i32
      %dma_start3A_189 = tpu.memref_slice %arg6[%multiple_of3A_188] : memref<320000xf32, #tpu.memory_space<hbm>> -> memref<320xf32, #tpu.memory_space<hbm>>
      %dma_start3A_190 = tpu.memref_slice %arg6[%multiple_of3A_188] : memref<320000xf32, #tpu.memory_space<hbm>> -> memref<320xf32, #tpu.memory_space<hbm>>
      tpu.enqueue_dma source(%arg16 : memref<320xf32, #tpu.memory_space<vmem>>) target(%dma_start3A_190 : memref<320xf32, #tpu.memory_space<hbm>>) target_semaphore(%arg25 : memref<!tpu.dma_semaphore, #tpu.memory_space<semaphore_mem>>)
    }
    %scan3A_36 = arith.constant 15 : i32
    %dma_wait3A_37 = arith.constant 0 : i32
    %dma_wait3A_38 = arith.constant 0 : i32
    %dma_wait3A_39 = tpu.memref_slice %arg17[%dma_wait3A_37, %dma_wait3A_38] : memref<10000x64xi32, #tpu.memory_space<vmem_shared>> -> memref<10000x64xi32, #tpu.memory_space<vmem_shared>>
    tpu.wait_indirect_dma semaphore(%arg20 : memref<!tpu.dma_semaphore, #tpu.memory_space<semaphore_mem>>) src(%dma_wait3A_39 : memref<10000x64xi32, #tpu.memory_space<vmem_shared>>) dst(%arg11 : memref<320x64xi32, #tpu.memory_space<vmem>>)
    %dma_wait3A_40 = arith.constant 0 : i32
    %dma_wait3A_41 = arith.constant 0 : i32
    %dma_wait3A_42 = tpu.memref_slice %arg3[%dma_wait3A_40, %dma_wait3A_41] : memref<10000x64xi32, #tpu.memory_space<hbm>> -> memref<10000x64xi32, #tpu.memory_space<hbm>>
    tpu.wait_indirect_dma semaphore(%arg22 : memref<!tpu.dma_semaphore, #tpu.memory_space<semaphore_mem>>) src(%dma_wait3A_42 : memref<10000x64xi32, #tpu.memory_space<hbm>>) dst(%arg13 : memref<320x64xi32, #tpu.memory_space<vmem>>)
    %add3A_43 = arith.constant 8960 : i32
    %add3A_44 = arith.addi %mul3A_2, %add3A_43 : i32
    %multiple_of3A_45 = tpu.assume_multiple %add3A_44, 8 : i32
    %dma_wait3A_46 = tpu.memref_slice %arg6[%multiple_of3A_45] : memref<320000xf32, #tpu.memory_space<hbm>> -> memref<320xf32, #tpu.memory_space<hbm>>
    %dma_wait3A_47 = tpu.memref_slice %arg6[%multiple_of3A_45] : memref<320000xf32, #tpu.memory_space<hbm>> -> memref<320xf32, #tpu.memory_space<hbm>>
    tpu.wait_dma2 semaphore(%arg24 : memref<!tpu.dma_semaphore, #tpu.memory_space<semaphore_mem>>) src(%arg15 : memref<320xf32, #tpu.memory_space<vmem>>) dst(%dma_wait3A_47 : memref<320xf32, #tpu.memory_space<hbm>>)
    %add3A_48 = arith.constant 9280 : i32
    %add3A_49 = arith.addi %mul3A_2, %add3A_48 : i32
    %multiple_of3A_50 = tpu.assume_multiple %add3A_49, 8 : i32
    %dma_wait3A_51 = tpu.memref_slice %arg6[%multiple_of3A_50] : memref<320000xf32, #tpu.memory_space<hbm>> -> memref<320xf32, #tpu.memory_space<hbm>>
    %dma_wait3A_52 = tpu.memref_slice %arg6[%multiple_of3A_50] : memref<320000xf32, #tpu.memory_space<hbm>> -> memref<320xf32, #tpu.memory_space<hbm>>
    tpu.wait_dma2 semaphore(%arg25 : memref<!tpu.dma_semaphore, #tpu.memory_space<semaphore_mem>>) src(%arg16 : memref<320xf32, #tpu.memory_space<vmem>>) dst(%dma_wait3A_52 : memref<320xf32, #tpu.memory_space<hbm>>)
    %scan3A_53 = arith.constant 0 : i32
    %scan3A_54 = arith.constant 0 : i32
    %scan3A_55 = arith.constant 20 : i32
    %scan3A_56 = arith.addi %scan3A_54, %scan3A_55 : i32
    %scan3A_57 = arith.constant 1 : i32
    scf.for %scan3A_110 = %scan3A_54 to %scan3A_56 step %scan3A_57  : i32 {
      %mul3A_111 = arith.constant 16 : i32
      %mul3A_112 = arith.muli %scan3A_110, %mul3A_111 : i32
      %add3A_113 = vector.broadcast %mul3A_112 : i32 to vector<16xi32>
      %add3A_114 = arith.addi %iota3A, %add3A_113 : vector<16xi32>
      %broadcast_in_dim3A = arith.constant 0.000000e+00 : f32
      %broadcast_in_dim3A_115 = vector.broadcast %broadcast_in_dim3A : f32 to vector<16xf32>
      %scan3A_116 = arith.constant 0 : i32
      %scan3A_117 = arith.constant 32 : i32
      %scan3A_118 = arith.addi %scan3A_116, %scan3A_117 : i32
      %scan3A_119 = arith.constant 8 : i32
      %scan3A_120:4 = scf.for %scan3A_142 = %scan3A_116 to %scan3A_118 step %scan3A_119 iter_args(%scan3A_143 = %broadcast_in_dim3A_115, %scan3A_144 = %broadcast_in_dim3A_115, %scan3A_145 = %broadcast_in_dim3A_115, %scan3A_146 = %broadcast_in_dim3A_115) -> (vector<16xf32>, vector<16xf32>, vector<16xf32>, vector<16xf32>)  : i32 {
        %mul3A_147 = arith.constant 2 : i32
        %mul3A_148 = arith.muli %scan3A_142, %mul3A_147 : i32
        %add3A_149 = vector.broadcast %mul3A_148 : i32 to vector<16xi32>
        %add3A_150 = arith.addi %iota3A, %add3A_149 : vector<16xi32>
        %and3A = arith.constant 63 : i32
        %and3A_151 = vector.broadcast %and3A : i32 to vector<16xi32>
        %and3A_152 = arith.andi %add3A_150, %and3A_151 : vector<16xi32>
        %xor3A = arith.constant 1 : i32
        %xor3A_153 = vector.broadcast %xor3A : i32 to vector<16xi32>
        %xor3A_154 = arith.xori %and3A_152, %xor3A_153 : vector<16xi32>
        %gather3A = tpu.vector_load_idx %arg11[%add3A_114, %and3A_152] : memref<320x64xi32, #tpu.memory_space<vmem>>[vector<16xi32>, vector<16xi32>], vector<16xi32>,
        %gather3A_155 = tpu.vector_load_idx %arg13[%add3A_114, %and3A_152] : memref<320x64xi32, #tpu.memory_space<vmem>>[vector<16xi32>, vector<16xi32>], vector<16xi32>,
        %gather3A_156 = tpu.vector_load_idx %arg11[%add3A_114, %xor3A_154] : memref<320x64xi32, #tpu.memory_space<vmem>>[vector<16xi32>, vector<16xi32>], vector<16xi32>,
        %gather3A_157 = tpu.vector_load_idx %arg13[%add3A_114, %xor3A_154] : memref<320x64xi32, #tpu.memory_space<vmem>>[vector<16xi32>, vector<16xi32>], vector<16xi32>,
        %shift_left3A = arith.constant 16 : i32
        %shift_left3A_158 = vector.broadcast %shift_left3A : i32 to vector<16xi32>
        %shift_left3A_159 = arith.shli %gather3A, %shift_left3A_158 : vector<16xi32>
        %bitcast_convert_type3A = tpu.bitcast %shift_left3A_159 : vector<16xi32> -> vector<16xf32>
        %shift_left3A_160 = arith.constant 16 : i32
        %shift_left3A_161 = vector.broadcast %shift_left3A_160 : i32 to vector<16xi32>
        %shift_left3A_162 = arith.shli %gather3A_155, %shift_left3A_161 : vector<16xi32>
        %bitcast_convert_type3A_163 = tpu.bitcast %shift_left3A_162 : vector<16xi32> -> vector<16xf32>
        %and3A_164 = arith.constant -65536 : i32
        %and3A_165 = vector.broadcast %and3A_164 : i32 to vector<16xi32>
        %and3A_166 = arith.andi %gather3A, %and3A_165 : vector<16xi32>
        %bitcast_convert_type3A_167 = tpu.bitcast %and3A_166 : vector<16xi32> -> vector<16xf32>
        %and3A_168 = arith.constant -65536 : i32
        %and3A_169 = vector.broadcast %and3A_168 : i32 to vector<16xi32>
        %and3A_170 = arith.andi %gather3A_155, %and3A_169 : vector<16xi32>
        %bitcast_convert_type3A_171 = tpu.bitcast %and3A_170 : vector<16xi32> -> vector<16xf32>
        %shift_left3A_172 = arith.constant 16 : i32
        %shift_left3A_173 = vector.broadcast %shift_left3A_172 : i32 to vector<16xi32>
        %shift_left3A_174 = arith.shli %gather3A_156, %shift_left3A_173 : vector<16xi32>
        %bitcast_convert_type3A_175 = tpu.bitcast %shift_left3A_174 : vector<16xi32> -> vector<16xf32>
        %shift_left3A_176 = arith.constant 16 : i32
        %shift_left3A_177 = vector.broadcast %shift_left3A_176 : i32 to vector<16xi32>
        %shift_left3A_178 = arith.shli %gather3A_157, %shift_left3A_177 : vector<16xi32>
        %bitcast_convert_type3A_179 = tpu.bitcast %shift_left3A_178 : vector<16xi32> -> vector<16xf32>
        %and3A_180 = arith.constant -65536 : i32
        %and3A_181 = vector.broadcast %and3A_180 : i32 to vector<16xi32>
        %and3A_182 = arith.andi %gather3A_156, %and3A_181 : vector<16xi32>
        %bitcast_convert_type3A_183 = tpu.bitcast %and3A_182 : vector<16xi32> -> vector<16xf32>
        %and3A_184 = arith.constant -65536 : i32
        %and3A_185 = vector.broadcast %and3A_184 : i32 to vector<16xi32>
        %and3A_186 = arith.andi %gather3A_157, %and3A_185 : vector<16xi32>
        %bitcast_convert_type3A_187 = tpu.bitcast %and3A_186 : vector<16xi32> -> vector<16xf32>
        %mul3A_188 = arith.mulf %bitcast_convert_type3A, %bitcast_convert_type3A_163 : vector<16xf32>
        %add3A_189 = arith.addf %scan3A_143, %mul3A_188 : vector<16xf32>
        %mul3A_190 = arith.mulf %bitcast_convert_type3A_175, %bitcast_convert_type3A_179 : vector<16xf32>
        %add3A_191 = arith.addf %scan3A_144, %mul3A_190 : vector<16xf32>
        %mul3A_192 = arith.mulf %bitcast_convert_type3A_167, %bitcast_convert_type3A_171 : vector<16xf32>
        %add3A_193 = arith.addf %scan3A_145, %mul3A_192 : vector<16xf32>
        %mul3A_194 = arith.mulf %bitcast_convert_type3A_183, %bitcast_convert_type3A_187 : vector<16xf32>
        %add3A_195 = arith.addf %scan3A_146, %mul3A_194 : vector<16xf32>
        %scan3A_196 = arith.constant 1 : i32
        %scan3A_197 = arith.addi %scan3A_142, %scan3A_196 : i32
        %mul3A_198 = arith.constant 2 : i32
        %mul3A_199 = arith.muli %scan3A_197, %mul3A_198 : i32
        %add3A_200 = vector.broadcast %mul3A_199 : i32 to vector<16xi32>
        %add3A_201 = arith.addi %iota3A, %add3A_200 : vector<16xi32>
        %and3A_202 = arith.constant 63 : i32
        %and3A_203 = vector.broadcast %and3A_202 : i32 to vector<16xi32>
        %and3A_204 = arith.andi %add3A_201, %and3A_203 : vector<16xi32>
        %xor3A_205 = arith.constant 1 : i32
        %xor3A_206 = vector.broadcast %xor3A_205 : i32 to vector<16xi32>
        %xor3A_207 = arith.xori %and3A_204, %xor3A_206 : vector<16xi32>
        %gather3A_208 = tpu.vector_load_idx %arg11[%add3A_114, %and3A_204] : memref<320x64xi32, #tpu.memory_space<vmem>>[vector<16xi32>, vector<16xi32>], vector<16xi32>,
        %gather3A_209 = tpu.vector_load_idx %arg13[%add3A_114, %and3A_204] : memref<320x64xi32, #tpu.memory_space<vmem>>[vector<16xi32>, vector<16xi32>], vector<16xi32>,
        %gather3A_210 = tpu.vector_load_idx %arg11[%add3A_114, %xor3A_207] : memref<320x64xi32, #tpu.memory_space<vmem>>[vector<16xi32>, vector<16xi32>], vector<16xi32>,
        %gather3A_211 = tpu.vector_load_idx %arg13[%add3A_114, %xor3A_207] : memref<320x64xi32, #tpu.memory_space<vmem>>[vector<16xi32>, vector<16xi32>], vector<16xi32>,
        %shift_left3A_212 = arith.constant 16 : i32
        %shift_left3A_213 = vector.broadcast %shift_left3A_212 : i32 to vector<16xi32>
        %shift_left3A_214 = arith.shli %gather3A_208, %shift_left3A_213 : vector<16xi32>
        %bitcast_convert_type3A_215 = tpu.bitcast %shift_left3A_214 : vector<16xi32> -> vector<16xf32>
        %shift_left3A_216 = arith.constant 16 : i32
        %shift_left3A_217 = vector.broadcast %shift_left3A_216 : i32 to vector<16xi32>
        %shift_left3A_218 = arith.shli %gather3A_209, %shift_left3A_217 : vector<16xi32>
        %bitcast_convert_type3A_219 = tpu.bitcast %shift_left3A_218 : vector<16xi32> -> vector<16xf32>
        %and3A_220 = arith.constant -65536 : i32
        %and3A_221 = vector.broadcast %and3A_220 : i32 to vector<16xi32>
        %and3A_222 = arith.andi %gather3A_208, %and3A_221 : vector<16xi32>
        %bitcast_convert_type3A_223 = tpu.bitcast %and3A_222 : vector<16xi32> -> vector<16xf32>
        %and3A_224 = arith.constant -65536 : i32
        %and3A_225 = vector.broadcast %and3A_224 : i32 to vector<16xi32>
        %and3A_226 = arith.andi %gather3A_209, %and3A_225 : vector<16xi32>
        %bitcast_convert_type3A_227 = tpu.bitcast %and3A_226 : vector<16xi32> -> vector<16xf32>
        %shift_left3A_228 = arith.constant 16 : i32
        %shift_left3A_229 = vector.broadcast %shift_left3A_228 : i32 to vector<16xi32>
        %shift_left3A_230 = arith.shli %gather3A_210, %shift_left3A_229 : vector<16xi32>
        %bitcast_convert_type3A_231 = tpu.bitcast %shift_left3A_230 : vector<16xi32> -> vector<16xf32>
        %shift_left3A_232 = arith.constant 16 : i32
        %shift_left3A_233 = vector.broadcast %shift_left3A_232 : i32 to vector<16xi32>
        %shift_left3A_234 = arith.shli %gather3A_211, %shift_left3A_233 : vector<16xi32>
        %bitcast_convert_type3A_235 = tpu.bitcast %shift_left3A_234 : vector<16xi32> -> vector<16xf32>
        %and3A_236 = arith.constant -65536 : i32
        %and3A_237 = vector.broadcast %and3A_236 : i32 to vector<16xi32>
        %and3A_238 = arith.andi %gather3A_210, %and3A_237 : vector<16xi32>
        %bitcast_convert_type3A_239 = tpu.bitcast %and3A_238 : vector<16xi32> -> vector<16xf32>
        %and3A_240 = arith.constant -65536 : i32
        %and3A_241 = vector.broadcast %and3A_240 : i32 to vector<16xi32>
        %and3A_242 = arith.andi %gather3A_211, %and3A_241 : vector<16xi32>
        %bitcast_convert_type3A_243 = tpu.bitcast %and3A_242 : vector<16xi32> -> vector<16xf32>
        %mul3A_244 = arith.mulf %bitcast_convert_type3A_215, %bitcast_convert_type3A_219 : vector<16xf32>
        %add3A_245 = arith.addf %add3A_189, %mul3A_244 : vector<16xf32>
        %mul3A_246 = arith.mulf %bitcast_convert_type3A_231, %bitcast_convert_type3A_235 : vector<16xf32>
        %add3A_247 = arith.addf %add3A_191, %mul3A_246 : vector<16xf32>
        %mul3A_248 = arith.mulf %bitcast_convert_type3A_223, %bitcast_convert_type3A_227 : vector<16xf32>
        %add3A_249 = arith.addf %add3A_193, %mul3A_248 : vector<16xf32>
        %mul3A_250 = arith.mulf %bitcast_convert_type3A_239, %bitcast_convert_type3A_243 : vector<16xf32>
        %add3A_251 = arith.addf %add3A_195, %mul3A_250 : vector<16xf32>
        %scan3A_252 = arith.constant 2 : i32
        %scan3A_253 = arith.addi %scan3A_142, %scan3A_252 : i32
        %mul3A_254 = arith.constant 2 : i32
        %mul3A_255 = arith.muli %scan3A_253, %mul3A_254 : i32
        %add3A_256 = vector.broadcast %mul3A_255 : i32 to vector<16xi32>
        %add3A_257 = arith.addi %iota3A, %add3A_256 : vector<16xi32>
        %and3A_258 = arith.constant 63 : i32
        %and3A_259 = vector.broadcast %and3A_258 : i32 to vector<16xi32>
        %and3A_260 = arith.andi %add3A_257, %and3A_259 : vector<16xi32>
        %xor3A_261 = arith.constant 1 : i32
        %xor3A_262 = vector.broadcast %xor3A_261 : i32 to vector<16xi32>
        %xor3A_263 = arith.xori %and3A_260, %xor3A_262 : vector<16xi32>
        %gather3A_264 = tpu.vector_load_idx %arg11[%add3A_114, %and3A_260] : memref<320x64xi32, #tpu.memory_space<vmem>>[vector<16xi32>, vector<16xi32>], vector<16xi32>,
        %gather3A_265 = tpu.vector_load_idx %arg13[%add3A_114, %and3A_260] : memref<320x64xi32, #tpu.memory_space<vmem>>[vector<16xi32>, vector<16xi32>], vector<16xi32>,
        %gather3A_266 = tpu.vector_load_idx %arg11[%add3A_114, %xor3A_263] : memref<320x64xi32, #tpu.memory_space<vmem>>[vector<16xi32>, vector<16xi32>], vector<16xi32>,
        %gather3A_267 = tpu.vector_load_idx %arg13[%add3A_114, %xor3A_263] : memref<320x64xi32, #tpu.memory_space<vmem>>[vector<16xi32>, vector<16xi32>], vector<16xi32>,
        %shift_left3A_268 = arith.constant 16 : i32
        %shift_left3A_269 = vector.broadcast %shift_left3A_268 : i32 to vector<16xi32>
        %shift_left3A_270 = arith.shli %gather3A_264, %shift_left3A_269 : vector<16xi32>
        %bitcast_convert_type3A_271 = tpu.bitcast %shift_left3A_270 : vector<16xi32> -> vector<16xf32>
        %shift_left3A_272 = arith.constant 16 : i32
        %shift_left3A_273 = vector.broadcast %shift_left3A_272 : i32 to vector<16xi32>
        %shift_left3A_274 = arith.shli %gather3A_265, %shift_left3A_273 : vector<16xi32>
        %bitcast_convert_type3A_275 = tpu.bitcast %shift_left3A_274 : vector<16xi32> -> vector<16xf32>
        %and3A_276 = arith.constant -65536 : i32
        %and3A_277 = vector.broadcast %and3A_276 : i32 to vector<16xi32>
        %and3A_278 = arith.andi %gather3A_264, %and3A_277 : vector<16xi32>
        %bitcast_convert_type3A_279 = tpu.bitcast %and3A_278 : vector<16xi32> -> vector<16xf32>
        %and3A_280 = arith.constant -65536 : i32
        %and3A_281 = vector.broadcast %and3A_280 : i32 to vector<16xi32>
        %and3A_282 = arith.andi %gather3A_265, %and3A_281 : vector<16xi32>
        %bitcast_convert_type3A_283 = tpu.bitcast %and3A_282 : vector<16xi32> -> vector<16xf32>
        %shift_left3A_284 = arith.constant 16 : i32
        %shift_left3A_285 = vector.broadcast %shift_left3A_284 : i32 to vector<16xi32>
        %shift_left3A_286 = arith.shli %gather3A_266, %shift_left3A_285 : vector<16xi32>
        %bitcast_convert_type3A_287 = tpu.bitcast %shift_left3A_286 : vector<16xi32> -> vector<16xf32>
        %shift_left3A_288 = arith.constant 16 : i32
        %shift_left3A_289 = vector.broadcast %shift_left3A_288 : i32 to vector<16xi32>
        %shift_left3A_290 = arith.shli %gather3A_267, %shift_left3A_289 : vector<16xi32>
        %bitcast_convert_type3A_291 = tpu.bitcast %shift_left3A_290 : vector<16xi32> -> vector<16xf32>
        %and3A_292 = arith.constant -65536 : i32
        %and3A_293 = vector.broadcast %and3A_292 : i32 to vector<16xi32>
        %and3A_294 = arith.andi %gather3A_266, %and3A_293 : vector<16xi32>
        %bitcast_convert_type3A_295 = tpu.bitcast %and3A_294 : vector<16xi32> -> vector<16xf32>
        %and3A_296 = arith.constant -65536 : i32
        %and3A_297 = vector.broadcast %and3A_296 : i32 to vector<16xi32>
        %and3A_298 = arith.andi %gather3A_267, %and3A_297 : vector<16xi32>
        %bitcast_convert_type3A_299 = tpu.bitcast %and3A_298 : vector<16xi32> -> vector<16xf32>
        %mul3A_300 = arith.mulf %bitcast_convert_type3A_271, %bitcast_convert_type3A_275 : vector<16xf32>
        %add3A_301 = arith.addf %add3A_245, %mul3A_300 : vector<16xf32>
        %mul3A_302 = arith.mulf %bitcast_convert_type3A_287, %bitcast_convert_type3A_291 : vector<16xf32>
        %add3A_303 = arith.addf %add3A_247, %mul3A_302 : vector<16xf32>
        %mul3A_304 = arith.mulf %bitcast_convert_type3A_279, %bitcast_convert_type3A_283 : vector<16xf32>
        %add3A_305 = arith.addf %add3A_249, %mul3A_304 : vector<16xf32>
        %mul3A_306 = arith.mulf %bitcast_convert_type3A_295, %bitcast_convert_type3A_299 : vector<16xf32>
        %add3A_307 = arith.addf %add3A_251, %mul3A_306 : vector<16xf32>
        %scan3A_308 = arith.constant 3 : i32
        %scan3A_309 = arith.addi %scan3A_142, %scan3A_308 : i32
        %mul3A_310 = arith.constant 2 : i32
        %mul3A_311 = arith.muli %scan3A_309, %mul3A_310 : i32
        %add3A_312 = vector.broadcast %mul3A_311 : i32 to vector<16xi32>
        %add3A_313 = arith.addi %iota3A, %add3A_312 : vector<16xi32>
        %and3A_314 = arith.constant 63 : i32
        %and3A_315 = vector.broadcast %and3A_314 : i32 to vector<16xi32>
        %and3A_316 = arith.andi %add3A_313, %and3A_315 : vector<16xi32>
        %xor3A_317 = arith.constant 1 : i32
        %xor3A_318 = vector.broadcast %xor3A_317 : i32 to vector<16xi32>
        %xor3A_319 = arith.xori %and3A_316, %xor3A_318 : vector<16xi32>
        %gather3A_320 = tpu.vector_load_idx %arg11[%add3A_114, %and3A_316] : memref<320x64xi32, #tpu.memory_space<vmem>>[vector<16xi32>, vector<16xi32>], vector<16xi32>,
        %gather3A_321 = tpu.vector_load_idx %arg13[%add3A_114, %and3A_316] : memref<320x64xi32, #tpu.memory_space<vmem>>[vector<16xi32>, vector<16xi32>], vector<16xi32>,
        %gather3A_322 = tpu.vector_load_idx %arg11[%add3A_114, %xor3A_319] : memref<320x64xi32, #tpu.memory_space<vmem>>[vector<16xi32>, vector<16xi32>], vector<16xi32>,
        %gather3A_323 = tpu.vector_load_idx %arg13[%add3A_114, %xor3A_319] : memref<320x64xi32, #tpu.memory_space<vmem>>[vector<16xi32>, vector<16xi32>], vector<16xi32>,
        %shift_left3A_324 = arith.constant 16 : i32
        %shift_left3A_325 = vector.broadcast %shift_left3A_324 : i32 to vector<16xi32>
        %shift_left3A_326 = arith.shli %gather3A_320, %shift_left3A_325 : vector<16xi32>
        %bitcast_convert_type3A_327 = tpu.bitcast %shift_left3A_326 : vector<16xi32> -> vector<16xf32>
        %shift_left3A_328 = arith.constant 16 : i32
        %shift_left3A_329 = vector.broadcast %shift_left3A_328 : i32 to vector<16xi32>
        %shift_left3A_330 = arith.shli %gather3A_321, %shift_left3A_329 : vector<16xi32>
        %bitcast_convert_type3A_331 = tpu.bitcast %shift_left3A_330 : vector<16xi32> -> vector<16xf32>
        %and3A_332 = arith.constant -65536 : i32
        %and3A_333 = vector.broadcast %and3A_332 : i32 to vector<16xi32>
        %and3A_334 = arith.andi %gather3A_320, %and3A_333 : vector<16xi32>
        %bitcast_convert_type3A_335 = tpu.bitcast %and3A_334 : vector<16xi32> -> vector<16xf32>
        %and3A_336 = arith.constant -65536 : i32
        %and3A_337 = vector.broadcast %and3A_336 : i32 to vector<16xi32>
        %and3A_338 = arith.andi %gather3A_321, %and3A_337 : vector<16xi32>
        %bitcast_convert_type3A_339 = tpu.bitcast %and3A_338 : vector<16xi32> -> vector<16xf32>
        %shift_left3A_340 = arith.constant 16 : i32
        %shift_left3A_341 = vector.broadcast %shift_left3A_340 : i32 to vector<16xi32>
        %shift_left3A_342 = arith.shli %gather3A_322, %shift_left3A_341 : vector<16xi32>
        %bitcast_convert_type3A_343 = tpu.bitcast %shift_left3A_342 : vector<16xi32> -> vector<16xf32>
        %shift_left3A_344 = arith.constant 16 : i32
        %shift_left3A_345 = vector.broadcast %shift_left3A_344 : i32 to vector<16xi32>
        %shift_left3A_346 = arith.shli %gather3A_323, %shift_left3A_345 : vector<16xi32>
        %bitcast_convert_type3A_347 = tpu.bitcast %shift_left3A_346 : vector<16xi32> -> vector<16xf32>
        %and3A_348 = arith.constant -65536 : i32
        %and3A_349 = vector.broadcast %and3A_348 : i32 to vector<16xi32>
        %and3A_350 = arith.andi %gather3A_322, %and3A_349 : vector<16xi32>
        %bitcast_convert_type3A_351 = tpu.bitcast %and3A_350 : vector<16xi32> -> vector<16xf32>
        %and3A_352 = arith.constant -65536 : i32
        %and3A_353 = vector.broadcast %and3A_352 : i32 to vector<16xi32>
        %and3A_354 = arith.andi %gather3A_323, %and3A_353 : vector<16xi32>
        %bitcast_convert_type3A_355 = tpu.bitcast %and3A_354 : vector<16xi32> -> vector<16xf32>
        %mul3A_356 = arith.mulf %bitcast_convert_type3A_327, %bitcast_convert_type3A_331 : vector<16xf32>
        %add3A_357 = arith.addf %add3A_301, %mul3A_356 : vector<16xf32>
        %mul3A_358 = arith.mulf %bitcast_convert_type3A_343, %bitcast_convert_type3A_347 : vector<16xf32>
        %add3A_359 = arith.addf %add3A_303, %mul3A_358 : vector<16xf32>
        %mul3A_360 = arith.mulf %bitcast_convert_type3A_335, %bitcast_convert_type3A_339 : vector<16xf32>
        %add3A_361 = arith.addf %add3A_305, %mul3A_360 : vector<16xf32>
        %mul3A_362 = arith.mulf %bitcast_convert_type3A_351, %bitcast_convert_type3A_355 : vector<16xf32>
        %add3A_363 = arith.addf %add3A_307, %mul3A_362 : vector<16xf32>
        %scan3A_364 = arith.constant 4 : i32
        %scan3A_365 = arith.addi %scan3A_142, %scan3A_364 : i32
        %mul3A_366 = arith.constant 2 : i32
        %mul3A_367 = arith.muli %scan3A_365, %mul3A_366 : i32
        %add3A_368 = vector.broadcast %mul3A_367 : i32 to vector<16xi32>
        %add3A_369 = arith.addi %iota3A, %add3A_368 : vector<16xi32>
        %and3A_370 = arith.constant 63 : i32
        %and3A_371 = vector.broadcast %and3A_370 : i32 to vector<16xi32>
        %and3A_372 = arith.andi %add3A_369, %and3A_371 : vector<16xi32>
        %xor3A_373 = arith.constant 1 : i32
        %xor3A_374 = vector.broadcast %xor3A_373 : i32 to vector<16xi32>
        %xor3A_375 = arith.xori %and3A_372, %xor3A_374 : vector<16xi32>
        %gather3A_376 = tpu.vector_load_idx %arg11[%add3A_114, %and3A_372] : memref<320x64xi32, #tpu.memory_space<vmem>>[vector<16xi32>, vector<16xi32>], vector<16xi32>,
        %gather3A_377 = tpu.vector_load_idx %arg13[%add3A_114, %and3A_372] : memref<320x64xi32, #tpu.memory_space<vmem>>[vector<16xi32>, vector<16xi32>], vector<16xi32>,
        %gather3A_378 = tpu.vector_load_idx %arg11[%add3A_114, %xor3A_375] : memref<320x64xi32, #tpu.memory_space<vmem>>[vector<16xi32>, vector<16xi32>], vector<16xi32>,
        %gather3A_379 = tpu.vector_load_idx %arg13[%add3A_114, %xor3A_375] : memref<320x64xi32, #tpu.memory_space<vmem>>[vector<16xi32>, vector<16xi32>], vector<16xi32>,
        %shift_left3A_380 = arith.constant 16 : i32
        %shift_left3A_381 = vector.broadcast %shift_left3A_380 : i32 to vector<16xi32>
        %shift_left3A_382 = arith.shli %gather3A_376, %shift_left3A_381 : vector<16xi32>
        %bitcast_convert_type3A_383 = tpu.bitcast %shift_left3A_382 : vector<16xi32> -> vector<16xf32>
        %shift_left3A_384 = arith.constant 16 : i32
        %shift_left3A_385 = vector.broadcast %shift_left3A_384 : i32 to vector<16xi32>
        %shift_left3A_386 = arith.shli %gather3A_377, %shift_left3A_385 : vector<16xi32>
        %bitcast_convert_type3A_387 = tpu.bitcast %shift_left3A_386 : vector<16xi32> -> vector<16xf32>
        %and3A_388 = arith.constant -65536 : i32
        %and3A_389 = vector.broadcast %and3A_388 : i32 to vector<16xi32>
        %and3A_390 = arith.andi %gather3A_376, %and3A_389 : vector<16xi32>
        %bitcast_convert_type3A_391 = tpu.bitcast %and3A_390 : vector<16xi32> -> vector<16xf32>
        %and3A_392 = arith.constant -65536 : i32
        %and3A_393 = vector.broadcast %and3A_392 : i32 to vector<16xi32>
        %and3A_394 = arith.andi %gather3A_377, %and3A_393 : vector<16xi32>
        %bitcast_convert_type3A_395 = tpu.bitcast %and3A_394 : vector<16xi32> -> vector<16xf32>
        %shift_left3A_396 = arith.constant 16 : i32
        %shift_left3A_397 = vector.broadcast %shift_left3A_396 : i32 to vector<16xi32>
        %shift_left3A_398 = arith.shli %gather3A_378, %shift_left3A_397 : vector<16xi32>
        %bitcast_convert_type3A_399 = tpu.bitcast %shift_left3A_398 : vector<16xi32> -> vector<16xf32>
        %shift_left3A_400 = arith.constant 16 : i32
        %shift_left3A_401 = vector.broadcast %shift_left3A_400 : i32 to vector<16xi32>
        %shift_left3A_402 = arith.shli %gather3A_379, %shift_left3A_401 : vector<16xi32>
        %bitcast_convert_type3A_403 = tpu.bitcast %shift_left3A_402 : vector<16xi32> -> vector<16xf32>
        %and3A_404 = arith.constant -65536 : i32
        %and3A_405 = vector.broadcast %and3A_404 : i32 to vector<16xi32>
        %and3A_406 = arith.andi %gather3A_378, %and3A_405 : vector<16xi32>
        %bitcast_convert_type3A_407 = tpu.bitcast %and3A_406 : vector<16xi32> -> vector<16xf32>
        %and3A_408 = arith.constant -65536 : i32
        %and3A_409 = vector.broadcast %and3A_408 : i32 to vector<16xi32>
        %and3A_410 = arith.andi %gather3A_379, %and3A_409 : vector<16xi32>
        %bitcast_convert_type3A_411 = tpu.bitcast %and3A_410 : vector<16xi32> -> vector<16xf32>
        %mul3A_412 = arith.mulf %bitcast_convert_type3A_383, %bitcast_convert_type3A_387 : vector<16xf32>
        %add3A_413 = arith.addf %add3A_357, %mul3A_412 : vector<16xf32>
        %mul3A_414 = arith.mulf %bitcast_convert_type3A_399, %bitcast_convert_type3A_403 : vector<16xf32>
        %add3A_415 = arith.addf %add3A_359, %mul3A_414 : vector<16xf32>
        %mul3A_416 = arith.mulf %bitcast_convert_type3A_391, %bitcast_convert_type3A_395 : vector<16xf32>
        %add3A_417 = arith.addf %add3A_361, %mul3A_416 : vector<16xf32>
        %mul3A_418 = arith.mulf %bitcast_convert_type3A_407, %bitcast_convert_type3A_411 : vector<16xf32>
        %add3A_419 = arith.addf %add3A_363, %mul3A_418 : vector<16xf32>
        %scan3A_420 = arith.constant 5 : i32
        %scan3A_421 = arith.addi %scan3A_142, %scan3A_420 : i32
        %mul3A_422 = arith.constant 2 : i32
        %mul3A_423 = arith.muli %scan3A_421, %mul3A_422 : i32
        %add3A_424 = vector.broadcast %mul3A_423 : i32 to vector<16xi32>
        %add3A_425 = arith.addi %iota3A, %add3A_424 : vector<16xi32>
        %and3A_426 = arith.constant 63 : i32
        %and3A_427 = vector.broadcast %and3A_426 : i32 to vector<16xi32>
        %and3A_428 = arith.andi %add3A_425, %and3A_427 : vector<16xi32>
        %xor3A_429 = arith.constant 1 : i32
        %xor3A_430 = vector.broadcast %xor3A_429 : i32 to vector<16xi32>
        %xor3A_431 = arith.xori %and3A_428, %xor3A_430 : vector<16xi32>
        %gather3A_432 = tpu.vector_load_idx %arg11[%add3A_114, %and3A_428] : memref<320x64xi32, #tpu.memory_space<vmem>>[vector<16xi32>, vector<16xi32>], vector<16xi32>,
        %gather3A_433 = tpu.vector_load_idx %arg13[%add3A_114, %and3A_428] : memref<320x64xi32, #tpu.memory_space<vmem>>[vector<16xi32>, vector<16xi32>], vector<16xi32>,
        %gather3A_434 = tpu.vector_load_idx %arg11[%add3A_114, %xor3A_431] : memref<320x64xi32, #tpu.memory_space<vmem>>[vector<16xi32>, vector<16xi32>], vector<16xi32>,
        %gather3A_435 = tpu.vector_load_idx %arg13[%add3A_114, %xor3A_431] : memref<320x64xi32, #tpu.memory_space<vmem>>[vector<16xi32>, vector<16xi32>], vector<16xi32>,
        %shift_left3A_436 = arith.constant 16 : i32
        %shift_left3A_437 = vector.broadcast %shift_left3A_436 : i32 to vector<16xi32>
        %shift_left3A_438 = arith.shli %gather3A_432, %shift_left3A_437 : vector<16xi32>
        %bitcast_convert_type3A_439 = tpu.bitcast %shift_left3A_438 : vector<16xi32> -> vector<16xf32>
        %shift_left3A_440 = arith.constant 16 : i32
        %shift_left3A_441 = vector.broadcast %shift_left3A_440 : i32 to vector<16xi32>
        %shift_left3A_442 = arith.shli %gather3A_433, %shift_left3A_441 : vector<16xi32>
        %bitcast_convert_type3A_443 = tpu.bitcast %shift_left3A_442 : vector<16xi32> -> vector<16xf32>
        %and3A_444 = arith.constant -65536 : i32
        %and3A_445 = vector.broadcast %and3A_444 : i32 to vector<16xi32>
        %and3A_446 = arith.andi %gather3A_432, %and3A_445 : vector<16xi32>
        %bitcast_convert_type3A_447 = tpu.bitcast %and3A_446 : vector<16xi32> -> vector<16xf32>
        %and3A_448 = arith.constant -65536 : i32
        %and3A_449 = vector.broadcast %and3A_448 : i32 to vector<16xi32>
        %and3A_450 = arith.andi %gather3A_433, %and3A_449 : vector<16xi32>
        %bitcast_convert_type3A_451 = tpu.bitcast %and3A_450 : vector<16xi32> -> vector<16xf32>
        %shift_left3A_452 = arith.constant 16 : i32
        %shift_left3A_453 = vector.broadcast %shift_left3A_452 : i32 to vector<16xi32>
        %shift_left3A_454 = arith.shli %gather3A_434, %shift_left3A_453 : vector<16xi32>
        %bitcast_convert_type3A_455 = tpu.bitcast %shift_left3A_454 : vector<16xi32> -> vector<16xf32>
        %shift_left3A_456 = arith.constant 16 : i32
        %shift_left3A_457 = vector.broadcast %shift_left3A_456 : i32 to vector<16xi32>
        %shift_left3A_458 = arith.shli %gather3A_435, %shift_left3A_457 : vector<16xi32>
        %bitcast_convert_type3A_459 = tpu.bitcast %shift_left3A_458 : vector<16xi32> -> vector<16xf32>
        %and3A_460 = arith.constant -65536 : i32
        %and3A_461 = vector.broadcast %and3A_460 : i32 to vector<16xi32>
        %and3A_462 = arith.andi %gather3A_434, %and3A_461 : vector<16xi32>
        %bitcast_convert_type3A_463 = tpu.bitcast %and3A_462 : vector<16xi32> -> vector<16xf32>
        %and3A_464 = arith.constant -65536 : i32
        %and3A_465 = vector.broadcast %and3A_464 : i32 to vector<16xi32>
        %and3A_466 = arith.andi %gather3A_435, %and3A_465 : vector<16xi32>
        %bitcast_convert_type3A_467 = tpu.bitcast %and3A_466 : vector<16xi32> -> vector<16xf32>
        %mul3A_468 = arith.mulf %bitcast_convert_type3A_439, %bitcast_convert_type3A_443 : vector<16xf32>
        %add3A_469 = arith.addf %add3A_413, %mul3A_468 : vector<16xf32>
        %mul3A_470 = arith.mulf %bitcast_convert_type3A_455, %bitcast_convert_type3A_459 : vector<16xf32>
        %add3A_471 = arith.addf %add3A_415, %mul3A_470 : vector<16xf32>
        %mul3A_472 = arith.mulf %bitcast_convert_type3A_447, %bitcast_convert_type3A_451 : vector<16xf32>
        %add3A_473 = arith.addf %add3A_417, %mul3A_472 : vector<16xf32>
        %mul3A_474 = arith.mulf %bitcast_convert_type3A_463, %bitcast_convert_type3A_467 : vector<16xf32>
        %add3A_475 = arith.addf %add3A_419, %mul3A_474 : vector<16xf32>
        %scan3A_476 = arith.constant 6 : i32
        %scan3A_477 = arith.addi %scan3A_142, %scan3A_476 : i32
        %mul3A_478 = arith.constant 2 : i32
        %mul3A_479 = arith.muli %scan3A_477, %mul3A_478 : i32
        %add3A_480 = vector.broadcast %mul3A_479 : i32 to vector<16xi32>
        %add3A_481 = arith.addi %iota3A, %add3A_480 : vector<16xi32>
        %and3A_482 = arith.constant 63 : i32
        %and3A_483 = vector.broadcast %and3A_482 : i32 to vector<16xi32>
        %and3A_484 = arith.andi %add3A_481, %and3A_483 : vector<16xi32>
        %xor3A_485 = arith.constant 1 : i32
        %xor3A_486 = vector.broadcast %xor3A_485 : i32 to vector<16xi32>
        %xor3A_487 = arith.xori %and3A_484, %xor3A_486 : vector<16xi32>
        %gather3A_488 = tpu.vector_load_idx %arg11[%add3A_114, %and3A_484] : memref<320x64xi32, #tpu.memory_space<vmem>>[vector<16xi32>, vector<16xi32>], vector<16xi32>,
        %gather3A_489 = tpu.vector_load_idx %arg13[%add3A_114, %and3A_484] : memref<320x64xi32, #tpu.memory_space<vmem>>[vector<16xi32>, vector<16xi32>], vector<16xi32>,
        %gather3A_490 = tpu.vector_load_idx %arg11[%add3A_114, %xor3A_487] : memref<320x64xi32, #tpu.memory_space<vmem>>[vector<16xi32>, vector<16xi32>], vector<16xi32>,
        %gather3A_491 = tpu.vector_load_idx %arg13[%add3A_114, %xor3A_487] : memref<320x64xi32, #tpu.memory_space<vmem>>[vector<16xi32>, vector<16xi32>], vector<16xi32>,
        %shift_left3A_492 = arith.constant 16 : i32
        %shift_left3A_493 = vector.broadcast %shift_left3A_492 : i32 to vector<16xi32>
        %shift_left3A_494 = arith.shli %gather3A_488, %shift_left3A_493 : vector<16xi32>
        %bitcast_convert_type3A_495 = tpu.bitcast %shift_left3A_494 : vector<16xi32> -> vector<16xf32>
        %shift_left3A_496 = arith.constant 16 : i32
        %shift_left3A_497 = vector.broadcast %shift_left3A_496 : i32 to vector<16xi32>
        %shift_left3A_498 = arith.shli %gather3A_489, %shift_left3A_497 : vector<16xi32>
        %bitcast_convert_type3A_499 = tpu.bitcast %shift_left3A_498 : vector<16xi32> -> vector<16xf32>
        %and3A_500 = arith.constant -65536 : i32
        %and3A_501 = vector.broadcast %and3A_500 : i32 to vector<16xi32>
        %and3A_502 = arith.andi %gather3A_488, %and3A_501 : vector<16xi32>
        %bitcast_convert_type3A_503 = tpu.bitcast %and3A_502 : vector<16xi32> -> vector<16xf32>
        %and3A_504 = arith.constant -65536 : i32
        %and3A_505 = vector.broadcast %and3A_504 : i32 to vector<16xi32>
        %and3A_506 = arith.andi %gather3A_489, %and3A_505 : vector<16xi32>
        %bitcast_convert_type3A_507 = tpu.bitcast %and3A_506 : vector<16xi32> -> vector<16xf32>
        %shift_left3A_508 = arith.constant 16 : i32
        %shift_left3A_509 = vector.broadcast %shift_left3A_508 : i32 to vector<16xi32>
        %shift_left3A_510 = arith.shli %gather3A_490, %shift_left3A_509 : vector<16xi32>
        %bitcast_convert_type3A_511 = tpu.bitcast %shift_left3A_510 : vector<16xi32> -> vector<16xf32>
        %shift_left3A_512 = arith.constant 16 : i32
        %shift_left3A_513 = vector.broadcast %shift_left3A_512 : i32 to vector<16xi32>
        %shift_left3A_514 = arith.shli %gather3A_491, %shift_left3A_513 : vector<16xi32>
        %bitcast_convert_type3A_515 = tpu.bitcast %shift_left3A_514 : vector<16xi32> -> vector<16xf32>
        %and3A_516 = arith.constant -65536 : i32
        %and3A_517 = vector.broadcast %and3A_516 : i32 to vector<16xi32>
        %and3A_518 = arith.andi %gather3A_490, %and3A_517 : vector<16xi32>
        %bitcast_convert_type3A_519 = tpu.bitcast %and3A_518 : vector<16xi32> -> vector<16xf32>
        %and3A_520 = arith.constant -65536 : i32
        %and3A_521 = vector.broadcast %and3A_520 : i32 to vector<16xi32>
        %and3A_522 = arith.andi %gather3A_491, %and3A_521 : vector<16xi32>
        %bitcast_convert_type3A_523 = tpu.bitcast %and3A_522 : vector<16xi32> -> vector<16xf32>
        %mul3A_524 = arith.mulf %bitcast_convert_type3A_495, %bitcast_convert_type3A_499 : vector<16xf32>
        %add3A_525 = arith.addf %add3A_469, %mul3A_524 : vector<16xf32>
        %mul3A_526 = arith.mulf %bitcast_convert_type3A_511, %bitcast_convert_type3A_515 : vector<16xf32>
        %add3A_527 = arith.addf %add3A_471, %mul3A_526 : vector<16xf32>
        %mul3A_528 = arith.mulf %bitcast_convert_type3A_503, %bitcast_convert_type3A_507 : vector<16xf32>
        %add3A_529 = arith.addf %add3A_473, %mul3A_528 : vector<16xf32>
        %mul3A_530 = arith.mulf %bitcast_convert_type3A_519, %bitcast_convert_type3A_523 : vector<16xf32>
        %add3A_531 = arith.addf %add3A_475, %mul3A_530 : vector<16xf32>
        %scan3A_532 = arith.constant 7 : i32
        %scan3A_533 = arith.addi %scan3A_142, %scan3A_532 : i32
        %mul3A_534 = arith.constant 2 : i32
        %mul3A_535 = arith.muli %scan3A_533, %mul3A_534 : i32
        %add3A_536 = vector.broadcast %mul3A_535 : i32 to vector<16xi32>
        %add3A_537 = arith.addi %iota3A, %add3A_536 : vector<16xi32>
        %and3A_538 = arith.constant 63 : i32
        %and3A_539 = vector.broadcast %and3A_538 : i32 to vector<16xi32>
        %and3A_540 = arith.andi %add3A_537, %and3A_539 : vector<16xi32>
        %xor3A_541 = arith.constant 1 : i32
        %xor3A_542 = vector.broadcast %xor3A_541 : i32 to vector<16xi32>
        %xor3A_543 = arith.xori %and3A_540, %xor3A_542 : vector<16xi32>
        %gather3A_544 = tpu.vector_load_idx %arg11[%add3A_114, %and3A_540] : memref<320x64xi32, #tpu.memory_space<vmem>>[vector<16xi32>, vector<16xi32>], vector<16xi32>,
        %gather3A_545 = tpu.vector_load_idx %arg13[%add3A_114, %and3A_540] : memref<320x64xi32, #tpu.memory_space<vmem>>[vector<16xi32>, vector<16xi32>], vector<16xi32>,
        %gather3A_546 = tpu.vector_load_idx %arg11[%add3A_114, %xor3A_543] : memref<320x64xi32, #tpu.memory_space<vmem>>[vector<16xi32>, vector<16xi32>], vector<16xi32>,
        %gather3A_547 = tpu.vector_load_idx %arg13[%add3A_114, %xor3A_543] : memref<320x64xi32, #tpu.memory_space<vmem>>[vector<16xi32>, vector<16xi32>], vector<16xi32>,
        %shift_left3A_548 = arith.constant 16 : i32
        %shift_left3A_549 = vector.broadcast %shift_left3A_548 : i32 to vector<16xi32>
        %shift_left3A_550 = arith.shli %gather3A_544, %shift_left3A_549 : vector<16xi32>
        %bitcast_convert_type3A_551 = tpu.bitcast %shift_left3A_550 : vector<16xi32> -> vector<16xf32>
        %shift_left3A_552 = arith.constant 16 : i32
        %shift_left3A_553 = vector.broadcast %shift_left3A_552 : i32 to vector<16xi32>
        %shift_left3A_554 = arith.shli %gather3A_545, %shift_left3A_553 : vector<16xi32>
        %bitcast_convert_type3A_555 = tpu.bitcast %shift_left3A_554 : vector<16xi32> -> vector<16xf32>
        %and3A_556 = arith.constant -65536 : i32
        %and3A_557 = vector.broadcast %and3A_556 : i32 to vector<16xi32>
        %and3A_558 = arith.andi %gather3A_544, %and3A_557 : vector<16xi32>
        %bitcast_convert_type3A_559 = tpu.bitcast %and3A_558 : vector<16xi32> -> vector<16xf32>
        %and3A_560 = arith.constant -65536 : i32
        %and3A_561 = vector.broadcast %and3A_560 : i32 to vector<16xi32>
        %and3A_562 = arith.andi %gather3A_545, %and3A_561 : vector<16xi32>
        %bitcast_convert_type3A_563 = tpu.bitcast %and3A_562 : vector<16xi32> -> vector<16xf32>
        %shift_left3A_564 = arith.constant 16 : i32
        %shift_left3A_565 = vector.broadcast %shift_left3A_564 : i32 to vector<16xi32>
        %shift_left3A_566 = arith.shli %gather3A_546, %shift_left3A_565 : vector<16xi32>
        %bitcast_convert_type3A_567 = tpu.bitcast %shift_left3A_566 : vector<16xi32> -> vector<16xf32>
        %shift_left3A_568 = arith.constant 16 : i32
        %shift_left3A_569 = vector.broadcast %shift_left3A_568 : i32 to vector<16xi32>
        %shift_left3A_570 = arith.shli %gather3A_547, %shift_left3A_569 : vector<16xi32>
        %bitcast_convert_type3A_571 = tpu.bitcast %shift_left3A_570 : vector<16xi32> -> vector<16xf32>
        %and3A_572 = arith.constant -65536 : i32
        %and3A_573 = vector.broadcast %and3A_572 : i32 to vector<16xi32>
        %and3A_574 = arith.andi %gather3A_546, %and3A_573 : vector<16xi32>
        %bitcast_convert_type3A_575 = tpu.bitcast %and3A_574 : vector<16xi32> -> vector<16xf32>
        %and3A_576 = arith.constant -65536 : i32
        %and3A_577 = vector.broadcast %and3A_576 : i32 to vector<16xi32>
        %and3A_578 = arith.andi %gather3A_547, %and3A_577 : vector<16xi32>
        %bitcast_convert_type3A_579 = tpu.bitcast %and3A_578 : vector<16xi32> -> vector<16xf32>
        %mul3A_580 = arith.mulf %bitcast_convert_type3A_551, %bitcast_convert_type3A_555 : vector<16xf32>
        %add3A_581 = arith.addf %add3A_525, %mul3A_580 : vector<16xf32>
        %mul3A_582 = arith.mulf %bitcast_convert_type3A_567, %bitcast_convert_type3A_571 : vector<16xf32>
        %add3A_583 = arith.addf %add3A_527, %mul3A_582 : vector<16xf32>
        %mul3A_584 = arith.mulf %bitcast_convert_type3A_559, %bitcast_convert_type3A_563 : vector<16xf32>
        %add3A_585 = arith.addf %add3A_529, %mul3A_584 : vector<16xf32>
        %mul3A_586 = arith.mulf %bitcast_convert_type3A_575, %bitcast_convert_type3A_579 : vector<16xf32>
        %add3A_587 = arith.addf %add3A_531, %mul3A_586 : vector<16xf32>
        scf.yield %add3A_581, %add3A_583, %add3A_585, %add3A_587 : vector<16xf32>, vector<16xf32>, vector<16xf32>, vector<16xf32>
      }
      %scan3A_121 = arith.constant 32 : i32
      %add3A_122 = arith.addf %scan3A_120#0, %scan3A_120#1 : vector<16xf32>
      %add3A_123 = arith.addf %scan3A_120#2, %scan3A_120#3 : vector<16xf32>
      %add3A_124 = arith.addf %add3A_122, %add3A_123 : vector<16xf32>
      %abs3A = math.absf %add3A_124 : vector<16xf32>
      %mul3A_125 = arith.constant -2.000000e+00 : f32
      %mul3A_126 = vector.broadcast %mul3A_125 : f32 to vector<16xf32>
      %mul3A_127 = arith.mulf %abs3A, %mul3A_126 : vector<16xf32>
      %exp3A = math.exp %mul3A_127 : vector<16xf32>
      %sub3A_128 = arith.constant 1.000000e+00 : f32
      %sub3A_129 = vector.broadcast %sub3A_128 : f32 to vector<16xf32>
      %sub3A_130 = arith.subf %sub3A_129, %exp3A : vector<16xf32>
      %add3A_131 = arith.constant 1.000000e+00 : f32
      %add3A_132 = vector.broadcast %add3A_131 : f32 to vector<16xf32>
      %add3A_133 = arith.addf %add3A_132, %exp3A : vector<16xf32>
      %div3A = arith.divf %sub3A_130, %add3A_133 : vector<16xf32>
      %lt3A = arith.constant 0.000000e+00 : f32
      %lt3A_134 = vector.broadcast %lt3A : f32 to vector<16xf32>
      %lt3A_135 = arith.cmpf olt, %add3A_124, %lt3A_134 : vector<16xf32>
      %neg3A = arith.constant 0.000000e+00 : f32
      %neg3A_136 = vector.broadcast %neg3A : f32 to vector<16xf32>
      %neg3A_137 = arith.subf %neg3A_136, %div3A : vector<16xf32>
      %select_n3A = arith.select %lt3A_135, %neg3A_137, %div3A : vector<16xi1>, vector<16xf32>
      %mul3A_138 = arith.constant 16 : i32
      %mul3A_139 = arith.muli %scan3A_110, %mul3A_138 : i32
      %multiple_of3A_140 = tpu.assume_multiple %mul3A_139, 16 : i32
      %swap3A = arith.index_cast %multiple_of3A_140 : i32 to index
      %swap3A_141 = tpu.vector_load %arg15[%swap3A] {strides = array<i32>} : memref<320xf32, #tpu.memory_space<vmem>>, vector<16xf32>,
      tpu.vector_store %arg15[%swap3A], %select_n3A {strides = array<i32>} : memref<320xf32, #tpu.memory_space<vmem>>, vector<16xf32>,
    }
    %scan3A_58 = arith.constant 20 : i32
    %add3A_59 = arith.constant 9600 : i32
    %add3A_60 = arith.addi %mul3A_2, %add3A_59 : i32
    %multiple_of3A_61 = tpu.assume_multiple %add3A_60, 8 : i32
    %dma_start3A_62 = tpu.memref_slice %arg6[%multiple_of3A_61] : memref<320000xf32, #tpu.memory_space<hbm>> -> memref<320xf32, #tpu.memory_space<hbm>>
    %dma_start3A_63 = tpu.memref_slice %arg6[%multiple_of3A_61] : memref<320000xf32, #tpu.memory_space<hbm>> -> memref<320xf32, #tpu.memory_space<hbm>>
    tpu.enqueue_dma source(%arg15 : memref<320xf32, #tpu.memory_space<vmem>>) target(%dma_start3A_63 : memref<320xf32, #tpu.memory_space<hbm>>) target_semaphore(%arg24 : memref<!tpu.dma_semaphore, #tpu.memory_space<semaphore_mem>>)
    %add3A_64 = arith.constant 10000 : i32
    %add3A_65 = arith.addi %mul3A_2, %add3A_64 : i32
    %sub3A = arith.constant 80 : i32
    %sub3A_66 = arith.subi %add3A_65, %sub3A : i32
    "tpu.region"() ({
      %run_scoped3A = tpu.sem_alloc : memref<!tpu.dma_semaphore, #tpu.memory_space<semaphore_mem>>
      %dma_start3A_110 = arith.constant 0 : i32
      %dma_start3A_111 = tpu.memref_slice %arg8[%dma_start3A_110] : memref<320xi32, #tpu.memory_space<vmem>> -> memref<80xi32, #tpu.memory_space<vmem>>
      %dma_start3A_112 = tpu.memref_slice %arg4[%sub3A_66] : memref<320000xi32, #tpu.memory_space<hbm>> -> memref<80xi32, #tpu.memory_space<hbm>>
      %dma_start3A_113 = arith.constant 0 : i32
      %dma_start3A_114 = tpu.memref_slice %arg8[%dma_start3A_113] : memref<320xi32, #tpu.memory_space<vmem>> -> memref<80xi32, #tpu.memory_space<vmem>>
      %dma_start3A_115 = tpu.memref_slice %arg4[%sub3A_66] : memref<320000xi32, #tpu.memory_space<hbm>> -> memref<80xi32, #tpu.memory_space<hbm>>
      tpu.enqueue_dma source(%dma_start3A_115 : memref<80xi32, #tpu.memory_space<hbm>>) target(%dma_start3A_114 : memref<80xi32, #tpu.memory_space<vmem>>) target_semaphore(%run_scoped3A : memref<!tpu.dma_semaphore, #tpu.memory_space<semaphore_mem>>)
      %dma_wait3A_116 = arith.constant 0 : i32
      %dma_wait3A_117 = tpu.memref_slice %arg8[%dma_wait3A_116] : memref<320xi32, #tpu.memory_space<vmem>> -> memref<80xi32, #tpu.memory_space<vmem>>
      %dma_wait3A_118 = tpu.memref_slice %arg4[%sub3A_66] : memref<320000xi32, #tpu.memory_space<hbm>> -> memref<80xi32, #tpu.memory_space<hbm>>
      %dma_wait3A_119 = arith.constant 0 : i32
      %dma_wait3A_120 = tpu.memref_slice %arg8[%dma_wait3A_119] : memref<320xi32, #tpu.memory_space<vmem>> -> memref<80xi32, #tpu.memory_space<vmem>>
      %dma_wait3A_121 = tpu.memref_slice %arg4[%sub3A_66] : memref<320000xi32, #tpu.memory_space<hbm>> -> memref<80xi32, #tpu.memory_space<hbm>>
      tpu.wait_dma2 semaphore(%run_scoped3A : memref<!tpu.dma_semaphore, #tpu.memory_space<semaphore_mem>>) src(%dma_wait3A_121 : memref<80xi32, #tpu.memory_space<hbm>>) dst(%dma_wait3A_120 : memref<80xi32, #tpu.memory_space<vmem>>)
      tpu.yield
    }) : () -> ()
    "tpu.region"() ({
      %run_scoped3A = tpu.sem_alloc : memref<!tpu.dma_semaphore, #tpu.memory_space<semaphore_mem>>
      %dma_start3A_110 = arith.constant 0 : i32
      %dma_start3A_111 = tpu.memref_slice %arg10[%dma_start3A_110] : memref<320xi32, #tpu.memory_space<vmem>> -> memref<80xi32, #tpu.memory_space<vmem>>
      %dma_start3A_112 = tpu.memref_slice %arg5[%sub3A_66] : memref<320000xi32, #tpu.memory_space<hbm>> -> memref<80xi32, #tpu.memory_space<hbm>>
      %dma_start3A_113 = arith.constant 0 : i32
      %dma_start3A_114 = tpu.memref_slice %arg10[%dma_start3A_113] : memref<320xi32, #tpu.memory_space<vmem>> -> memref<80xi32, #tpu.memory_space<vmem>>
      %dma_start3A_115 = tpu.memref_slice %arg5[%sub3A_66] : memref<320000xi32, #tpu.memory_space<hbm>> -> memref<80xi32, #tpu.memory_space<hbm>>
      tpu.enqueue_dma source(%dma_start3A_115 : memref<80xi32, #tpu.memory_space<hbm>>) target(%dma_start3A_114 : memref<80xi32, #tpu.memory_space<vmem>>) target_semaphore(%run_scoped3A : memref<!tpu.dma_semaphore, #tpu.memory_space<semaphore_mem>>)
      %dma_wait3A_116 = arith.constant 0 : i32
      %dma_wait3A_117 = tpu.memref_slice %arg10[%dma_wait3A_116] : memref<320xi32, #tpu.memory_space<vmem>> -> memref<80xi32, #tpu.memory_space<vmem>>
      %dma_wait3A_118 = tpu.memref_slice %arg5[%sub3A_66] : memref<320000xi32, #tpu.memory_space<hbm>> -> memref<80xi32, #tpu.memory_space<hbm>>
      %dma_wait3A_119 = arith.constant 0 : i32
      %dma_wait3A_120 = tpu.memref_slice %arg10[%dma_wait3A_119] : memref<320xi32, #tpu.memory_space<vmem>> -> memref<80xi32, #tpu.memory_space<vmem>>
      %dma_wait3A_121 = tpu.memref_slice %arg5[%sub3A_66] : memref<320000xi32, #tpu.memory_space<hbm>> -> memref<80xi32, #tpu.memory_space<hbm>>
      tpu.wait_dma2 semaphore(%run_scoped3A : memref<!tpu.dma_semaphore, #tpu.memory_space<semaphore_mem>>) src(%dma_wait3A_121 : memref<80xi32, #tpu.memory_space<hbm>>) dst(%dma_wait3A_120 : memref<80xi32, #tpu.memory_space<vmem>>)
      tpu.yield
    }) : () -> ()
    %dma_start3A_67 = arith.constant 0 : i32
    %dma_start3A_68 = arith.constant 0 : i32
    %dma_start3A_69 = tpu.memref_slice %arg12[%dma_start3A_67, %dma_start3A_68] : memref<320x64xi32, #tpu.memory_space<vmem>> -> memref<80x64xi32, #tpu.memory_space<vmem>>
    %dma_start3A_70 = arith.constant 0 : i32
    %dma_start3A_71 = tpu.memref_slice %arg8[%dma_start3A_70] : memref<320xi32, #tpu.memory_space<vmem>> -> memref<80xi32, #tpu.memory_space<vmem>>
    %dma_start3A_72 = arith.constant 0 : i32
    %dma_start3A_73 = arith.constant 0 : i32
    %dma_start3A_74 = tpu.memref_slice %arg17[%dma_start3A_72, %dma_start3A_73] : memref<10000x64xi32, #tpu.memory_space<vmem_shared>> -> memref<10000x64xi32, #tpu.memory_space<vmem_shared>>
    tpu.enqueue_indirect_dma source(%dma_start3A_74 : memref<10000x64xi32, #tpu.memory_space<vmem_shared>>) target(%dma_start3A_69 : memref<80x64xi32, #tpu.memory_space<vmem>>) offsets(%dma_start3A_71 : memref<80xi32, #tpu.memory_space<vmem>>) semaphore(%arg21 : memref<!tpu.dma_semaphore, #tpu.memory_space<semaphore_mem>>)
    %dma_start3A_75 = arith.constant 0 : i32
    %dma_start3A_76 = arith.constant 0 : i32
    %dma_start3A_77 = tpu.memref_slice %arg14[%dma_start3A_75, %dma_start3A_76] : memref<320x64xi32, #tpu.memory_space<vmem>> -> memref<80x64xi32, #tpu.memory_space<vmem>>
    %dma_start3A_78 = arith.constant 0 : i32
    %dma_start3A_79 = tpu.memref_slice %arg10[%dma_start3A_78] : memref<320xi32, #tpu.memory_space<vmem>> -> memref<80xi32, #tpu.memory_space<vmem>>
    %dma_start3A_80 = arith.constant 0 : i32
    %dma_start3A_81 = arith.constant 0 : i32
    %dma_start3A_82 = tpu.memref_slice %arg3[%dma_start3A_80, %dma_start3A_81] : memref<10000x64xi32, #tpu.memory_space<hbm>> -> memref<10000x64xi32, #tpu.memory_space<hbm>>
    tpu.enqueue_indirect_dma source(%dma_start3A_82 : memref<10000x64xi32, #tpu.memory_space<hbm>>) target(%dma_start3A_77 : memref<80x64xi32, #tpu.memory_space<vmem>>) offsets(%dma_start3A_79 : memref<80xi32, #tpu.memory_space<vmem>>) semaphore(%arg23 : memref<!tpu.dma_semaphore, #tpu.memory_space<semaphore_mem>>)
    %dma_wait3A_83 = arith.constant 0 : i32
    %dma_wait3A_84 = arith.constant 0 : i32
    %dma_wait3A_85 = tpu.memref_slice %arg12[%dma_wait3A_83, %dma_wait3A_84] : memref<320x64xi32, #tpu.memory_space<vmem>> -> memref<80x64xi32, #tpu.memory_space<vmem>>
    %dma_wait3A_86 = arith.constant 0 : i32
    %dma_wait3A_87 = tpu.memref_slice %arg8[%dma_wait3A_86] : memref<320xi32, #tpu.memory_space<vmem>> -> memref<80xi32, #tpu.memory_space<vmem>>
    %dma_wait3A_88 = arith.constant 0 : i32
    %dma_wait3A_89 = arith.constant 0 : i32
    %dma_wait3A_90 = tpu.memref_slice %arg17[%dma_wait3A_88, %dma_wait3A_89] : memref<10000x64xi32, #tpu.memory_space<vmem_shared>> -> memref<10000x64xi32, #tpu.memory_space<vmem_shared>>
    tpu.wait_indirect_dma semaphore(%arg21 : memref<!tpu.dma_semaphore, #tpu.memory_space<semaphore_mem>>) src(%dma_wait3A_90 : memref<10000x64xi32, #tpu.memory_space<vmem_shared>>) dst(%dma_wait3A_85 : memref<80x64xi32, #tpu.memory_space<vmem>>)
    %dma_wait3A_91 = arith.constant 0 : i32
    %dma_wait3A_92 = arith.constant 0 : i32
    %dma_wait3A_93 = tpu.memref_slice %arg14[%dma_wait3A_91, %dma_wait3A_92] : memref<320x64xi32, #tpu.memory_space<vmem>> -> memref<80x64xi32, #tpu.memory_space<vmem>>
    %dma_wait3A_94 = arith.constant 0 : i32
    %dma_wait3A_95 = tpu.memref_slice %arg10[%dma_wait3A_94] : memref<320xi32, #tpu.memory_space<vmem>> -> memref<80xi32, #tpu.memory_space<vmem>>
    %dma_wait3A_96 = arith.constant 0 : i32
    %dma_wait3A_97 = arith.constant 0 : i32
    %dma_wait3A_98 = tpu.memref_slice %arg3[%dma_wait3A_96, %dma_wait3A_97] : memref<10000x64xi32, #tpu.memory_space<hbm>> -> memref<10000x64xi32, #tpu.memory_space<hbm>>
    tpu.wait_indirect_dma semaphore(%arg23 : memref<!tpu.dma_semaphore, #tpu.memory_space<semaphore_mem>>) src(%dma_wait3A_98 : memref<10000x64xi32, #tpu.memory_space<hbm>>) dst(%dma_wait3A_93 : memref<80x64xi32, #tpu.memory_space<vmem>>)
    %scan3A_99 = arith.constant 0 : i32
    %scan3A_100 = arith.constant 0 : i32
    %scan3A_101 = arith.constant 5 : i32
    %scan3A_102 = arith.addi %scan3A_100, %scan3A_101 : i32
    %scan3A_103 = arith.constant 1 : i32
    scf.for %scan3A_110 = %scan3A_100 to %scan3A_102 step %scan3A_103  : i32 {
      %mul3A_111 = arith.constant 16 : i32
      %mul3A_112 = arith.muli %scan3A_110, %mul3A_111 : i32
      %add3A_113 = vector.broadcast %mul3A_112 : i32 to vector<16xi32>
      %add3A_114 = arith.addi %iota3A, %add3A_113 : vector<16xi32>
      %broadcast_in_dim3A = arith.constant 0.000000e+00 : f32
      %broadcast_in_dim3A_115 = vector.broadcast %broadcast_in_dim3A : f32 to vector<16xf32>
      %scan3A_116 = arith.constant 0 : i32
      %scan3A_117 = arith.constant 32 : i32
      %scan3A_118 = arith.addi %scan3A_116, %scan3A_117 : i32
      %scan3A_119 = arith.constant 8 : i32
      %scan3A_120:4 = scf.for %scan3A_142 = %scan3A_116 to %scan3A_118 step %scan3A_119 iter_args(%scan3A_143 = %broadcast_in_dim3A_115, %scan3A_144 = %broadcast_in_dim3A_115, %scan3A_145 = %broadcast_in_dim3A_115, %scan3A_146 = %broadcast_in_dim3A_115) -> (vector<16xf32>, vector<16xf32>, vector<16xf32>, vector<16xf32>)  : i32 {
        %mul3A_147 = arith.constant 2 : i32
        %mul3A_148 = arith.muli %scan3A_142, %mul3A_147 : i32
        %add3A_149 = vector.broadcast %mul3A_148 : i32 to vector<16xi32>
        %add3A_150 = arith.addi %iota3A, %add3A_149 : vector<16xi32>
        %and3A = arith.constant 63 : i32
        %and3A_151 = vector.broadcast %and3A : i32 to vector<16xi32>
        %and3A_152 = arith.andi %add3A_150, %and3A_151 : vector<16xi32>
        %xor3A = arith.constant 1 : i32
        %xor3A_153 = vector.broadcast %xor3A : i32 to vector<16xi32>
        %xor3A_154 = arith.xori %and3A_152, %xor3A_153 : vector<16xi32>
        %gather3A = tpu.vector_load_idx %arg12[%add3A_114, %and3A_152] : memref<320x64xi32, #tpu.memory_space<vmem>>[vector<16xi32>, vector<16xi32>], vector<16xi32>,
        %gather3A_155 = tpu.vector_load_idx %arg14[%add3A_114, %and3A_152] : memref<320x64xi32, #tpu.memory_space<vmem>>[vector<16xi32>, vector<16xi32>], vector<16xi32>,
        %gather3A_156 = tpu.vector_load_idx %arg12[%add3A_114, %xor3A_154] : memref<320x64xi32, #tpu.memory_space<vmem>>[vector<16xi32>, vector<16xi32>], vector<16xi32>,
        %gather3A_157 = tpu.vector_load_idx %arg14[%add3A_114, %xor3A_154] : memref<320x64xi32, #tpu.memory_space<vmem>>[vector<16xi32>, vector<16xi32>], vector<16xi32>,
        %shift_left3A = arith.constant 16 : i32
        %shift_left3A_158 = vector.broadcast %shift_left3A : i32 to vector<16xi32>
        %shift_left3A_159 = arith.shli %gather3A, %shift_left3A_158 : vector<16xi32>
        %bitcast_convert_type3A = tpu.bitcast %shift_left3A_159 : vector<16xi32> -> vector<16xf32>
        %shift_left3A_160 = arith.constant 16 : i32
        %shift_left3A_161 = vector.broadcast %shift_left3A_160 : i32 to vector<16xi32>
        %shift_left3A_162 = arith.shli %gather3A_155, %shift_left3A_161 : vector<16xi32>
        %bitcast_convert_type3A_163 = tpu.bitcast %shift_left3A_162 : vector<16xi32> -> vector<16xf32>
        %and3A_164 = arith.constant -65536 : i32
        %and3A_165 = vector.broadcast %and3A_164 : i32 to vector<16xi32>
        %and3A_166 = arith.andi %gather3A, %and3A_165 : vector<16xi32>
        %bitcast_convert_type3A_167 = tpu.bitcast %and3A_166 : vector<16xi32> -> vector<16xf32>
        %and3A_168 = arith.constant -65536 : i32
        %and3A_169 = vector.broadcast %and3A_168 : i32 to vector<16xi32>
        %and3A_170 = arith.andi %gather3A_155, %and3A_169 : vector<16xi32>
        %bitcast_convert_type3A_171 = tpu.bitcast %and3A_170 : vector<16xi32> -> vector<16xf32>
        %shift_left3A_172 = arith.constant 16 : i32
        %shift_left3A_173 = vector.broadcast %shift_left3A_172 : i32 to vector<16xi32>
        %shift_left3A_174 = arith.shli %gather3A_156, %shift_left3A_173 : vector<16xi32>
        %bitcast_convert_type3A_175 = tpu.bitcast %shift_left3A_174 : vector<16xi32> -> vector<16xf32>
        %shift_left3A_176 = arith.constant 16 : i32
        %shift_left3A_177 = vector.broadcast %shift_left3A_176 : i32 to vector<16xi32>
        %shift_left3A_178 = arith.shli %gather3A_157, %shift_left3A_177 : vector<16xi32>
        %bitcast_convert_type3A_179 = tpu.bitcast %shift_left3A_178 : vector<16xi32> -> vector<16xf32>
        %and3A_180 = arith.constant -65536 : i32
        %and3A_181 = vector.broadcast %and3A_180 : i32 to vector<16xi32>
        %and3A_182 = arith.andi %gather3A_156, %and3A_181 : vector<16xi32>
        %bitcast_convert_type3A_183 = tpu.bitcast %and3A_182 : vector<16xi32> -> vector<16xf32>
        %and3A_184 = arith.constant -65536 : i32
        %and3A_185 = vector.broadcast %and3A_184 : i32 to vector<16xi32>
        %and3A_186 = arith.andi %gather3A_157, %and3A_185 : vector<16xi32>
        %bitcast_convert_type3A_187 = tpu.bitcast %and3A_186 : vector<16xi32> -> vector<16xf32>
        %mul3A_188 = arith.mulf %bitcast_convert_type3A, %bitcast_convert_type3A_163 : vector<16xf32>
        %add3A_189 = arith.addf %scan3A_143, %mul3A_188 : vector<16xf32>
        %mul3A_190 = arith.mulf %bitcast_convert_type3A_175, %bitcast_convert_type3A_179 : vector<16xf32>
        %add3A_191 = arith.addf %scan3A_144, %mul3A_190 : vector<16xf32>
        %mul3A_192 = arith.mulf %bitcast_convert_type3A_167, %bitcast_convert_type3A_171 : vector<16xf32>
        %add3A_193 = arith.addf %scan3A_145, %mul3A_192 : vector<16xf32>
        %mul3A_194 = arith.mulf %bitcast_convert_type3A_183, %bitcast_convert_type3A_187 : vector<16xf32>
        %add3A_195 = arith.addf %scan3A_146, %mul3A_194 : vector<16xf32>
        %scan3A_196 = arith.constant 1 : i32
        %scan3A_197 = arith.addi %scan3A_142, %scan3A_196 : i32
        %mul3A_198 = arith.constant 2 : i32
        %mul3A_199 = arith.muli %scan3A_197, %mul3A_198 : i32
        %add3A_200 = vector.broadcast %mul3A_199 : i32 to vector<16xi32>
        %add3A_201 = arith.addi %iota3A, %add3A_200 : vector<16xi32>
        %and3A_202 = arith.constant 63 : i32
        %and3A_203 = vector.broadcast %and3A_202 : i32 to vector<16xi32>
        %and3A_204 = arith.andi %add3A_201, %and3A_203 : vector<16xi32>
        %xor3A_205 = arith.constant 1 : i32
        %xor3A_206 = vector.broadcast %xor3A_205 : i32 to vector<16xi32>
        %xor3A_207 = arith.xori %and3A_204, %xor3A_206 : vector<16xi32>
        %gather3A_208 = tpu.vector_load_idx %arg12[%add3A_114, %and3A_204] : memref<320x64xi32, #tpu.memory_space<vmem>>[vector<16xi32>, vector<16xi32>], vector<16xi32>,
        %gather3A_209 = tpu.vector_load_idx %arg14[%add3A_114, %and3A_204] : memref<320x64xi32, #tpu.memory_space<vmem>>[vector<16xi32>, vector<16xi32>], vector<16xi32>,
        %gather3A_210 = tpu.vector_load_idx %arg12[%add3A_114, %xor3A_207] : memref<320x64xi32, #tpu.memory_space<vmem>>[vector<16xi32>, vector<16xi32>], vector<16xi32>,
        %gather3A_211 = tpu.vector_load_idx %arg14[%add3A_114, %xor3A_207] : memref<320x64xi32, #tpu.memory_space<vmem>>[vector<16xi32>, vector<16xi32>], vector<16xi32>,
        %shift_left3A_212 = arith.constant 16 : i32
        %shift_left3A_213 = vector.broadcast %shift_left3A_212 : i32 to vector<16xi32>
        %shift_left3A_214 = arith.shli %gather3A_208, %shift_left3A_213 : vector<16xi32>
        %bitcast_convert_type3A_215 = tpu.bitcast %shift_left3A_214 : vector<16xi32> -> vector<16xf32>
        %shift_left3A_216 = arith.constant 16 : i32
        %shift_left3A_217 = vector.broadcast %shift_left3A_216 : i32 to vector<16xi32>
        %shift_left3A_218 = arith.shli %gather3A_209, %shift_left3A_217 : vector<16xi32>
        %bitcast_convert_type3A_219 = tpu.bitcast %shift_left3A_218 : vector<16xi32> -> vector<16xf32>
        %and3A_220 = arith.constant -65536 : i32
        %and3A_221 = vector.broadcast %and3A_220 : i32 to vector<16xi32>
        %and3A_222 = arith.andi %gather3A_208, %and3A_221 : vector<16xi32>
        %bitcast_convert_type3A_223 = tpu.bitcast %and3A_222 : vector<16xi32> -> vector<16xf32>
        %and3A_224 = arith.constant -65536 : i32
        %and3A_225 = vector.broadcast %and3A_224 : i32 to vector<16xi32>
        %and3A_226 = arith.andi %gather3A_209, %and3A_225 : vector<16xi32>
        %bitcast_convert_type3A_227 = tpu.bitcast %and3A_226 : vector<16xi32> -> vector<16xf32>
        %shift_left3A_228 = arith.constant 16 : i32
        %shift_left3A_229 = vector.broadcast %shift_left3A_228 : i32 to vector<16xi32>
        %shift_left3A_230 = arith.shli %gather3A_210, %shift_left3A_229 : vector<16xi32>
        %bitcast_convert_type3A_231 = tpu.bitcast %shift_left3A_230 : vector<16xi32> -> vector<16xf32>
        %shift_left3A_232 = arith.constant 16 : i32
        %shift_left3A_233 = vector.broadcast %shift_left3A_232 : i32 to vector<16xi32>
        %shift_left3A_234 = arith.shli %gather3A_211, %shift_left3A_233 : vector<16xi32>
        %bitcast_convert_type3A_235 = tpu.bitcast %shift_left3A_234 : vector<16xi32> -> vector<16xf32>
        %and3A_236 = arith.constant -65536 : i32
        %and3A_237 = vector.broadcast %and3A_236 : i32 to vector<16xi32>
        %and3A_238 = arith.andi %gather3A_210, %and3A_237 : vector<16xi32>
        %bitcast_convert_type3A_239 = tpu.bitcast %and3A_238 : vector<16xi32> -> vector<16xf32>
        %and3A_240 = arith.constant -65536 : i32
        %and3A_241 = vector.broadcast %and3A_240 : i32 to vector<16xi32>
        %and3A_242 = arith.andi %gather3A_211, %and3A_241 : vector<16xi32>
        %bitcast_convert_type3A_243 = tpu.bitcast %and3A_242 : vector<16xi32> -> vector<16xf32>
        %mul3A_244 = arith.mulf %bitcast_convert_type3A_215, %bitcast_convert_type3A_219 : vector<16xf32>
        %add3A_245 = arith.addf %add3A_189, %mul3A_244 : vector<16xf32>
        %mul3A_246 = arith.mulf %bitcast_convert_type3A_231, %bitcast_convert_type3A_235 : vector<16xf32>
        %add3A_247 = arith.addf %add3A_191, %mul3A_246 : vector<16xf32>
        %mul3A_248 = arith.mulf %bitcast_convert_type3A_223, %bitcast_convert_type3A_227 : vector<16xf32>
        %add3A_249 = arith.addf %add3A_193, %mul3A_248 : vector<16xf32>
        %mul3A_250 = arith.mulf %bitcast_convert_type3A_239, %bitcast_convert_type3A_243 : vector<16xf32>
        %add3A_251 = arith.addf %add3A_195, %mul3A_250 : vector<16xf32>
        %scan3A_252 = arith.constant 2 : i32
        %scan3A_253 = arith.addi %scan3A_142, %scan3A_252 : i32
        %mul3A_254 = arith.constant 2 : i32
        %mul3A_255 = arith.muli %scan3A_253, %mul3A_254 : i32
        %add3A_256 = vector.broadcast %mul3A_255 : i32 to vector<16xi32>
        %add3A_257 = arith.addi %iota3A, %add3A_256 : vector<16xi32>
        %and3A_258 = arith.constant 63 : i32
        %and3A_259 = vector.broadcast %and3A_258 : i32 to vector<16xi32>
        %and3A_260 = arith.andi %add3A_257, %and3A_259 : vector<16xi32>
        %xor3A_261 = arith.constant 1 : i32
        %xor3A_262 = vector.broadcast %xor3A_261 : i32 to vector<16xi32>
        %xor3A_263 = arith.xori %and3A_260, %xor3A_262 : vector<16xi32>
        %gather3A_264 = tpu.vector_load_idx %arg12[%add3A_114, %and3A_260] : memref<320x64xi32, #tpu.memory_space<vmem>>[vector<16xi32>, vector<16xi32>], vector<16xi32>,
        %gather3A_265 = tpu.vector_load_idx %arg14[%add3A_114, %and3A_260] : memref<320x64xi32, #tpu.memory_space<vmem>>[vector<16xi32>, vector<16xi32>], vector<16xi32>,
        %gather3A_266 = tpu.vector_load_idx %arg12[%add3A_114, %xor3A_263] : memref<320x64xi32, #tpu.memory_space<vmem>>[vector<16xi32>, vector<16xi32>], vector<16xi32>,
        %gather3A_267 = tpu.vector_load_idx %arg14[%add3A_114, %xor3A_263] : memref<320x64xi32, #tpu.memory_space<vmem>>[vector<16xi32>, vector<16xi32>], vector<16xi32>,
        %shift_left3A_268 = arith.constant 16 : i32
        %shift_left3A_269 = vector.broadcast %shift_left3A_268 : i32 to vector<16xi32>
        %shift_left3A_270 = arith.shli %gather3A_264, %shift_left3A_269 : vector<16xi32>
        %bitcast_convert_type3A_271 = tpu.bitcast %shift_left3A_270 : vector<16xi32> -> vector<16xf32>
        %shift_left3A_272 = arith.constant 16 : i32
        %shift_left3A_273 = vector.broadcast %shift_left3A_272 : i32 to vector<16xi32>
        %shift_left3A_274 = arith.shli %gather3A_265, %shift_left3A_273 : vector<16xi32>
        %bitcast_convert_type3A_275 = tpu.bitcast %shift_left3A_274 : vector<16xi32> -> vector<16xf32>
        %and3A_276 = arith.constant -65536 : i32
        %and3A_277 = vector.broadcast %and3A_276 : i32 to vector<16xi32>
        %and3A_278 = arith.andi %gather3A_264, %and3A_277 : vector<16xi32>
        %bitcast_convert_type3A_279 = tpu.bitcast %and3A_278 : vector<16xi32> -> vector<16xf32>
        %and3A_280 = arith.constant -65536 : i32
        %and3A_281 = vector.broadcast %and3A_280 : i32 to vector<16xi32>
        %and3A_282 = arith.andi %gather3A_265, %and3A_281 : vector<16xi32>
        %bitcast_convert_type3A_283 = tpu.bitcast %and3A_282 : vector<16xi32> -> vector<16xf32>
        %shift_left3A_284 = arith.constant 16 : i32
        %shift_left3A_285 = vector.broadcast %shift_left3A_284 : i32 to vector<16xi32>
        %shift_left3A_286 = arith.shli %gather3A_266, %shift_left3A_285 : vector<16xi32>
        %bitcast_convert_type3A_287 = tpu.bitcast %shift_left3A_286 : vector<16xi32> -> vector<16xf32>
        %shift_left3A_288 = arith.constant 16 : i32
        %shift_left3A_289 = vector.broadcast %shift_left3A_288 : i32 to vector<16xi32>
        %shift_left3A_290 = arith.shli %gather3A_267, %shift_left3A_289 : vector<16xi32>
        %bitcast_convert_type3A_291 = tpu.bitcast %shift_left3A_290 : vector<16xi32> -> vector<16xf32>
        %and3A_292 = arith.constant -65536 : i32
        %and3A_293 = vector.broadcast %and3A_292 : i32 to vector<16xi32>
        %and3A_294 = arith.andi %gather3A_266, %and3A_293 : vector<16xi32>
        %bitcast_convert_type3A_295 = tpu.bitcast %and3A_294 : vector<16xi32> -> vector<16xf32>
        %and3A_296 = arith.constant -65536 : i32
        %and3A_297 = vector.broadcast %and3A_296 : i32 to vector<16xi32>
        %and3A_298 = arith.andi %gather3A_267, %and3A_297 : vector<16xi32>
        %bitcast_convert_type3A_299 = tpu.bitcast %and3A_298 : vector<16xi32> -> vector<16xf32>
        %mul3A_300 = arith.mulf %bitcast_convert_type3A_271, %bitcast_convert_type3A_275 : vector<16xf32>
        %add3A_301 = arith.addf %add3A_245, %mul3A_300 : vector<16xf32>
        %mul3A_302 = arith.mulf %bitcast_convert_type3A_287, %bitcast_convert_type3A_291 : vector<16xf32>
        %add3A_303 = arith.addf %add3A_247, %mul3A_302 : vector<16xf32>
        %mul3A_304 = arith.mulf %bitcast_convert_type3A_279, %bitcast_convert_type3A_283 : vector<16xf32>
        %add3A_305 = arith.addf %add3A_249, %mul3A_304 : vector<16xf32>
        %mul3A_306 = arith.mulf %bitcast_convert_type3A_295, %bitcast_convert_type3A_299 : vector<16xf32>
        %add3A_307 = arith.addf %add3A_251, %mul3A_306 : vector<16xf32>
        %scan3A_308 = arith.constant 3 : i32
        %scan3A_309 = arith.addi %scan3A_142, %scan3A_308 : i32
        %mul3A_310 = arith.constant 2 : i32
        %mul3A_311 = arith.muli %scan3A_309, %mul3A_310 : i32
        %add3A_312 = vector.broadcast %mul3A_311 : i32 to vector<16xi32>
        %add3A_313 = arith.addi %iota3A, %add3A_312 : vector<16xi32>
        %and3A_314 = arith.constant 63 : i32
        %and3A_315 = vector.broadcast %and3A_314 : i32 to vector<16xi32>
        %and3A_316 = arith.andi %add3A_313, %and3A_315 : vector<16xi32>
        %xor3A_317 = arith.constant 1 : i32
        %xor3A_318 = vector.broadcast %xor3A_317 : i32 to vector<16xi32>
        %xor3A_319 = arith.xori %and3A_316, %xor3A_318 : vector<16xi32>
        %gather3A_320 = tpu.vector_load_idx %arg12[%add3A_114, %and3A_316] : memref<320x64xi32, #tpu.memory_space<vmem>>[vector<16xi32>, vector<16xi32>], vector<16xi32>,
        %gather3A_321 = tpu.vector_load_idx %arg14[%add3A_114, %and3A_316] : memref<320x64xi32, #tpu.memory_space<vmem>>[vector<16xi32>, vector<16xi32>], vector<16xi32>,
        %gather3A_322 = tpu.vector_load_idx %arg12[%add3A_114, %xor3A_319] : memref<320x64xi32, #tpu.memory_space<vmem>>[vector<16xi32>, vector<16xi32>], vector<16xi32>,
        %gather3A_323 = tpu.vector_load_idx %arg14[%add3A_114, %xor3A_319] : memref<320x64xi32, #tpu.memory_space<vmem>>[vector<16xi32>, vector<16xi32>], vector<16xi32>,
        %shift_left3A_324 = arith.constant 16 : i32
        %shift_left3A_325 = vector.broadcast %shift_left3A_324 : i32 to vector<16xi32>
        %shift_left3A_326 = arith.shli %gather3A_320, %shift_left3A_325 : vector<16xi32>
        %bitcast_convert_type3A_327 = tpu.bitcast %shift_left3A_326 : vector<16xi32> -> vector<16xf32>
        %shift_left3A_328 = arith.constant 16 : i32
        %shift_left3A_329 = vector.broadcast %shift_left3A_328 : i32 to vector<16xi32>
        %shift_left3A_330 = arith.shli %gather3A_321, %shift_left3A_329 : vector<16xi32>
        %bitcast_convert_type3A_331 = tpu.bitcast %shift_left3A_330 : vector<16xi32> -> vector<16xf32>
        %and3A_332 = arith.constant -65536 : i32
        %and3A_333 = vector.broadcast %and3A_332 : i32 to vector<16xi32>
        %and3A_334 = arith.andi %gather3A_320, %and3A_333 : vector<16xi32>
        %bitcast_convert_type3A_335 = tpu.bitcast %and3A_334 : vector<16xi32> -> vector<16xf32>
        %and3A_336 = arith.constant -65536 : i32
        %and3A_337 = vector.broadcast %and3A_336 : i32 to vector<16xi32>
        %and3A_338 = arith.andi %gather3A_321, %and3A_337 : vector<16xi32>
        %bitcast_convert_type3A_339 = tpu.bitcast %and3A_338 : vector<16xi32> -> vector<16xf32>
        %shift_left3A_340 = arith.constant 16 : i32
        %shift_left3A_341 = vector.broadcast %shift_left3A_340 : i32 to vector<16xi32>
        %shift_left3A_342 = arith.shli %gather3A_322, %shift_left3A_341 : vector<16xi32>
        %bitcast_convert_type3A_343 = tpu.bitcast %shift_left3A_342 : vector<16xi32> -> vector<16xf32>
        %shift_left3A_344 = arith.constant 16 : i32
        %shift_left3A_345 = vector.broadcast %shift_left3A_344 : i32 to vector<16xi32>
        %shift_left3A_346 = arith.shli %gather3A_323, %shift_left3A_345 : vector<16xi32>
        %bitcast_convert_type3A_347 = tpu.bitcast %shift_left3A_346 : vector<16xi32> -> vector<16xf32>
        %and3A_348 = arith.constant -65536 : i32
        %and3A_349 = vector.broadcast %and3A_348 : i32 to vector<16xi32>
        %and3A_350 = arith.andi %gather3A_322, %and3A_349 : vector<16xi32>
        %bitcast_convert_type3A_351 = tpu.bitcast %and3A_350 : vector<16xi32> -> vector<16xf32>
        %and3A_352 = arith.constant -65536 : i32
        %and3A_353 = vector.broadcast %and3A_352 : i32 to vector<16xi32>
        %and3A_354 = arith.andi %gather3A_323, %and3A_353 : vector<16xi32>
        %bitcast_convert_type3A_355 = tpu.bitcast %and3A_354 : vector<16xi32> -> vector<16xf32>
        %mul3A_356 = arith.mulf %bitcast_convert_type3A_327, %bitcast_convert_type3A_331 : vector<16xf32>
        %add3A_357 = arith.addf %add3A_301, %mul3A_356 : vector<16xf32>
        %mul3A_358 = arith.mulf %bitcast_convert_type3A_343, %bitcast_convert_type3A_347 : vector<16xf32>
        %add3A_359 = arith.addf %add3A_303, %mul3A_358 : vector<16xf32>
        %mul3A_360 = arith.mulf %bitcast_convert_type3A_335, %bitcast_convert_type3A_339 : vector<16xf32>
        %add3A_361 = arith.addf %add3A_305, %mul3A_360 : vector<16xf32>
        %mul3A_362 = arith.mulf %bitcast_convert_type3A_351, %bitcast_convert_type3A_355 : vector<16xf32>
        %add3A_363 = arith.addf %add3A_307, %mul3A_362 : vector<16xf32>
        %scan3A_364 = arith.constant 4 : i32
        %scan3A_365 = arith.addi %scan3A_142, %scan3A_364 : i32
        %mul3A_366 = arith.constant 2 : i32
        %mul3A_367 = arith.muli %scan3A_365, %mul3A_366 : i32
        %add3A_368 = vector.broadcast %mul3A_367 : i32 to vector<16xi32>
        %add3A_369 = arith.addi %iota3A, %add3A_368 : vector<16xi32>
        %and3A_370 = arith.constant 63 : i32
        %and3A_371 = vector.broadcast %and3A_370 : i32 to vector<16xi32>
        %and3A_372 = arith.andi %add3A_369, %and3A_371 : vector<16xi32>
        %xor3A_373 = arith.constant 1 : i32
        %xor3A_374 = vector.broadcast %xor3A_373 : i32 to vector<16xi32>
        %xor3A_375 = arith.xori %and3A_372, %xor3A_374 : vector<16xi32>
        %gather3A_376 = tpu.vector_load_idx %arg12[%add3A_114, %and3A_372] : memref<320x64xi32, #tpu.memory_space<vmem>>[vector<16xi32>, vector<16xi32>], vector<16xi32>,
        %gather3A_377 = tpu.vector_load_idx %arg14[%add3A_114, %and3A_372] : memref<320x64xi32, #tpu.memory_space<vmem>>[vector<16xi32>, vector<16xi32>], vector<16xi32>,
        %gather3A_378 = tpu.vector_load_idx %arg12[%add3A_114, %xor3A_375] : memref<320x64xi32, #tpu.memory_space<vmem>>[vector<16xi32>, vector<16xi32>], vector<16xi32>,
        %gather3A_379 = tpu.vector_load_idx %arg14[%add3A_114, %xor3A_375] : memref<320x64xi32, #tpu.memory_space<vmem>>[vector<16xi32>, vector<16xi32>], vector<16xi32>,
        %shift_left3A_380 = arith.constant 16 : i32
        %shift_left3A_381 = vector.broadcast %shift_left3A_380 : i32 to vector<16xi32>
        %shift_left3A_382 = arith.shli %gather3A_376, %shift_left3A_381 : vector<16xi32>
        %bitcast_convert_type3A_383 = tpu.bitcast %shift_left3A_382 : vector<16xi32> -> vector<16xf32>
        %shift_left3A_384 = arith.constant 16 : i32
        %shift_left3A_385 = vector.broadcast %shift_left3A_384 : i32 to vector<16xi32>
        %shift_left3A_386 = arith.shli %gather3A_377, %shift_left3A_385 : vector<16xi32>
        %bitcast_convert_type3A_387 = tpu.bitcast %shift_left3A_386 : vector<16xi32> -> vector<16xf32>
        %and3A_388 = arith.constant -65536 : i32
        %and3A_389 = vector.broadcast %and3A_388 : i32 to vector<16xi32>
        %and3A_390 = arith.andi %gather3A_376, %and3A_389 : vector<16xi32>
        %bitcast_convert_type3A_391 = tpu.bitcast %and3A_390 : vector<16xi32> -> vector<16xf32>
        %and3A_392 = arith.constant -65536 : i32
        %and3A_393 = vector.broadcast %and3A_392 : i32 to vector<16xi32>
        %and3A_394 = arith.andi %gather3A_377, %and3A_393 : vector<16xi32>
        %bitcast_convert_type3A_395 = tpu.bitcast %and3A_394 : vector<16xi32> -> vector<16xf32>
        %shift_left3A_396 = arith.constant 16 : i32
        %shift_left3A_397 = vector.broadcast %shift_left3A_396 : i32 to vector<16xi32>
        %shift_left3A_398 = arith.shli %gather3A_378, %shift_left3A_397 : vector<16xi32>
        %bitcast_convert_type3A_399 = tpu.bitcast %shift_left3A_398 : vector<16xi32> -> vector<16xf32>
        %shift_left3A_400 = arith.constant 16 : i32
        %shift_left3A_401 = vector.broadcast %shift_left3A_400 : i32 to vector<16xi32>
        %shift_left3A_402 = arith.shli %gather3A_379, %shift_left3A_401 : vector<16xi32>
        %bitcast_convert_type3A_403 = tpu.bitcast %shift_left3A_402 : vector<16xi32> -> vector<16xf32>
        %and3A_404 = arith.constant -65536 : i32
        %and3A_405 = vector.broadcast %and3A_404 : i32 to vector<16xi32>
        %and3A_406 = arith.andi %gather3A_378, %and3A_405 : vector<16xi32>
        %bitcast_convert_type3A_407 = tpu.bitcast %and3A_406 : vector<16xi32> -> vector<16xf32>
        %and3A_408 = arith.constant -65536 : i32
        %and3A_409 = vector.broadcast %and3A_408 : i32 to vector<16xi32>
        %and3A_410 = arith.andi %gather3A_379, %and3A_409 : vector<16xi32>
        %bitcast_convert_type3A_411 = tpu.bitcast %and3A_410 : vector<16xi32> -> vector<16xf32>
        %mul3A_412 = arith.mulf %bitcast_convert_type3A_383, %bitcast_convert_type3A_387 : vector<16xf32>
        %add3A_413 = arith.addf %add3A_357, %mul3A_412 : vector<16xf32>
        %mul3A_414 = arith.mulf %bitcast_convert_type3A_399, %bitcast_convert_type3A_403 : vector<16xf32>
        %add3A_415 = arith.addf %add3A_359, %mul3A_414 : vector<16xf32>
        %mul3A_416 = arith.mulf %bitcast_convert_type3A_391, %bitcast_convert_type3A_395 : vector<16xf32>
        %add3A_417 = arith.addf %add3A_361, %mul3A_416 : vector<16xf32>
        %mul3A_418 = arith.mulf %bitcast_convert_type3A_407, %bitcast_convert_type3A_411 : vector<16xf32>
        %add3A_419 = arith.addf %add3A_363, %mul3A_418 : vector<16xf32>
        %scan3A_420 = arith.constant 5 : i32
        %scan3A_421 = arith.addi %scan3A_142, %scan3A_420 : i32
        %mul3A_422 = arith.constant 2 : i32
        %mul3A_423 = arith.muli %scan3A_421, %mul3A_422 : i32
        %add3A_424 = vector.broadcast %mul3A_423 : i32 to vector<16xi32>
        %add3A_425 = arith.addi %iota3A, %add3A_424 : vector<16xi32>
        %and3A_426 = arith.constant 63 : i32
        %and3A_427 = vector.broadcast %and3A_426 : i32 to vector<16xi32>
        %and3A_428 = arith.andi %add3A_425, %and3A_427 : vector<16xi32>
        %xor3A_429 = arith.constant 1 : i32
        %xor3A_430 = vector.broadcast %xor3A_429 : i32 to vector<16xi32>
        %xor3A_431 = arith.xori %and3A_428, %xor3A_430 : vector<16xi32>
        %gather3A_432 = tpu.vector_load_idx %arg12[%add3A_114, %and3A_428] : memref<320x64xi32, #tpu.memory_space<vmem>>[vector<16xi32>, vector<16xi32>], vector<16xi32>,
        %gather3A_433 = tpu.vector_load_idx %arg14[%add3A_114, %and3A_428] : memref<320x64xi32, #tpu.memory_space<vmem>>[vector<16xi32>, vector<16xi32>], vector<16xi32>,
        %gather3A_434 = tpu.vector_load_idx %arg12[%add3A_114, %xor3A_431] : memref<320x64xi32, #tpu.memory_space<vmem>>[vector<16xi32>, vector<16xi32>], vector<16xi32>,
        %gather3A_435 = tpu.vector_load_idx %arg14[%add3A_114, %xor3A_431] : memref<320x64xi32, #tpu.memory_space<vmem>>[vector<16xi32>, vector<16xi32>], vector<16xi32>,
        %shift_left3A_436 = arith.constant 16 : i32
        %shift_left3A_437 = vector.broadcast %shift_left3A_436 : i32 to vector<16xi32>
        %shift_left3A_438 = arith.shli %gather3A_432, %shift_left3A_437 : vector<16xi32>
        %bitcast_convert_type3A_439 = tpu.bitcast %shift_left3A_438 : vector<16xi32> -> vector<16xf32>
        %shift_left3A_440 = arith.constant 16 : i32
        %shift_left3A_441 = vector.broadcast %shift_left3A_440 : i32 to vector<16xi32>
        %shift_left3A_442 = arith.shli %gather3A_433, %shift_left3A_441 : vector<16xi32>
        %bitcast_convert_type3A_443 = tpu.bitcast %shift_left3A_442 : vector<16xi32> -> vector<16xf32>
        %and3A_444 = arith.constant -65536 : i32
        %and3A_445 = vector.broadcast %and3A_444 : i32 to vector<16xi32>
        %and3A_446 = arith.andi %gather3A_432, %and3A_445 : vector<16xi32>
        %bitcast_convert_type3A_447 = tpu.bitcast %and3A_446 : vector<16xi32> -> vector<16xf32>
        %and3A_448 = arith.constant -65536 : i32
        %and3A_449 = vector.broadcast %and3A_448 : i32 to vector<16xi32>
        %and3A_450 = arith.andi %gather3A_433, %and3A_449 : vector<16xi32>
        %bitcast_convert_type3A_451 = tpu.bitcast %and3A_450 : vector<16xi32> -> vector<16xf32>
        %shift_left3A_452 = arith.constant 16 : i32
        %shift_left3A_453 = vector.broadcast %shift_left3A_452 : i32 to vector<16xi32>
        %shift_left3A_454 = arith.shli %gather3A_434, %shift_left3A_453 : vector<16xi32>
        %bitcast_convert_type3A_455 = tpu.bitcast %shift_left3A_454 : vector<16xi32> -> vector<16xf32>
        %shift_left3A_456 = arith.constant 16 : i32
        %shift_left3A_457 = vector.broadcast %shift_left3A_456 : i32 to vector<16xi32>
        %shift_left3A_458 = arith.shli %gather3A_435, %shift_left3A_457 : vector<16xi32>
        %bitcast_convert_type3A_459 = tpu.bitcast %shift_left3A_458 : vector<16xi32> -> vector<16xf32>
        %and3A_460 = arith.constant -65536 : i32
        %and3A_461 = vector.broadcast %and3A_460 : i32 to vector<16xi32>
        %and3A_462 = arith.andi %gather3A_434, %and3A_461 : vector<16xi32>
        %bitcast_convert_type3A_463 = tpu.bitcast %and3A_462 : vector<16xi32> -> vector<16xf32>
        %and3A_464 = arith.constant -65536 : i32
        %and3A_465 = vector.broadcast %and3A_464 : i32 to vector<16xi32>
        %and3A_466 = arith.andi %gather3A_435, %and3A_465 : vector<16xi32>
        %bitcast_convert_type3A_467 = tpu.bitcast %and3A_466 : vector<16xi32> -> vector<16xf32>
        %mul3A_468 = arith.mulf %bitcast_convert_type3A_439, %bitcast_convert_type3A_443 : vector<16xf32>
        %add3A_469 = arith.addf %add3A_413, %mul3A_468 : vector<16xf32>
        %mul3A_470 = arith.mulf %bitcast_convert_type3A_455, %bitcast_convert_type3A_459 : vector<16xf32>
        %add3A_471 = arith.addf %add3A_415, %mul3A_470 : vector<16xf32>
        %mul3A_472 = arith.mulf %bitcast_convert_type3A_447, %bitcast_convert_type3A_451 : vector<16xf32>
        %add3A_473 = arith.addf %add3A_417, %mul3A_472 : vector<16xf32>
        %mul3A_474 = arith.mulf %bitcast_convert_type3A_463, %bitcast_convert_type3A_467 : vector<16xf32>
        %add3A_475 = arith.addf %add3A_419, %mul3A_474 : vector<16xf32>
        %scan3A_476 = arith.constant 6 : i32
        %scan3A_477 = arith.addi %scan3A_142, %scan3A_476 : i32
        %mul3A_478 = arith.constant 2 : i32
        %mul3A_479 = arith.muli %scan3A_477, %mul3A_478 : i32
        %add3A_480 = vector.broadcast %mul3A_479 : i32 to vector<16xi32>
        %add3A_481 = arith.addi %iota3A, %add3A_480 : vector<16xi32>
        %and3A_482 = arith.constant 63 : i32
        %and3A_483 = vector.broadcast %and3A_482 : i32 to vector<16xi32>
        %and3A_484 = arith.andi %add3A_481, %and3A_483 : vector<16xi32>
        %xor3A_485 = arith.constant 1 : i32
        %xor3A_486 = vector.broadcast %xor3A_485 : i32 to vector<16xi32>
        %xor3A_487 = arith.xori %and3A_484, %xor3A_486 : vector<16xi32>
        %gather3A_488 = tpu.vector_load_idx %arg12[%add3A_114, %and3A_484] : memref<320x64xi32, #tpu.memory_space<vmem>>[vector<16xi32>, vector<16xi32>], vector<16xi32>,
        %gather3A_489 = tpu.vector_load_idx %arg14[%add3A_114, %and3A_484] : memref<320x64xi32, #tpu.memory_space<vmem>>[vector<16xi32>, vector<16xi32>], vector<16xi32>,
        %gather3A_490 = tpu.vector_load_idx %arg12[%add3A_114, %xor3A_487] : memref<320x64xi32, #tpu.memory_space<vmem>>[vector<16xi32>, vector<16xi32>], vector<16xi32>,
        %gather3A_491 = tpu.vector_load_idx %arg14[%add3A_114, %xor3A_487] : memref<320x64xi32, #tpu.memory_space<vmem>>[vector<16xi32>, vector<16xi32>], vector<16xi32>,
        %shift_left3A_492 = arith.constant 16 : i32
        %shift_left3A_493 = vector.broadcast %shift_left3A_492 : i32 to vector<16xi32>
        %shift_left3A_494 = arith.shli %gather3A_488, %shift_left3A_493 : vector<16xi32>
        %bitcast_convert_type3A_495 = tpu.bitcast %shift_left3A_494 : vector<16xi32> -> vector<16xf32>
        %shift_left3A_496 = arith.constant 16 : i32
        %shift_left3A_497 = vector.broadcast %shift_left3A_496 : i32 to vector<16xi32>
        %shift_left3A_498 = arith.shli %gather3A_489, %shift_left3A_497 : vector<16xi32>
        %bitcast_convert_type3A_499 = tpu.bitcast %shift_left3A_498 : vector<16xi32> -> vector<16xf32>
        %and3A_500 = arith.constant -65536 : i32
        %and3A_501 = vector.broadcast %and3A_500 : i32 to vector<16xi32>
        %and3A_502 = arith.andi %gather3A_488, %and3A_501 : vector<16xi32>
        %bitcast_convert_type3A_503 = tpu.bitcast %and3A_502 : vector<16xi32> -> vector<16xf32>
        %and3A_504 = arith.constant -65536 : i32
        %and3A_505 = vector.broadcast %and3A_504 : i32 to vector<16xi32>
        %and3A_506 = arith.andi %gather3A_489, %and3A_505 : vector<16xi32>
        %bitcast_convert_type3A_507 = tpu.bitcast %and3A_506 : vector<16xi32> -> vector<16xf32>
        %shift_left3A_508 = arith.constant 16 : i32
        %shift_left3A_509 = vector.broadcast %shift_left3A_508 : i32 to vector<16xi32>
        %shift_left3A_510 = arith.shli %gather3A_490, %shift_left3A_509 : vector<16xi32>
        %bitcast_convert_type3A_511 = tpu.bitcast %shift_left3A_510 : vector<16xi32> -> vector<16xf32>
        %shift_left3A_512 = arith.constant 16 : i32
        %shift_left3A_513 = vector.broadcast %shift_left3A_512 : i32 to vector<16xi32>
        %shift_left3A_514 = arith.shli %gather3A_491, %shift_left3A_513 : vector<16xi32>
        %bitcast_convert_type3A_515 = tpu.bitcast %shift_left3A_514 : vector<16xi32> -> vector<16xf32>
        %and3A_516 = arith.constant -65536 : i32
        %and3A_517 = vector.broadcast %and3A_516 : i32 to vector<16xi32>
        %and3A_518 = arith.andi %gather3A_490, %and3A_517 : vector<16xi32>
        %bitcast_convert_type3A_519 = tpu.bitcast %and3A_518 : vector<16xi32> -> vector<16xf32>
        %and3A_520 = arith.constant -65536 : i32
        %and3A_521 = vector.broadcast %and3A_520 : i32 to vector<16xi32>
        %and3A_522 = arith.andi %gather3A_491, %and3A_521 : vector<16xi32>
        %bitcast_convert_type3A_523 = tpu.bitcast %and3A_522 : vector<16xi32> -> vector<16xf32>
        %mul3A_524 = arith.mulf %bitcast_convert_type3A_495, %bitcast_convert_type3A_499 : vector<16xf32>
        %add3A_525 = arith.addf %add3A_469, %mul3A_524 : vector<16xf32>
        %mul3A_526 = arith.mulf %bitcast_convert_type3A_511, %bitcast_convert_type3A_515 : vector<16xf32>
        %add3A_527 = arith.addf %add3A_471, %mul3A_526 : vector<16xf32>
        %mul3A_528 = arith.mulf %bitcast_convert_type3A_503, %bitcast_convert_type3A_507 : vector<16xf32>
        %add3A_529 = arith.addf %add3A_473, %mul3A_528 : vector<16xf32>
        %mul3A_530 = arith.mulf %bitcast_convert_type3A_519, %bitcast_convert_type3A_523 : vector<16xf32>
        %add3A_531 = arith.addf %add3A_475, %mul3A_530 : vector<16xf32>
        %scan3A_532 = arith.constant 7 : i32
        %scan3A_533 = arith.addi %scan3A_142, %scan3A_532 : i32
        %mul3A_534 = arith.constant 2 : i32
        %mul3A_535 = arith.muli %scan3A_533, %mul3A_534 : i32
        %add3A_536 = vector.broadcast %mul3A_535 : i32 to vector<16xi32>
        %add3A_537 = arith.addi %iota3A, %add3A_536 : vector<16xi32>
        %and3A_538 = arith.constant 63 : i32
        %and3A_539 = vector.broadcast %and3A_538 : i32 to vector<16xi32>
        %and3A_540 = arith.andi %add3A_537, %and3A_539 : vector<16xi32>
        %xor3A_541 = arith.constant 1 : i32
        %xor3A_542 = vector.broadcast %xor3A_541 : i32 to vector<16xi32>
        %xor3A_543 = arith.xori %and3A_540, %xor3A_542 : vector<16xi32>
        %gather3A_544 = tpu.vector_load_idx %arg12[%add3A_114, %and3A_540] : memref<320x64xi32, #tpu.memory_space<vmem>>[vector<16xi32>, vector<16xi32>], vector<16xi32>,
        %gather3A_545 = tpu.vector_load_idx %arg14[%add3A_114, %and3A_540] : memref<320x64xi32, #tpu.memory_space<vmem>>[vector<16xi32>, vector<16xi32>], vector<16xi32>,
        %gather3A_546 = tpu.vector_load_idx %arg12[%add3A_114, %xor3A_543] : memref<320x64xi32, #tpu.memory_space<vmem>>[vector<16xi32>, vector<16xi32>], vector<16xi32>,
        %gather3A_547 = tpu.vector_load_idx %arg14[%add3A_114, %xor3A_543] : memref<320x64xi32, #tpu.memory_space<vmem>>[vector<16xi32>, vector<16xi32>], vector<16xi32>,
        %shift_left3A_548 = arith.constant 16 : i32
        %shift_left3A_549 = vector.broadcast %shift_left3A_548 : i32 to vector<16xi32>
        %shift_left3A_550 = arith.shli %gather3A_544, %shift_left3A_549 : vector<16xi32>
        %bitcast_convert_type3A_551 = tpu.bitcast %shift_left3A_550 : vector<16xi32> -> vector<16xf32>
        %shift_left3A_552 = arith.constant 16 : i32
        %shift_left3A_553 = vector.broadcast %shift_left3A_552 : i32 to vector<16xi32>
        %shift_left3A_554 = arith.shli %gather3A_545, %shift_left3A_553 : vector<16xi32>
        %bitcast_convert_type3A_555 = tpu.bitcast %shift_left3A_554 : vector<16xi32> -> vector<16xf32>
        %and3A_556 = arith.constant -65536 : i32
        %and3A_557 = vector.broadcast %and3A_556 : i32 to vector<16xi32>
        %and3A_558 = arith.andi %gather3A_544, %and3A_557 : vector<16xi32>
        %bitcast_convert_type3A_559 = tpu.bitcast %and3A_558 : vector<16xi32> -> vector<16xf32>
        %and3A_560 = arith.constant -65536 : i32
        %and3A_561 = vector.broadcast %and3A_560 : i32 to vector<16xi32>
        %and3A_562 = arith.andi %gather3A_545, %and3A_561 : vector<16xi32>
        %bitcast_convert_type3A_563 = tpu.bitcast %and3A_562 : vector<16xi32> -> vector<16xf32>
        %shift_left3A_564 = arith.constant 16 : i32
        %shift_left3A_565 = vector.broadcast %shift_left3A_564 : i32 to vector<16xi32>
        %shift_left3A_566 = arith.shli %gather3A_546, %shift_left3A_565 : vector<16xi32>
        %bitcast_convert_type3A_567 = tpu.bitcast %shift_left3A_566 : vector<16xi32> -> vector<16xf32>
        %shift_left3A_568 = arith.constant 16 : i32
        %shift_left3A_569 = vector.broadcast %shift_left3A_568 : i32 to vector<16xi32>
        %shift_left3A_570 = arith.shli %gather3A_547, %shift_left3A_569 : vector<16xi32>
        %bitcast_convert_type3A_571 = tpu.bitcast %shift_left3A_570 : vector<16xi32> -> vector<16xf32>
        %and3A_572 = arith.constant -65536 : i32
        %and3A_573 = vector.broadcast %and3A_572 : i32 to vector<16xi32>
        %and3A_574 = arith.andi %gather3A_546, %and3A_573 : vector<16xi32>
        %bitcast_convert_type3A_575 = tpu.bitcast %and3A_574 : vector<16xi32> -> vector<16xf32>
        %and3A_576 = arith.constant -65536 : i32
        %and3A_577 = vector.broadcast %and3A_576 : i32 to vector<16xi32>
        %and3A_578 = arith.andi %gather3A_547, %and3A_577 : vector<16xi32>
        %bitcast_convert_type3A_579 = tpu.bitcast %and3A_578 : vector<16xi32> -> vector<16xf32>
        %mul3A_580 = arith.mulf %bitcast_convert_type3A_551, %bitcast_convert_type3A_555 : vector<16xf32>
        %add3A_581 = arith.addf %add3A_525, %mul3A_580 : vector<16xf32>
        %mul3A_582 = arith.mulf %bitcast_convert_type3A_567, %bitcast_convert_type3A_571 : vector<16xf32>
        %add3A_583 = arith.addf %add3A_527, %mul3A_582 : vector<16xf32>
        %mul3A_584 = arith.mulf %bitcast_convert_type3A_559, %bitcast_convert_type3A_563 : vector<16xf32>
        %add3A_585 = arith.addf %add3A_529, %mul3A_584 : vector<16xf32>
        %mul3A_586 = arith.mulf %bitcast_convert_type3A_575, %bitcast_convert_type3A_579 : vector<16xf32>
        %add3A_587 = arith.addf %add3A_531, %mul3A_586 : vector<16xf32>
        scf.yield %add3A_581, %add3A_583, %add3A_585, %add3A_587 : vector<16xf32>, vector<16xf32>, vector<16xf32>, vector<16xf32>
      }
      %scan3A_121 = arith.constant 32 : i32
      %add3A_122 = arith.addf %scan3A_120#0, %scan3A_120#1 : vector<16xf32>
      %add3A_123 = arith.addf %scan3A_120#2, %scan3A_120#3 : vector<16xf32>
      %add3A_124 = arith.addf %add3A_122, %add3A_123 : vector<16xf32>
      %abs3A = math.absf %add3A_124 : vector<16xf32>
      %mul3A_125 = arith.constant -2.000000e+00 : f32
      %mul3A_126 = vector.broadcast %mul3A_125 : f32 to vector<16xf32>
      %mul3A_127 = arith.mulf %abs3A, %mul3A_126 : vector<16xf32>
      %exp3A = math.exp %mul3A_127 : vector<16xf32>
      %sub3A_128 = arith.constant 1.000000e+00 : f32
      %sub3A_129 = vector.broadcast %sub3A_128 : f32 to vector<16xf32>
      %sub3A_130 = arith.subf %sub3A_129, %exp3A : vector<16xf32>
      %add3A_131 = arith.constant 1.000000e+00 : f32
      %add3A_132 = vector.broadcast %add3A_131 : f32 to vector<16xf32>
      %add3A_133 = arith.addf %add3A_132, %exp3A : vector<16xf32>
      %div3A = arith.divf %sub3A_130, %add3A_133 : vector<16xf32>
      %lt3A = arith.constant 0.000000e+00 : f32
      %lt3A_134 = vector.broadcast %lt3A : f32 to vector<16xf32>
      %lt3A_135 = arith.cmpf olt, %add3A_124, %lt3A_134 : vector<16xf32>
      %neg3A = arith.constant 0.000000e+00 : f32
      %neg3A_136 = vector.broadcast %neg3A : f32 to vector<16xf32>
      %neg3A_137 = arith.subf %neg3A_136, %div3A : vector<16xf32>
      %select_n3A = arith.select %lt3A_135, %neg3A_137, %div3A : vector<16xi1>, vector<16xf32>
      %mul3A_138 = arith.constant 16 : i32
      %mul3A_139 = arith.muli %scan3A_110, %mul3A_138 : i32
      %multiple_of3A_140 = tpu.assume_multiple %mul3A_139, 16 : i32
      %swap3A = arith.index_cast %multiple_of3A_140 : i32 to index
      %swap3A_141 = tpu.vector_load %arg16[%swap3A] {strides = array<i32>} : memref<320xf32, #tpu.memory_space<vmem>>, vector<16xf32>,
      tpu.vector_store %arg16[%swap3A], %select_n3A {strides = array<i32>} : memref<320xf32, #tpu.memory_space<vmem>>, vector<16xf32>,
    }
    %scan3A_104 = arith.constant 5 : i32
    %add3A_105 = arith.constant 9600 : i32
    %add3A_106 = arith.addi %mul3A_2, %add3A_105 : i32
    %multiple_of3A_107 = tpu.assume_multiple %add3A_106, 8 : i32
    %dma_wait3A_108 = tpu.memref_slice %arg6[%multiple_of3A_107] : memref<320000xf32, #tpu.memory_space<hbm>> -> memref<320xf32, #tpu.memory_space<hbm>>
    %dma_wait3A_109 = tpu.memref_slice %arg6[%multiple_of3A_107] : memref<320000xf32, #tpu.memory_space<hbm>> -> memref<320xf32, #tpu.memory_space<hbm>>
    tpu.wait_dma2 semaphore(%arg24 : memref<!tpu.dma_semaphore, #tpu.memory_space<semaphore_mem>>) src(%arg15 : memref<320xf32, #tpu.memory_space<vmem>>) dst(%dma_wait3A_109 : memref<320xf32, #tpu.memory_space<hbm>>)
    "tpu.region"() ({
      %run_scoped3A = tpu.sem_alloc : memref<!tpu.dma_semaphore, #tpu.memory_space<semaphore_mem>>
      %dma_start3A_110 = arith.constant 0 : i32
      %dma_start3A_111 = tpu.memref_slice %arg16[%dma_start3A_110] : memref<320xf32, #tpu.memory_space<vmem>> -> memref<80xf32, #tpu.memory_space<vmem>>
      %dma_start3A_112 = tpu.memref_slice %arg6[%sub3A_66] : memref<320000xf32, #tpu.memory_space<hbm>> -> memref<80xf32, #tpu.memory_space<hbm>>
      %dma_start3A_113 = tpu.memref_slice %arg6[%sub3A_66] : memref<320000xf32, #tpu.memory_space<hbm>> -> memref<80xf32, #tpu.memory_space<hbm>>
      %dma_start3A_114 = arith.constant 0 : i32
      %dma_start3A_115 = tpu.memref_slice %arg16[%dma_start3A_114] : memref<320xf32, #tpu.memory_space<vmem>> -> memref<80xf32, #tpu.memory_space<vmem>>
      tpu.enqueue_dma source(%dma_start3A_115 : memref<80xf32, #tpu.memory_space<vmem>>) target(%dma_start3A_113 : memref<80xf32, #tpu.memory_space<hbm>>) target_semaphore(%run_scoped3A : memref<!tpu.dma_semaphore, #tpu.memory_space<semaphore_mem>>)
      %dma_wait3A_116 = arith.constant 0 : i32
      %dma_wait3A_117 = tpu.memref_slice %arg16[%dma_wait3A_116] : memref<320xf32, #tpu.memory_space<vmem>> -> memref<80xf32, #tpu.memory_space<vmem>>
      %dma_wait3A_118 = tpu.memref_slice %arg6[%sub3A_66] : memref<320000xf32, #tpu.memory_space<hbm>> -> memref<80xf32, #tpu.memory_space<hbm>>
      %dma_wait3A_119 = tpu.memref_slice %arg6[%sub3A_66] : memref<320000xf32, #tpu.memory_space<hbm>> -> memref<80xf32, #tpu.memory_space<hbm>>
      %dma_wait3A_120 = arith.constant 0 : i32
      %dma_wait3A_121 = tpu.memref_slice %arg16[%dma_wait3A_120] : memref<320xf32, #tpu.memory_space<vmem>> -> memref<80xf32, #tpu.memory_space<vmem>>
      tpu.wait_dma2 semaphore(%run_scoped3A : memref<!tpu.dma_semaphore, #tpu.memory_space<semaphore_mem>>) src(%dma_wait3A_121 : memref<80xf32, #tpu.memory_space<vmem>>) dst(%dma_wait3A_119 : memref<80xf32, #tpu.memory_space<hbm>>)
      tpu.yield
    }) : () -> ()
    return
  }
}

module attributes {stable_mosaic.version = 14 : i64} {
  func.func @_zmat_body(%arg0: i32, %arg1: memref<2000x128xf32, #tpu.memory_space<vmem>>, %arg2: memref<128x128xf32, #tpu.memory_space<vmem>>, %arg3: memref<2000x128xf32, #tpu.memory_space<vmem>>) attributes {dimension_semantics = [#tpu.dimension_semantics<arbitrary>], iteration_bounds = array<i64: 5>, scalar_prefetch = 0 : i64, scratch_operands = 0 : i64, tpu.core_type = #tpu.core_type<tc>, window_params = [{transform_indices = @transform_0, window_bounds = array<i64: 2000, 128>}, {pipeline_mode = #tpu.pipeline_mode<synchronous>, transform_indices = @transform_1, window_bounds = array<i64: 128, 128>}, {transform_indices = @transform_2, window_bounds = array<i64: 2000, 128>}]} {
    %get3A = arith.constant 0 : index
    %get3A_0 = arith.constant 0 : index
    %get3A_1 = vector.load %arg1[%get3A, %get3A_0] : memref<2000x128xf32, #tpu.memory_space<vmem>>, vector<2000x128xf32>
    %get3A_2 = arith.constant 0 : index
    %get3A_3 = arith.constant 0 : index
    %get3A_4 = vector.load %arg2[%get3A_2, %get3A_3] : memref<128x128xf32, #tpu.memory_space<vmem>>, vector<128x128xf32>
    %dot_general3A = arith.constant dense<0.000000e+00> : vector<2000x128xf32>
    %dot_general3A_5 = tpu.matmul %get3A_1, %get3A_4, %dot_general3A {dimension_numbers = #tpu.dot_dimension_numbers<[1], [1], [0], [0], [0, 0, 1, 0], [], []>, precision = #tpu.contract_precision<fp32>, transpose_lhs_hint = false} : vector<2000x128xf32>, vector<128x128xf32>, vector<2000x128xf32> -> vector<2000x128xf32>
    %swap3A = arith.constant 0 : index
    %swap3A_6 = arith.constant 0 : index
    %swap3A_7 = vector.load %arg3[%swap3A, %swap3A_6] : memref<2000x128xf32, #tpu.memory_space<vmem>>, vector<2000x128xf32>
    tpu.vector_store %arg3[%swap3A, %swap3A_6], %dot_general3A_5 {strides = array<i32>} : memref<2000x128xf32, #tpu.memory_space<vmem>>, vector<2000x128xf32>,
    return
  }
  func.func @transform_0(%arg0: i32) -> (i32, i32) {
    %c0_i32 = arith.constant 0 : i32
    %c0_i32_0 = arith.constant 0 : i32
    return %arg0, %c0_i32 : i32, i32
  }
  func.func @transform_1(%arg0: i32) -> (i32, i32) {
    %c0_i32 = arith.constant 0 : i32
    %c0_i32_0 = arith.constant 0 : i32
    %c0_i32_1 = arith.constant 0 : i32
    return %c0_i32, %c0_i32_0 : i32, i32
  }
  func.func @transform_2(%arg0: i32) -> (i32, i32) {
    %c0_i32 = arith.constant 0 : i32
    %c0_i32_0 = arith.constant 0 : i32
    return %arg0, %c0_i32 : i32, i32
  }
}

</mosaic_0001>

<sc_bundles>
// kernel: kernel.4.cloned.1.call-start
scs
__scs_entry_jumppad:
0x0: {  	(pc) =	sbr.rel $0x88, $3  }
0x1: {  	(tag) =	ssettag $0x0;
	lr =	simm.s32 $0x1  }
0x2: {  	[smem:$0x3F9E] =	sst lr;
	_ =	strace $0xD0000000  }
0x3: {  	_ = 	snop  }
0x4: {  	_ = 	snop  }
0x5: {  	_ = 	snop  }
0x6: {  	_ = 	snop  }
0x7: {  	_ = 	snop  }
__scs_overlays_trampoline_lowered:
0x8: {  	[smem:$0x3FAD] =	sst s0  }
0x9: {  	[smem:$0x3FAE] =	sst s1  }
0xa: {  	[smem:$0x3FAF] =	sst s2  }
0xb: {  	[smem:$0x3FB0] =	sst s3  }
0xc: {  	[smem:$0x3FB1] =	sst s4  }
0xd: {  	[smem:$0x3FB2] =	sst s5  }
0xe: {  	[smem:$0x3FB3] =	sst s6  }
0xf: {  	[smem:$0x3FB4] =	sst s7  }
0x10: {  	[smem:$0x3FB5] =	sst s8  }
0x11: {  	[smem:$0x3FB6] =	sst s9;
	s0 =	simm.s32 @!p0 $0x0  }
0x12: {  	s1 =	sld [smem:$0x3F9C];
	s0 =	simm.s32 @p0 $0x1  }
0x13: {  	[smem:$0x3FB7] =	sst s0;
	s0 =	simm.s32 @!p1 $0x0  }
0x14: {  	s2 =	sld [smem:$0x3F9B];
	s0 =	simm.s32 @p1 $0x1  }
0x15: {  	[smem:$0x3FB8] =	sst s0;
	s0 =	simm.s32 @!p2 $0x0  }
0x16: {  	s3 =	sld [smem:$0x3FDB];
	s0 =	simm.s32 @p2 $0x1  }
0x17: {  	s4 =	simm.s32 $0x1BF5;
	[smem:$0x3FBA] =	sst s0  }
0x18: {  	s0 =	sld [smem:$0x3F9D];
	_ =	swait.ge [sflag:s4], $0x0  }
0x19: {  	s7 =	sld [smem:$0x3F9E]  }
0x1a: {  	s8 =	sadd.s32 $0xFFFFE003, lr  }
0x1b: {  	s9 =	sadd.s32 $0xFFFFFEF7, lr;
	s5 =	simm.s32 $0xFFFFFFFF;
	p2 =	slt.u32 s8, $0xFFFFF086  }
0x1c: {  	p1 =	slt.u32 s9, $0xF7A;
	s5 =	simm.s32 @!p2 $0x0  }
0x1d: {  	s5 =	simm.s32 @p1 $0x1;
	p0 =	seq.s32 s7, s2  }
0x1e: {  	s7 =	smul.u32 @!p0 $0xF7A, s2;
	p2 =	seq.s32 @!p0 s5, $0x0  }
0x1f: {  	s9 =	smul.u32 $0xF7A, s1;
	s8 =	simm.s32 @!p0 $0x1BF5;
	p2 =	por !p2, p0  }
0x20: {  	[sflag:s8] =	ssyncset.s32 @!p0 $0xFFFFF086;
	s6 =	sadd.s32 @!p0 s3, s7;
	s7 =	simm.s32 @!p0 $0x108  }
0x21: {  	s3 =	sadd.s32 s3, s9;
	s6 =	sadd.s32 @!p0 $0x88, s6;
	s7 =	simm.s32 @p2 $0x1082  }
0x22: {  	[simem:s7], [sflag:s8] =	dma.local @!p0 [hbm:s6], $0xF7A  }
0x23: {  	s9 =	sor.u32 $0xD0000000, s2;
	s6 =	simm.s32 $0x108;
	_ =	swait.ge @!p0 [sflag:s8], $0x0  }
0x24: {  	s3 =	sadd.s32 $0x88, s3;
	s6 =	simm.s32 @!p1 $0x1082;
	[sflag:s4] =	ssyncset.s32 $0xFFFFF086  }
0x25: {  	[simem:s6], [sflag:s4] =	dma.local [hbm:s3], $0xF7A  }
0x26: {  	[smem:$0x3F9E] =	sst s1;
	(tag) =	ssettag s2;
	_ =	strace s9  }
0x27: {  	s1 =	sld [smem:$0x3FAE]  }
0x28: {  	s2 =	sld [smem:$0x3FAF]  }
0x29: {  	s4 =	sld [smem:$0x3FB1]  }
0x2a: {  	p0 =	seq.s32 s5, $0x0;
	s5 =	sld [smem:$0x3FB2]  }
0x2b: {  	s6 =	sld [smem:$0x3FB3]  }
0x2c: {  	s7 =	sld [smem:$0x3FB4]  }
0x2d: {  	s3 =	simm.s32 $0x108;
	s8 =	sld [smem:$0x3FB5]  }
0x2e: {  	s3 =	simm.s32 @!p0 $0x1082;
	s9 =	sld [smem:$0x3FB6]  }
0x2f: {  	lr =	sadd.s32 s0, s3;
	s0 =	sld [smem:$0x3FAD]  }
0x30: {  	s3 =	sld [smem:$0x3FB0]  }
0x31: {  	[smem:$0x3FB9] =	sst s10  }
0x32: {  	s10 =	sld [smem:$0x3FB7];
	_ =	sdelay $0x3  }
0x33: {  	p0 =	seq.s32 s10, $0x1;
	s10 =	sld [smem:$0x3FB9];
	_ =	sdelay $0x3  }
0x34: {  	[smem:$0x3FB9] =	sst s10  }
0x35: {  	s10 =	sld [smem:$0x3FB8];
	_ =	sdelay $0x3  }
0x36: {  	p1 =	seq.s32 s10, $0x1;
	s10 =	sld [smem:$0x3FB9];
	_ =	sdelay $0x3  }
0x37: {  	[smem:$0x3FB9] =	sst s10  }
0x38: {  	s10 =	sld [smem:$0x3FBA]  }
0x39: {  	_ = 	snop;
	(pc) =	sbr.ind lr, $3  }
0x3a: {  	_ = 	snop  }
0x3b: {  	_ = 	snop  }
0x3c: {  	p2 =	seq.s32 s10, $0x1;
	s10 =	sld [smem:$0x3FB9]  }
0x3d: {  	_ =	shalt  }
0x3e: {  	_ =	shalt  }
0x3f: {  	_ =	shalt  }
0x40: {  	_ =	shalt  }
0x41: {  	_ =	shalt  }
0x42: {  	_ =	shalt  }
0x43: {  	_ =	shalt  }
0x44: {  	_ =	shalt  }
0x45: {  	_ =	shalt  }
0x46: {  	_ =	shalt  }
0x47: {  	_ =	shalt  }
0x48: {  	_ =	shalt  }
0x49: {  	_ =	shalt  }
0x4a: {  	_ =	shalt  }
0x4b: {  	_ =	shalt  }
0x4c: {  	_ =	shalt  }
0x4d: {  	_ =	shalt  }
0x4e: {  	_ =	shalt  }
0x4f: {  	_ =	shalt  }
0x50: {  	_ =	shalt  }
0x51: {  	_ =	shalt  }
0x52: {  	_ =	shalt  }
0x53: {  	_ =	shalt  }
0x54: {  	_ =	shalt  }
0x55: {  	_ =	shalt  }
0x56: {  	_ =	shalt  }
0x57: {  	_ =	shalt  }
0x58: {  	_ =	shalt  }
0x59: {  	_ =	shalt  }
0x5a: {  	_ =	shalt  }
0x5b: {  	_ =	shalt  }
0x5c: {  	_ =	shalt  }
0x5d: {  	_ =	shalt  }
0x5e: {  	_ =	shalt  }
0x5f: {  	_ =	shalt  }
0x60: {  	_ =	shalt  }
0x61: {  	_ =	shalt  }
0x62: {  	_ =	shalt  }
0x63: {  	_ =	shalt  }
0x64: {  	_ =	shalt  }
0x65: {  	_ =	shalt  }
0x66: {  	_ =	shalt  }
0x67: {  	_ =	shalt  }
0x68: {  	_ =	shalt  }
0x69: {  	_ =	shalt  }
0x6a: {  	_ =	shalt  }
0x6b: {  	_ =	shalt  }
0x6c: {  	_ =	shalt  }
0x6d: {  	_ =	shalt  }
0x6e: {  	_ =	shalt  }
0x6f: {  	_ =	shalt  }
0x70: {  	_ =	shalt  }
0x71: {  	_ =	shalt  }
0x72: {  	_ =	shalt  }
0x73: {  	_ =	shalt  }
0x74: {  	_ =	shalt  }
0x75: {  	_ =	shalt  }
0x76: {  	_ =	shalt  }
0x77: {  	_ =	shalt  }
0x78: {  	_ =	shalt  }
0x79: {  	_ =	shalt  }
0x7a: {  	_ =	shalt  }
0x7b: {  	_ =	shalt  }
0x7c: {  	_ =	shalt  }
0x7d: {  	_ =	shalt  }
0x7e: {  	_ =	shalt  }
0x7f: {  	_ =	shalt  }
0x80: {  	_ =	shalt  }
0x81: {  	_ =	shalt  }
0x82: {  	_ =	shalt  }
0x83: {  	_ =	shalt  }
0x84: {  	_ =	shalt  }
0x85: {  	_ =	shalt  }
0x86: {  	_ =	shalt  }
0x87: {  	_ =	shalt  }
.Lfunc_end0:
.L_simem_size_0:
called_computation_lowered:
.L_overlay_start_0:
0x88: {  	s2 =	sld [smem:$0x3FD9]  }
0x89: {  	s3 =	sld [smem:$0x3FFE];
	_ =	sdelay $0x1  }
0x8a: {  	s1 =	srdreg.scid  }
0x8b: {  	s0 =	sand.u32 $0x1, s1  }
0x8c: {  	s16 =	sshll.u32 s0, $0xA;
	s2 =	sadd.s32 s3, s2  }
0x8d: {  	s2 =	sadd.s32 s2, s16  }
0x8e: {  	[smem:$0x3FC5] =	sst s2  }
0x8f: {  	_ = 	snop  }
0x90: {  	(tm) =	ssettm $0x1  }
0x91: {  	s17 =	sld [smem:$0x3FFB];
	_ =	sdelay $0x3  }
0x92: {  	_ =	strace s17  }
0x93: {  	s2 =	sld [smem:$0x3FFC];
	_ =	sdelay $0x3  }
0x94: {  	_ =	strace s2  }
0x95: {  	s2 =	sld [smem:$0x3FFD];
	_ =	sdelay $0x3  }
0x96: {  	_ =	strace s2  }
0x97: {  	_ =	strace $0x8FFFFFFF  }
0x98: {  	s18 =	sld [smem:$0x3FDB];
	_ =	sdelay $0x1  }
0x99: {  	s19 =	simm.s32 $_scs_section_size  }
0x9a: {  	s4 =	simm.s32 $_size__tile_overlayer_lowered;
	s5 =	simm.s32 $_tile_overlayer_lowered  }
0x9b: {  	s22 =	simm.s32 $0x1BFF;
	s21 =	sshll.u32 s5, $0x1;
	s2 =	sadd.s32 s19, s18  }
0x9c: {  	s6 =	simm.s32 $0x0;
	s20 =	sshll.u32 s4, $0x1;
	s4 =	sadd.s32 s21, s2  }
0x9d: {  	[timem:s6], [sflag:s22] =	dma.local [hbm:s4], s20  }
0x9e: {  	_ =	swait.ge [sflag:s22], s20  }
0x9f: {  	s3 =	ssub.s32 $0x0, s20;
	[sflag:s22] =	ssyncset.done $0x0  }
0xa0: {  	[sflag:s22] =	ssyncadd.s32 s3;
	_ =	sdelay $0x1  }
0xa1: {  	s23 =	simm.s32 $0x1B8B  }
0xa2: {  	_ =	swait.ge [sflag:s23], $0x1  }
0xa3: {  	[sflag:s23] =	ssyncset.done $0x0  }
0xa4: {  	s25 =	simm.s32 $0x1B8E;
	s24 =	sld [smem:$0x3FFE];
	[sflag:s23] =	ssyncadd.s32 $0xFFFFFFFF  }
0xa5: {  	s26 =	simm.s32 $execute0_lowered;
	[smem:$0x3FD2] =	sst s25  }
0xa6: {  	s4 =	sshll.u32 s26, $0x1;
	_ =	strace $0x80000046;
	[dreg:$0x1] =	wrdreg $0xFFFFFFFF  }
0xa7: {  	s28 =	simm.s32 $_size_execute0_lowered;
	s2 =	sadd.s32 s2, s4;
	[dreg:$0x0] =	wrdreg $0x0  }
0xa8: {  	s4 =	sshll.u32 s28, $0x1;
	[dreg:$0x2] =	wrdreg s2  }
0xa9: {  	[dreg:$0x3] =	wrdreg s4  }
0xaa: {  	[dreg:$0x4] =	wrdreg $0xC0  }
0xab: {  	_ =	task [dreg:s6], $0x5FFFF  }
0xac: {  	[dreg:$0x1] =	wrdreg $0xFFFFFFFF  }
0xad: {  	[dreg:$0x0] =	wrdreg $0x60  }
0xae: {  	[dreg:$0x2] =	wrdreg s24  }
0xaf: {  	[dreg:$0x3] =	wrdreg $0x147800  }
0xb0: {  	[dreg:$0x4] =	wrdreg $0x9  }
0xb1: {  	_ =	task.clear_ibuf [dreg:s6], $0x5FFFF;
	_ =	strace $0x90000046  }
0xb2: {  	s29 =	simm.s32 $0x9;
	_ =	strace $0x80000048  }
0xb3: {  	_ =	swait.ge [sflag:s29], $0x1  }
0xb4: {  	[sflag:s29] =	ssyncadd.s32 $0xFFFFFFFF  }
0xb5: {  	_ =	strace $0x90000048  }
0xb6: {  	_ =	sfence  }
0xb7: {  	s30 =	sld [smem:$0x0];
	_ =	sdelay $0x2  }
0xb8: {  	s31 =	sshll.u32 s1, $0xD;
	s1 =	sshrl.u32 s1, $0x2  }
0xb9: {  	s3 =	sand.u32 $0x4000, s31;
	s1 =	sadd.s32 s1, s30  }
0xba: {  	s0 =	sor.u32 s3, s0;
	s1 =	sshll.u32 s1, $0x11  }
0xbb: {  	s0 =	sor.u32 s1, s0  }
0xbc: {  	s0 =	sadd.s32 $0x8F2B, s0  }
0xbd: {  	[sflag:s0] =	ssyncadd.remote.s32 $0x1  }
0xbe: {  	_ =	sfence.sel $0xFFFF  }
0xbf: {  	[dreg:$0x0] =	wrdreg $0xFFFFFFFF;
	(pc) =	sbr.abs _section_cstart, $3  }
0xc0: {  	[dreg:$0x1] =	wrdreg $0xFFFFFFFF  }
0xc1: {  	_ =	task.clear_ibuf [dreg:s6], $0x2FFFF;
	_ =	strace $0x9FFFFFFF  }
0xc2: {  	(tm) =	ssettm $0x7FFFFFFF  }
0xc3: {  	_ =	shalt  }
tec
execute0_lowered:
.L_overlay_start_1:
0x0: {  	(tag) =	ssettag $0x1  }
0x1: {  	s0 =	rddreg [dreg:$0x0]  }
0x2: {  	s1 =	rddreg [dreg:$0x1];
	s2 =	simm.s32 $0x0  }
0x3: {  	s6 =	srdreg.scid;
	s8 =	stileid.u32;
	s28 =	simm.s32 $0x140  }
0x4: {  	s30 =	simm.s32 $0x1;
	s31 =	simm.s32 $0x500;
	[smem:$0x7FF] =	sst s2  }
0x5: {  	s3 =	sadd.s32 $0x13A00, s0;
	s4 =	sadd.s32 $0x31200, s0;
	s5 =	sadd.s32 $0x27400, s0  }
0x6: {  	s7 =	sand.u32 $0x1, s6;
	s10 =	sshll.u32 s8, $0x1;
	s11 =	smul.u32 $0x9C00, s8  }
0x7: {  	s6 =	sadd.s32 $0x3B000, s0;
	s13 =	sshll.u32 s8, $0x6;
	s9 =	ssub.s32 $0x2, s7  }
0x8: {  	p0 =	sne.s32 s8, $0x0;
	s8 =	simm.s32 $0x2;
	s12 =	sshrl.u32 s9, $0x1  }
0x9: {  	s7 =	sor.u32 s7, s10;
	s9 =	ssub.s32 s9, s12;
	s12 =	sshrl.u32 s11, $0x3  }
0xa: {  	_ =	strace $0x80000047;
	s7 =	smul.u32 $0x2710, s7;
	s10 =	sadd.s32 s0, s12  }
0xb: {  	s11 =	sadd.s32 s11, s1;
	s0 =	sadd.s32 $0x13800, s0;
	[dreg:$0x3] =	wrdreg s10  }
0xc: {  	s12 =	sadd.s32 $0x9C000, s1;
	s21 =	sadd.s32 $0x280, s7;
	[dreg:$0x5] =	wrdreg s0  }
0xd: {  	s14 =	sadd.s32 $0x140, s7;
	s26 =	smax.u32 s9, $0x1;
	[dreg:$0xa] =	wrdreg s21  }
0xe: {  	s15 =	sshrl.u32 s7, $0x3;
	s29 =	sshrl.u32 s11, $0x3;
	[dreg:$0x10] =	wrdreg s26  }
0xf: {  	s11 =	simm.s32 $0x5500;
	s10 =	sor.u32 $0x1C09, s13;
	[dreg:$0x11] =	wrdreg s29  }
0x10: {  	s9 =	simm.s32 $0x0;
	s16 =	sadd.s32 s4, s15;
	[dreg:$0x4] =	wrdreg s10  }
0x11: {  	s13 =	sshrl.u32 s14, $0x3;
	s18 =	sadd.s32 s5, s15;
	[dreg:$0x6] =	wrdreg s16  }
0x12: {  	s17 =	smov.u32 s14;
	[dreg:$0x7] =	wrdreg s18;
	s19 =	sadd.s32 s4, s13  }
0x13: {  	s22 =	sadd.s32 s6, s15;
	s20 =	sadd.s32 s5, s13;
	[dreg:$0x8] =	wrdreg s19  }
0x14: {  	v0 =	vimm.s32 $0xEFCDAB89;
	v1 =	vimm.s32 $0x67452301;
	s16 =	smov.u32 s7;
	s7 =	sadd.s32 $0x3C0, s7;
	[dreg:$0x9] =	wrdreg s20  }
0x15: {  	v0 =	vunpack.c.l.s4.s8 v0;
	v1 =	vunpack.c.l.s4.s8 v1;
	s0 =	sadd.s32 $0x4D8, s15;
	s23 =	sadd.s32 $0x4B0, s22;
	[dreg:$0xb] =	wrdreg s7  }
0x16: {  	s26 =	simm.s32 $0x280;
	s24 =	sadd.s32 s4, s0;
	[dreg:$0xc] =	wrdreg s23  }
0x17: {  	v2 =	vunpack.c.0.s8.s32 v0;
	v0 =	vunpack.c.0.s8.s32 v1;
	s14 =	simm.s32 $0x5;
	s25 =	sadd.s32 s5, s0;
	[dreg:$0xd] =	wrdreg s24  }
0x18: {  	s0 =	sadd.s32 s6, s0;
	s22 =	simm.s32 $0x3C0;
	[dreg:$0xe] =	wrdreg s25  }
0x19: {  	v3 =	vcombine.low v0, v2;
	s13 =	simm.s32 $0x3;
	s18 =	simm.s32 $0x4;
	[dreg:$0xf] =	wrdreg s0  }
0x1a: {  	v1 =	vlaneseq.u32;
	s25 =	simm.s32 $0x9;
	s0 =	sshrl.u32 @!p0 s12, $0x3;
	s12 =	simm.s32 $0xF500  }
0x1b: {  	v4 =	vand.u32 $0x7, v1;
	v2 =	vmul.u32 $0x40, v1;
	v3 =	vand.u32 $0xF, v3;
	s19 =	simm.s32 $0x6;
	[dreg:$0x12] =	wrdreg s0;
	s0 =	simm.s32 $0xA500  }
.LBB2_1:
0x1c: {  	[dreg:$0x13] =	wrdreg s9  }
0x1d: {  	s7 =	rddreg [dreg:$0x3]  }
0x1e: {  	s9 =	rddreg [dreg:$0x4]  }
0x1f: {  	s10 =	rddreg [dreg:$0x11]  }
0x20: {  	[spmem:s10], [sflag:s9] =	dma.local [hbm:s7], $0x1380  }
0x21: {  	_ =	swait.ge [sflag:s25], $0x1380  }
0x22: {  	[sflag:s25] =	ssyncset.done $0x0;
	s7 =	rddreg [dreg:$0x5]  }
0x23: {  	s10 =	rddreg [dreg:$0x12];
	[sflag:s25] =	ssyncadd.s32 $0xFFFFEC80  }
0x24: {  	[spmem:s10], [sflag:s9] =	dma.local @!p0 [hbm:s7], $0x80  }
0x25: {  	s9 =	simm.s32 @!p0 $0x9  }
0x26: {  	_ =	swait.ge @!p0 [sflag:s9], $0x80  }
0x27: {  	[sflag:s9] =	ssyncset.done @!p0 $0x0  }
0x28: {  	[sflag:s9] =	ssyncadd.s32 @!p0 $0xFFFFFF80  }
0x29: {  	[bflag:$0x0] =	sbarrier.arrive $0xFFFF  }
0x2a: {  	s23 =	rddreg [dreg:$0x6]  }
0x2b: {  	[tilespmem:s2], [sflag:$0x1] =	stream.linear.gather [hbm4b:s23+s2], $0x140, $0x38;
	[tilespmem:$0x1E3C0] =	vst v63  }
0x2c: {  	s24 =	rddreg [dreg:$0x7]  }
0x2d: {  	[tilespmem:s26], [sflag:$0x1] =	stream.linear.gather [hbm4b:s24+s2], $0x140, $0x38;
	[tilespmem:$0x1E3C0] =	vst v63  }
0x2e: {  	s25 =	rddreg [dreg:$0x8]  }
0x2f: {  	[tilespmem:s28], [sflag:$0x2] =	stream.linear.gather [hbm4b:s25+s2], $0x140, $0x38;
	[tilespmem:$0x1E3C0] =	vst v63  }
0x30: {  	s29 =	rddreg [dreg:$0x9]  }
0x31: {  	[tilespmem:s22], [sflag:$0x2] =	stream.linear.gather [hbm4b:s29+s2], $0x140, $0x38;
	[tilespmem:$0x1E3C0] =	vst v63  }
0x32: {  	_ =	swait.ge [sflag:s30], $0x140  }
0x33: {  	[sflag:s30] =	ssyncset.done $0x0  }
0x34: {  	[sflag:s30] =	ssyncadd.s32 $0xFFFFFEC0  }
0x35: {  	_ =	swait.ge [sflag:s30], $0x140  }
0x36: {  	[sflag:s30] =	ssyncset.done $0x0  }
0x37: {  	[sflag:s30] =	ssyncadd.s32 $0xFFFFFEC0  }
0x38: {  	[tilespmem:s31], [sflag:$0x3] =	stream.indirect.gather [spmem:s1], $0x40, s2, s28, $0xb8;
	[tilespmem:$0x1E3C0] =	vst v63  }
0x39: {  	s25 =	simm.s32 $0x0  }
0x3a: {  	[tilespmem:s0], [sflag:$0x5] =	stream.indirect.gather [hbm4b:s3+s28], $0x40, s26, s28, $0xb8;
	[tilespmem:$0x1E3C0] =	vst v63  }
.LBB2_2:
0x3b: {  	_ =	swait.ge [sflag:s8], $0x140  }
0x3c: {  	[sflag:s8] =	ssyncset.done $0x0  }
0x3d: {  	[sflag:s8] =	ssyncadd.s32 $0xFFFFFEC0  }
0x3e: {  	_ =	swait.ge [sflag:s8], $0x140  }
0x3f: {  	[sflag:s8] =	ssyncset.done $0x0  }
0x40: {  	[sflag:s8] =	ssyncadd.s32 $0xFFFFFEC0  }
0x41: {  	[tilespmem:s11], [sflag:$0x4] =	stream.indirect.gather [spmem:s1], $0x40, s28, s28, $0xb8;
	[tilespmem:$0x1E3C0] =	vst v63  }
0x42: {  	_ = 	snop  }
0x43: {  	[tilespmem:s12], [sflag:$0x6] =	stream.indirect.gather [hbm4b:s3+s28], $0x40, s22, s28, $0xb8;
	[tilespmem:$0x1E3C0] =	vst v63  }
0x44: {  	_ =	swait.ge [sflag:s13], $0x5000  }
0x45: {  	[sflag:s13] =	ssyncset.done $0x0  }
0x46: {  	[sflag:s13] =	ssyncadd.s32 $0xFFFFB000  }
0x47: {  	s9 =	smul.u32 $0x280, s25;
	_ =	swait.ge [sflag:s14], $0x5000  }
0x48: {  	s7 =	rddreg [dreg:$0xa]  }
0x49: {  	s15 =	sadd.s32 s9, s7  }
0x4a: {  	[sflag:s14] =	ssyncset.done $0x0;
	s15 =	sshrl.u32 s15, $0x3  }
0x4b: {  	[sflag:s14] =	ssyncadd.s32 $0xFFFFB000;
	s21 =	sadd.s32 s4, s15  }
0x4c: {  	[tilespmem:s2], [sflag:$0x1] =	stream.linear.gather [hbm4b:s21+s2], $0x140, $0x38;
	[tilespmem:$0x1E3C0] =	vst v63  }
0x4d: {  	p1 =	seq.s32 s25, $0x0;
	s15 =	sadd.s32 s5, s15  }
0x4e: {  	[tilespmem:s26], [sflag:$0x1] =	stream.linear.gather [hbm4b:s15+s2], $0x140, $0x38;
	[tilespmem:$0x1E3C0] =	vst v63  }
0x4f: {  	s15 =	simm.s32 @!p1 $0x7  }
0x50: {  	_ =	swait.ge @!p1 [sflag:s15], $0x140  }
0x51: {  	[sflag:s15] =	ssyncset.done @!p1 $0x0  }
0x52: {  	s21 =	simm.s32 $0x0;
	[sflag:s15] =	ssyncadd.s32 @!p1 $0xFFFFFEC0  }
.LBB2_3:
0x53: {  	s24 =	sshll.u32 s21, $0x4  }
0x54: {  	s23 =	simm.s32 $0x2;
	v5 =	vmov s24  }
0x55: {  	v7 =	vadd.s32 s23, v1;
	v5 =	vshll.u32 v5, $0x6  }
0x56: {  	s29 =	simm.s32 $0x6;
	v7 =	vand.u32 $0x3F, v7;
	v5 =	vor.u32 v2, v5  }
0x57: {  	v15 =	vadd.s32 s29, v1;
	s29 =	simm.s32 $0xC;
	v10 =	vor.u32 v5, v7  }
0x58: {  	v15 =	vand.u32 $0x3F, v15;
	v26 =	vadd.s32 s29, v1  }
0x59: {  	v26 =	vand.u32 $0x3F, v26;
	v15 =	vor.u32 v5, v15  }
0x5a: {  	v26 =	vor.u32 v5, v26  }
0x5b: {  	s15 =	simm.s32 $0x0;
	v6 =	vor.u32 v3, v5  }
0x5c: {  	s7 =	simm.s32 $0x4;
	v9 =	vor.u32 s15, v6;
	v18 =	vld.idx.msk [tilespmem:v10+s0+$0x0], $0xffff  }
0x5d: {  	v19 =	vadd.s32 s7, v1;
	v30 =	vld.idx.msk [tilespmem:v10+s31+$0x0], $0xffff  }
0x5e: {  	s10 =	simm.s32 $0x8;
	v19 =	vand.u32 $0x3F, v19;
	v16 =	vxor.u32 $0x1, v10;
	v35 =	vld.idx.msk [tilespmem:v15+s0+$0x0], $0xffff  }
0x5f: {  	v20 =	vadd.s32 s10, v1;
	v19 =	vor.u32 v5, v19;
	v22 =	vxor.u32 $0x1, v15;
	v41 =	vld.idx.msk [tilespmem:v26+s31+$0x0], $0xffff  }
0x60: {  	s20 =	simm.s32 $0xE;
	v36 =	vxor.u32 $0x1, v19;
	v10 =	vand.u32 $0x38, v20;
	v20 =	vxor.u32 $0x1, v26;
	v26 =	vld.idx.msk [tilespmem:v26+s0+$0x0], $0xffff  }
0x61: {  	v7 =	vadd.s32 s20, v1;
	v12 =	vld.idx.msk [tilespmem:v9+s31+$0x0], $0xffff  }
0x62: {  	v7 =	vand.u32 $0x3F, v7;
	v14 =	vld.idx.msk [tilespmem:v9+s0+$0x0], $0xffff  }
0x63: {  	v11 =	vor.u32 v5, v7;
	v24 =	vld.idx.msk [tilespmem:v16+s0+$0x0], $0xffff  }
0x64: {  	v7 =	vor.u32 v1, v5;
	v49 =	vld.idx.msk [tilespmem:v22+s0+$0x0], $0xffff  }
0x65: {  	s20 =	simm.s32 $0xA;
	v13 =	vor.u32 s15, v7;
	v50 =	vld.idx.msk [tilespmem:v36+s0+$0x0], $0xffff  }
0x66: {  	v25 =	vadd.s32 s20, v1;
	v17 =	vxor.u32 $0x1, v11;
	v36 =	vld.idx.msk [tilespmem:v36+s31+$0x0], $0xffff  }
0x67: {  	v25 =	vand.u32 $0x3F, v25;
	v52 =	vld.idx.msk [tilespmem:v16+s31+$0x0], $0xffff  }
0x68: {  	v23 =	vimm.f32 $0.0e+00;
	v25 =	vor.u32 v5, v25;
	v21 =	vld.idx.msk [tilespmem:v11+s0+$0x0], $0xffff  }
0x69: {  	v8 =	vor.u32 v4, v5;
	v37 =	vxor.u32 $0x1, v25;
	v9 =	vor.u32 v0, v5;
	v11 =	vld.idx.msk [tilespmem:v11+s31+$0x0], $0xffff  }
0x6a: {  	v32 =	vor.u32 v8, v10;
	v33 =	vor.u32 v9, v10;
	v27 =	vld.idx.msk [tilespmem:v13+s31+$0x0], $0xffff;
	v34 =	vshll.u32 v18, $0x10  }
0x6b: {  	v29 =	vld.idx.msk [tilespmem:v17+s0+$0x0], $0xffff;
	v18 =	vand.u32 $0xFFFF0000, v18;
	v57 =	vshll.u32 v30, $0x10;
	v30 =	vand.u32 $0xFFFF0000, v30  }
0x6c: {  	v17 =	vld.idx.msk [tilespmem:v17+s31+$0x0], $0xffff;
	v16 =	vshll.u32 v41, $0x10;
	v61 =	vshll.u32 v26, $0x10;
	v28 =	vshll.u32 v12, $0x10  }
0x6d: {  	v44 =	vld.idx.msk [tilespmem:v13+s0+$0x0], $0xffff;
	v31 =	vand.u32 $0xFFFF0000, v12;
	v43 =	vshll.u32 v14, $0x10;
	v13 =	vand.u32 $0xFFFF0000, v14  }
0x6e: {  	v47 =	vld.idx.msk [tilespmem:v20+s0+$0x0], $0xffff;
	v30 =	vmul.f32 v18, v30;
	v54 =	vshll.u32 v49, $0x10;
	v56 =	vshll.u32 v50, $0x10  }
0x6f: {  	v55 =	vld.idx.msk [tilespmem:v32+s0+$0x0], $0xffff;
	v62 =	vand.u32 $0xFFFF0000, v49;
	v49 =	vshll.u32 v36, $0x10;
	v16 =	vmul.f32 v61, v16  }
0x70: {  	v36 =	vand.u32 $0xFFFF0000, v36;
	v10 =	vand.u32 $0xFFFF0000, v21;
	v12 =	vshll.u32 v21, $0x10;
	v21 =	vld.idx.msk [tilespmem:v15+s31+$0x0], $0xffff  }
0x71: {  	v15 =	vld.idx.msk [tilespmem:v19+s31+$0x0], $0xffff;
	v39 =	vand.u32 $0xFFFF0000, v11;
	v11 =	vshll.u32 v11, $0x10;
	v14 =	vmul.f32 v43, v28  }
0x72: {  	v19 =	vld.idx.msk [tilespmem:v19+s0+$0x0], $0xffff;
	v31 =	vmul.f32 v13, v31;
	v38 =	vand.u32 $0xFFFF0000, v27;
	v40 =	vand.u32 $0xFFFF0000, v29  }
0x73: {  	v28 =	vld.idx.msk [tilespmem:v25+s0+$0x0], $0xffff;
	v10 =	vmul.f32 v10, v39;
	v42 =	vand.u32 $0xFFFF0000, v17;
	v11 =	vmul.f32 v12, v11  }
0x74: {  	v58 =	vld.idx.msk [tilespmem:v33+s31+$0x0], $0xffff;
	v13 =	vshll.u32 v17, $0x10;
	v29 =	vshll.u32 v29, $0x10;
	v59 =	vshll.u32 v44, $0x10  }
0x75: {  	v17 =	vld.idx.msk [tilespmem:v20+s31+$0x0], $0xffff;
	v20 =	vand.u32 $0xFFFF0000, v44;
	v12 =	vmul.f32 v40, v42;
	v40 =	vshll.u32 v24, $0x10  }
0x76: {  	v42 =	vld.idx.msk [tilespmem:v25+s31+$0x0], $0xffff;
	v25 =	vshll.u32 v27, $0x10;
	v27 =	vmul.f32 v34, v57;
	v13 =	vmul.f32 v29, v13  }
0x77: {  	v45 =	vadd.f32 v14, v23;
	v38 =	vmul.f32 v20, v38;
	v31 =	vadd.f32 v31, v23  }
0x78: {  	v24 =	vand.u32 $0xFFFF0000, v24;
	v39 =	vmul.f32 v59, v25;
	v57 =	vshll.u32 v55, $0x10  }
0x79: {  	v18 =	vshll.u32 v15, $0x10;
	v29 =	vshll.u32 v19, $0x10;
	v15 =	vand.u32 $0xFFFF0000, v15  }
0x7a: {  	v60 =	vld.idx.msk [tilespmem:v37+s31+$0x0], $0xffff;
	v19 =	vand.u32 $0xFFFF0000, v19;
	v48 =	vshll.u32 v28, $0x10;
	v51 =	vand.u32 $0xFFFF0000, v21  }
0x7b: {  	v20 =	vshll.u32 v58, $0x10;
	v25 =	vand.u32 $0xFFFF0000, v58;
	v39 =	vadd.f32 v39, v23  }
0x7c: {  	v32 =	vld.idx.msk [tilespmem:v32+s31+$0x0], $0xffff;
	v23 =	vadd.f32 v38, v23;
	v28 =	vand.u32 $0xFFFF0000, v28;
	v43 =	vmul.f32 v29, v18  }
0x7d: {  	v18 =	vshll.u32 v21, $0x10;
	v46 =	vmul.f32 v19, v15;
	v19 =	vshll.u32 v35, $0x10  }
0x7e: {  	v15 =	vand.u32 $0xFFFF0000, v17;
	v14 =	vshll.u32 v17, $0x10;
	v17 =	vand.u32 $0xFFFF0000, v26  }
0x7f: {  	v29 =	vld.idx.msk [tilespmem:v22+s31+$0x0], $0xffff;
	v22 =	vand.u32 $0xFFFF0000, v47;
	v21 =	vshll.u32 v47, $0x10;
	v26 =	vshll.u32 v60, $0x10  }
0x80: {  	v44 =	vshll.u32 v42, $0x10;
	v18 =	vmul.f32 v19, v18;
	v19 =	vand.u32 $0xFFFF0000, v41  }
0x81: {  	v23 =	vadd.f32 v30, v23;
	v41 =	vand.u32 $0xFFFF0000, v60;
	v30 =	vshll.u32 v32, $0x10  }
0x82: {  	v32 =	vand.u32 $0xFFFF0000, v32;
	v42 =	vand.u32 $0xFFFF0000, v42;
	v27 =	vadd.f32 v27, v39  }
0x83: {  	v60 =	vand.u32 $0xFFFF0000, v50;
	v19 =	vmul.f32 v17, v19;
	v17 =	vand.u32 $0xFFFF0000, v35  }
0x84: {  	v63 =	vmul.f32 v17, v51;
	v17 =	vmul.f32 v48, v44;
	v48 =	vshll.u32 v52, $0x10  }
0x85: {  	v23 =	vadd.f32 v46, v23;
	v53 =	vand.u32 $0xFFFF0000, v29;
	v29 =	vshll.u32 v29, $0x10  }
0x86: {  	v37 =	vld.idx.msk [tilespmem:v37+s0+$0x0], $0xffff;
	v38 =	vmul.f32 v40, v48;
	v51 =	vmul.f32 v54, v29;
	v29 =	vand.u32 $0xFFFF0000, v55  }
0x87: {  	v54 =	vmul.f32 v56, v49;
	v56 =	vand.u32 $0xFFFF0000, v52;
	v32 =	vmul.f32 v29, v32  }
0x88: {  	v58 =	vmul.f32 v24, v56;
	v24 =	vmul.f32 v57, v30;
	v29 =	vld.idx.msk [tilespmem:v33+s0+$0x0], $0xffff;
	v30 =	vadd.f32 v38, v45  }
0x89: {  	v28 =	vmul.f32 v28, v42;
	v59 =	vadd.f32 v63, v23;
	v23 =	vmul.f32 v62, v53  }
0x8a: {  	v61 =	vadd.f32 v58, v31;
	v62 =	vadd.f32 v54, v30;
	v30 =	vmul.f32 v60, v36  }
0x8b: {  	v63 =	vand.u32 $0xFFFF0000, v37;
	v31 =	vadd.f32 v43, v27;
	v32 =	vadd.f32 v32, v59  }
0x8c: {  	v33 =	vshll.u32 v37, $0x10;
	v30 =	vadd.f32 v30, v61;
	v27 =	vadd.f32 v51, v62  }
0x8d: {  	s23 =	simm.s32 $0x0;
	s15 =	simm.s32 $0x1E;
	v32 =	vadd.f32 v28, v32;
	v28 =	vmul.f32 v63, v41;
	v34 =	vand.u32 $0xFFFF0000, v29  }
.LBB2_4:
0x8e: {  	s20 =	sadd.s32 $0xFFFFFFF2, s15;
	s29 =	sadd.s32 $0xFFFFFFF4, s15;
	s7 =	sadd.s32 $0xFFFFFFF6, s15;
	v29 =	vshll.u32 v29, $0x10;
	v25 =	vmul.f32 v34, v25;
	v26 =	vmul.f32 v33, v26  }
0x8f: {  	s10 =	sadd.s32 $0xFFFFFFFA, s15;
	s23 =	sadd.s32 $0x8, s23;
	v33 =	vor.u32 s20, v6;
	v34 =	vadd.s32 s29, v1;
	s29 =	sadd.s32 $0xFFFFFFF8, s15;
	v20 =	vmul.f32 v29, v20  }
0x90: {  	p1 =	slt.u32 s23, $0x18;
	v32 =	vadd.f32 v19, v32;
	v29 =	vand.u32 $0x3F, v34;
	v34 =	vadd.s32 s7, v1  }
0x91: {  	v35 =	vadd.s32 s15, v1;
	v18 =	vadd.f32 v18, v31;
	v29 =	vor.u32 v5, v29  }
0x92: {  	v15 =	vmul.f32 v22, v15;
	v31 =	vand.u32 $0x3F, v35;
	v19 =	vxor.u32 $0x1, v29  }
0x93: {  	v30 =	vadd.f32 v23, v30;
	v22 =	vadd.s32 s29, v1;
	s7 =	sadd.s32 $0xFFFFFFFC, s15;
	v31 =	vor.u32 v5, v31  }
0x94: {  	v14 =	vmul.f32 v21, v14;
	v36 =	vadd.s32 s10, v1;
	v22 =	vand.u32 $0x3F, v22;
	v35 =	vld.idx.msk [tilespmem:v33+s31+$0x0], $0xffff  }
0x95: {  	v21 =	vor.u32 s20, v7;
	s10 =	sadd.s32 $0xFFFFFFFE, s15;
	v37 =	vxor.u32 $0x1, v31;
	v22 =	vor.u32 v5, v22;
	v33 =	vld.idx.msk [tilespmem:v33+s0+$0x0], $0xffff  }
0x96: {  	v34 =	vand.u32 $0x3F, v34;
	v40 =	vadd.s32 s7, v1;
	v39 =	vxor.u32 $0x1, v22;
	v38 =	vld.idx.msk [tilespmem:v29+s0+$0x0], $0xffff  }
0x97: {  	v41 =	vadd.s32 s10, v1;
	v25 =	vadd.f32 v25, v30;
	v34 =	vor.u32 v5, v34;
	v23 =	vld.idx.msk [tilespmem:v19+s0+$0x0], $0xffff  }
0x98: {  	v20 =	vadd.f32 v20, v27;
	v30 =	vand.u32 $0x3F, v40;
	v40 =	vand.u32 $0x3F, v41;
	v41 =	vld.idx.msk [tilespmem:v31+s0+$0x0], $0xffff  }
0x99: {  	v18 =	vadd.f32 v24, v18;
	v24 =	vadd.f32 v28, v25;
	v27 =	vld.idx.msk [tilespmem:v29+s31+$0x0], $0xffff;
	v29 =	vor.u32 v5, v30  }
0x9a: {  	v20 =	vadd.f32 v26, v20;
	v25 =	vshll.u32 v35, $0x10;
	v28 =	vand.u32 $0xFFFF0000, v35;
	v30 =	vld.idx.msk [tilespmem:v31+s31+$0x0], $0xffff  }
0x9b: {  	v17 =	vadd.f32 v17, v18;
	v15 =	vadd.f32 v15, v24;
	v31 =	vor.u32 v5, v40;
	v26 =	vld.idx.msk [tilespmem:v21+s31+$0x0], $0xffff  }
0x9c: {  	v18 =	vand.u32 $0x38, v36;
	v14 =	vadd.f32 v14, v20;
	v35 =	vxor.u32 $0x1, v31;
	v36 =	vld.idx.msk [tilespmem:v37+s0+$0x0], $0xffff  }
0x9d: {  	v24 =	vor.u32 v9, v18;
	v20 =	vadd.f32 v12, v15;
	v40 =	vor.u32 v8, v18;
	v18 =	vld.idx.msk [tilespmem:v37+s31+$0x0], $0xffff  }
0x9e: {  	v14 =	vadd.f32 v13, v14;
	v15 =	vshll.u32 v38, $0x10;
	v12 =	vand.u32 $0xFFFF0000, v41;
	v37 =	vld.idx.msk [tilespmem:v22+s0+$0x0], $0xffff  }
0x9f: {  	v16 =	vadd.f32 v16, v17;
	v13 =	vand.u32 $0xFFFF0000, v38;
	v38 =	vshll.u32 v41, $0x10;
	v22 =	vld.idx.msk [tilespmem:v22+s31+$0x0], $0xffff  }
0xa0: {  	v32 =	vadd.f32 v10, v32;
	v42 =	vxor.u32 $0x1, v29;
	v41 =	vxor.u32 $0x1, v34;
	v17 =	vld.idx.msk [tilespmem:v34+s31+$0x0], $0xffff  }
0xa1: {  	v16 =	vadd.f32 v11, v16;
	v10 =	vand.u32 $0xFFFF0000, v30;
	v43 =	vand.u32 $0xFFFF0000, v26;
	v44 =	vld.idx.msk [tilespmem:v31+s31+$0x0], $0xffff  }
0xa2: {  	v11 =	vshll.u32 v30, $0x10;
	v10 =	vmul.f32 v12, v10;
	v30 =	vand.u32 $0xFFFF0000, v36;
	v31 =	vld.idx.msk [tilespmem:v31+s0+$0x0], $0xffff  }
0xa3: {  	v45 =	vshll.u32 v27, $0x10;
	v27 =	vand.u32 $0xFFFF0000, v27;
	v12 =	vand.u32 $0xFFFF0000, v18;
	v34 =	vld.idx.msk [tilespmem:v34+s0+$0x0], $0xffff  }
0xa4: {  	v46 =	vshll.u32 v33, $0x10;
	v33 =	vand.u32 $0xFFFF0000, v33;
	v11 =	vmul.f32 v38, v11;
	v21 =	vld.idx.msk [tilespmem:v21+s0+$0x0], $0xffff  }
0xa5: {  	v25 =	vmul.f32 v46, v25;
	v12 =	vmul.f32 v30, v12;
	v38 =	vld.idx.msk [tilespmem:v29+s0+$0x0], $0xffff  }
0xa6: {  	v28 =	vmul.f32 v33, v28;
	v27 =	vmul.f32 v13, v27;
	v13 =	vshll.u32 v18, $0x10;
	v30 =	vld.idx.msk [tilespmem:v35+s31+$0x0], $0xffff  }
0xa7: {  	v33 =	vshll.u32 v23, $0x10;
	v36 =	vshll.u32 v36, $0x10;
	v18 =	vshll.u32 v17, $0x10;
	v29 =	vld.idx.msk [tilespmem:v29+s31+$0x0], $0xffff  }
0xa8: {  	v45 =	vmul.f32 v15, v45;
	v26 =	vshll.u32 v26, $0x10;
	v13 =	vmul.f32 v36, v13;
	v46 =	vld.idx.msk [tilespmem:v24+s31+$0x0], $0xffff  }
0xa9: {  	v17 =	vand.u32 $0xFFFF0000, v17;
	v15 =	vshll.u32 v34, $0x10;
	v34 =	vand.u32 $0xFFFF0000, v34;
	v36 =	vld.idx.msk [tilespmem:v39+s31+$0x0], $0xffff  }
0xaa: {  	v47 =	vshll.u32 v21, $0x10;
	v48 =	vmul.f32 v15, v18;
	v18 =	vshll.u32 v22, $0x10;
	v35 =	vld.idx.msk [tilespmem:v35+s0+$0x0], $0xffff  }
0xab: {  	v49 =	vadd.f32 v25, v14;
	v25 =	vshll.u32 v37, $0x10;
	v34 =	vmul.f32 v34, v17;
	v17 =	vld.idx.msk [tilespmem:v39+s0+$0x0], $0xffff  }
0xac: {  	v26 =	vmul.f32 v47, v26;
	v47 =	vshll.u32 v38, $0x10;
	v15 =	vand.u32 $0xFFFF0000, v30;
	v39 =	vld.idx.msk [tilespmem:v40+s31+$0x0], $0xffff  }
0xad: {  	v21 =	vand.u32 $0xFFFF0000, v21;
	v14 =	vshll.u32 v30, $0x10;
	v51 =	vshll.u32 v29, $0x10;
	v50 =	vld.idx.msk [tilespmem:v41+s0+$0x0], $0xffff  }
0xae: {  	v18 =	vmul.f32 v25, v18;
	v30 =	vmul.f32 v21, v43;
	v21 =	vand.u32 $0xFFFF0000, v31;
	v41 =	vld.idx.msk [tilespmem:v41+s31+$0x0], $0xffff  }
0xaf: {  	v28 =	vadd.f32 v28, v20;
	v52 =	vand.u32 $0xFFFF0000, v22;
	v20 =	vshll.u32 v46, $0x10;
	v43 =	vld.idx.msk [tilespmem:v19+s31+$0x0], $0xffff  }
0xb0: {  	v55 =	vshll.u32 v44, $0x10;
	v53 =	vand.u32 $0xFFFF0000, v36;
	v19 =	vand.u32 $0xFFFF0000, v44;
	v54 =	vld.idx.msk [tilespmem:v42+s31+$0x0], $0xffff  }
0xb1: {  	v31 =	vshll.u32 v31, $0x10;
	v25 =	vand.u32 $0xFFFF0000, v46;
	v19 =	vmul.f32 v21, v19  }
0xb2: {  	v44 =	vadd.f32 v26, v16;
	v22 =	vand.u32 $0xFFFF0000, v35;
	v46 =	vshll.u32 v17, $0x10;
	v40 =	vld.idx.msk [tilespmem:v40+s0+$0x0], $0xffff  }
0xb3: {  	v16 =	vand.u32 $0xFFFF0000, v37;
	v21 =	vshll.u32 v35, $0x10;
	v56 =	vshll.u32 v50, $0x10  }
0xb4: {  	v35 =	vand.u32 $0xFFFF0000, v17;
	v37 =	vmul.f32 v16, v52;
	v17 =	vmul.f32 v47, v51  }
0xb5: {  	v30 =	vadd.f32 v30, v32;
	v47 =	vshll.u32 v41, $0x10;
	v32 =	vshll.u32 v43, $0x10  }
0xb6: {  	v36 =	vshll.u32 v36, $0x10;
	v16 =	vmul.f32 v31, v55;
	v26 =	vshll.u32 v54, $0x10  }
0xb7: {  	v23 =	vand.u32 $0xFFFF0000, v23;
	v27 =	vadd.f32 v27, v30;
	v36 =	vmul.f32 v46, v36  }
0xb8: {  	v31 =	vand.u32 $0xFFFF0000, v38;
	v38 =	vand.u32 $0xFFFF0000, v54;
	v30 =	vand.u32 $0xFFFF0000, v40  }
0xb9: {  	v27 =	vadd.f32 v34, v27;
	v34 =	vshll.u32 v39, $0x10;
	v39 =	vand.u32 $0xFFFF0000, v39  }
0xba: {  	v46 =	vand.u32 $0xFFFF0000, v29;
	v32 =	vmul.f32 v33, v32;
	v33 =	vmul.f32 v56, v47;
	v42 =	vld.idx.msk [tilespmem:v42+s0+$0x0], $0xffff  }
0xbb: {  	v29 =	vand.u32 $0xFFFF0000, v43;
	v40 =	vshll.u32 v40, $0x10;
	v30 =	vmul.f32 v30, v39  }
0xbc: {  	v43 =	vmul.f32 v23, v29;
	v39 =	vadd.f32 v45, v44;
	v29 =	vld.idx.msk [tilespmem:v24+s0+$0x0], $0xffff;
	v24 =	vmul.f32 v40, v34  }
0xbd: {  	v27 =	vadd.f32 v37, v27;
	v37 =	vmul.f32 v31, v46;
	v32 =	vadd.f32 v32, v49  }
.Ltmp0:
0xbe: {  	v31 =	vand.u32 $0xFFFF0000, v41;
	v23 =	vmul.f32 v35, v53;
	v34 =	vand.u32 $0xFFFF0000, v50;
	(pc) =	sbr.rel @p1 .LBB2_4-.Ltmp0, $4  }
0xbf: {  	v28 =	vadd.f32 v43, v28;
	v32 =	vadd.f32 v33, v32;
	v33 =	vmul.f32 v34, v31  }
0xc0: {  	v35 =	vadd.f32 v30, v27;
	v31 =	vadd.f32 v48, v39;
	v39 =	vand.u32 $0xFFFF0000, v42  }
0xc1: {  	v27 =	vadd.f32 v36, v32;
	v30 =	vadd.f32 v33, v28;
	v33 =	vshll.u32 v42, $0x10  }
0xc2: {  	s15 =	sadd.s32 $0x10, s15;
	v32 =	vadd.f32 v37, v35;
	v28 =	vmul.f32 v39, v38;
	v34 =	vand.u32 $0xFFFF0000, v29  }
0xc3: {  	v5 =	vshll.u32 v29, $0x10;
	v6 =	vmul.f32 v34, v25;
	v7 =	vadd.f32 v23, v30  }
0xc4: {  	v8 =	vadd.f32 v18, v31;
	v5 =	vmul.f32 v5, v20  }
0xc5: {  	v6 =	vadd.f32 v6, v7  }
0xc6: {  	v9 =	vmul.f32 v33, v26;
	v8 =	vadd.f32 v24, v8;
	v5 =	vadd.f32 v5, v27  }
0xc7: {  	v7 =	vmul.f32 v22, v15;
	v6 =	vadd.f32 v28, v6  }
0xc8: {  	v14 =	vmul.f32 v21, v14;
	v8 =	vadd.f32 v17, v8;
	v5 =	vadd.f32 v9, v5  }
0xc9: {  	v6 =	vadd.f32 v7, v6;
	v7 =	vadd.f32 v19, v32  }
0xca: {  	v8 =	vadd.f32 v16, v8;
	v5 =	vadd.f32 v14, v5  }
0xcb: {  	v6 =	vadd.f32 v12, v6;
	v7 =	vadd.f32 v10, v7  }
0xcc: {  	v8 =	vadd.f32 v11, v8;
	v5 =	vadd.f32 v13, v5;
	_ =	sdelay $0x1  }
0xcd: {  	v6 =	vadd.f32 v6, v7;
	v5 =	vadd.f32 v5, v8;
	_ =	sdelay $0x1  }
0xce: {  	v5 =	vadd.f32 v6, v5;
	_ =	sdelay $0x1  }
0xcf: {  	v6 =	vand.u32 $0x7FFFFFFF, v5  }
0xd0: {  	v6 =	vmul.f32 $-2.000000000e+00, v6;
	_ =	sdelay $0x1  }
0xd1: {  	v6 =	vmul.f32 $1.442695020e+00, v6;
	_ =	sdelay $0x1  }
0xd2: {  	(erf) = vpow2.f32 v6;
	_ =	sdelay $0x8  }
0xd3: {  	v6 =	vpop (erf)  }
0xd4: {  	v7 =	vadd.f32 $1.000000000e+00, v6;
	_ =	sdelay $0x1  }
0xd5: {  	(erf) = vrcp.f32 v7;
	_ =	sdelay $0x7  }
0xd6: {  	v6 =	vsub.f32 $1.000000000e+00, v6  }
0xd7: {  	s21 =	sadd.s32 $0x1, s21;
	v7 =	vpop (erf)  }
0xd8: {  	p1 =	sne.s32 s21, $0x14;
	v6 =	vmul.f32 v7, v6  }
.Ltmp1:
0xd9: {  	_ = 	snop;
	(pc) =	sbr.rel @p1 .LBB2_3-.Ltmp1, $4  }
0xda: {  	v7 =	vsub.f32 $0.0e+00, v6  }
0xdb: {  	vm0 =	vlt.f32 v5, $0.0e+00  }
0xdc: {  	v5 =	vsel vm0, v7, v6  }
0xdd: {  	[tilespmem:s24+$0x14500] =	vst v5  }
0xde: {  	s7 =	sadd.s32 s16, s9  }
0xdf: {  	s7 =	sshrl.u32 s7, $0x3  }
0xe0: {  	s10 =	simm.s32 $0x14500;
	s7 =	sadd.s32 s6, s7  }
0xe1: {  	[hbm4b:s7+s2] =	stream.linear.scatter [tilespmem:s10], [sflag:$0x7], $0x140, $0x38;
	[tilespmem:$0x1E3C0] =	vst v63  }
0xe2: {  	_ =	swait.ge [sflag:s30], $0x140  }
0xe3: {  	[sflag:s30] =	ssyncset.done $0x0  }
0xe4: {  	[sflag:s30] =	ssyncadd.s32 $0xFFFFFEC0  }
0xe5: {  	_ =	swait.ge [sflag:s30], $0x140  }
0xe6: {  	[sflag:s30] =	ssyncset.done $0x0  }
0xe7: {  	[sflag:s30] =	ssyncadd.s32 $0xFFFFFEC0  }
0xe8: {  	[tilespmem:s31], [sflag:$0x3] =	stream.indirect.gather [spmem:s1], $0x40, s2, s28, $0xb8;
	[tilespmem:$0x1E3C0] =	vst v63  }
0xe9: {  	_ = 	snop  }
0xea: {  	[tilespmem:s0], [sflag:$0x5] =	stream.indirect.gather [hbm4b:s3+s28], $0x40, s26, s28, $0xb8;
	[tilespmem:$0x1E3C0] =	vst v63  }
0xeb: {  	_ =	swait.ge [sflag:s18], $0x5000  }
0xec: {  	[sflag:s18] =	ssyncset.done $0x0  }
0xed: {  	[sflag:s18] =	ssyncadd.s32 $0xFFFFB000  }
0xee: {  	_ =	swait.ge [sflag:s19], $0x5000  }
0xef: {  	p1 =	seq.s32 s25, $0xE;
	s7 =	rddreg [dreg:$0xb]  }
0xf0: {  	s7 =	sadd.s32 @!p1 s9, s7  }
0xf1: {  	s15 =	simm.s32 @!p1 $0x0;
	[sflag:s19] =	ssyncset.done $0x0;
	s7 =	sshrl.u32 @!p1 s7, $0x3  }
0xf2: {  	s20 =	simm.s32 @!p1 $0x140;
	[sflag:s19] =	ssyncadd.s32 $0xFFFFB000;
	s10 =	sadd.s32 @!p1 s4, s7  }
0xf3: {  	[tilespmem:s20], [sflag:$0x2] =	stream.linear.gather @!p1 [hbm4b:s10+s15], $0x140, $0x38;
	[tilespmem:$0x1E3C0] =	vst v63  }
0xf4: {  	p2 =	seq.s32 @!p1 s25, $0x0;
	s7 =	sadd.s32 @!p1 s5, s7;
	s10 =	simm.s32 @!p1 $0x3C0  }
0xf5: {  	[tilespmem:s10], [sflag:$0x2] =	stream.linear.gather @!p1 [hbm4b:s7+s15], $0x140, $0x38;
	[tilespmem:$0x1E3C0] =	vst v63  }
0xf6: {  	p1 =	por p1, !p2  }
0xf7: {  	s7 =	simm.s32 @p1 $0x8  }
0xf8: {  	_ =	swait.ge @p1 [sflag:s7], $0x140  }
0xf9: {  	[sflag:s7] =	ssyncset.done @p1 $0x0  }
0xfa: {  	s21 =	simm.s32 $0x0;
	[sflag:s7] =	ssyncadd.s32 @p1 $0xFFFFFEC0  }
.LBB2_7:
0xfb: {  	s24 =	sshll.u32 s21, $0x4  }
0xfc: {  	s10 =	simm.s32 $0x2;
	v5 =	vmov s24  }
0xfd: {  	v7 =	vadd.s32 s10, v1;
	v5 =	vshll.u32 v5, $0x6  }
0xfe: {  	s29 =	simm.s32 $0x6;
	v7 =	vand.u32 $0x3F, v7;
	v5 =	vor.u32 v2, v5  }
0xff: {  	v15 =	vadd.s32 s29, v1;
	s29 =	simm.s32 $0xC;
	v10 =	vor.u32 v5, v7  }
0x100: {  	v15 =	vand.u32 $0x3F, v15;
	v26 =	vadd.s32 s29, v1  }
0x101: {  	v26 =	vand.u32 $0x3F, v26;
	v15 =	vor.u32 v5, v15  }
0x102: {  	v26 =	vor.u32 v5, v26  }
0x103: {  	s7 =	simm.s32 $0x0;
	v6 =	vor.u32 v3, v5  }
0x104: {  	s15 =	simm.s32 $0x4;
	v9 =	vor.u32 s7, v6;
	v18 =	vld.idx.msk [tilespmem:v10+s12+$0x0], $0xffff  }
0x105: {  	v19 =	vadd.s32 s15, v1;
	v30 =	vld.idx.msk [tilespmem:v10+s11+$0x0], $0xffff  }
0x106: {  	s20 =	simm.s32 $0x8;
	v19 =	vand.u32 $0x3F, v19;
	v16 =	vxor.u32 $0x1, v10;
	v35 =	vld.idx.msk [tilespmem:v15+s12+$0x0], $0xffff  }
0x107: {  	v20 =	vadd.s32 s20, v1;
	v19 =	vor.u32 v5, v19;
	v22 =	vxor.u32 $0x1, v15;
	v41 =	vld.idx.msk [tilespmem:v26+s11+$0x0], $0xffff  }
0x108: {  	s23 =	simm.s32 $0xE;
	v36 =	vxor.u32 $0x1, v19;
	v10 =	vand.u32 $0x38, v20;
	v20 =	vxor.u32 $0x1, v26;
	v26 =	vld.idx.msk [tilespmem:v26+s12+$0x0], $0xffff  }
0x109: {  	v7 =	vadd.s32 s23, v1;
	v12 =	vld.idx.msk [tilespmem:v9+s11+$0x0], $0xffff  }
0x10a: {  	v7 =	vand.u32 $0x3F, v7;
	v14 =	vld.idx.msk [tilespmem:v9+s12+$0x0], $0xffff  }
0x10b: {  	v11 =	vor.u32 v5, v7;
	v24 =	vld.idx.msk [tilespmem:v16+s12+$0x0], $0xffff  }
0x10c: {  	v7 =	vor.u32 v1, v5;
	v49 =	vld.idx.msk [tilespmem:v22+s12+$0x0], $0xffff  }
0x10d: {  	s23 =	simm.s32 $0xA;
	v13 =	vor.u32 s7, v7;
	v50 =	vld.idx.msk [tilespmem:v36+s12+$0x0], $0xffff  }
0x10e: {  	v25 =	vadd.s32 s23, v1;
	v17 =	vxor.u32 $0x1, v11;
	v36 =	vld.idx.msk [tilespmem:v36+s11+$0x0], $0xffff  }
0x10f: {  	v25 =	vand.u32 $0x3F, v25;
	v52 =	vld.idx.msk [tilespmem:v16+s11+$0x0], $0xffff  }
0x110: {  	v23 =	vimm.f32 $0.0e+00;
	v25 =	vor.u32 v5, v25;
	v21 =	vld.idx.msk [tilespmem:v11+s12+$0x0], $0xffff  }
0x111: {  	v8 =	vor.u32 v4, v5;
	v37 =	vxor.u32 $0x1, v25;
	v9 =	vor.u32 v0, v5;
	v11 =	vld.idx.msk [tilespmem:v11+s11+$0x0], $0xffff  }
0x112: {  	v32 =	vor.u32 v8, v10;
	v33 =	vor.u32 v9, v10;
	v27 =	vld.idx.msk [tilespmem:v13+s11+$0x0], $0xffff;
	v34 =	vshll.u32 v18, $0x10  }
0x113: {  	v29 =	vld.idx.msk [tilespmem:v17+s12+$0x0], $0xffff;
	v18 =	vand.u32 $0xFFFF0000, v18;
	v57 =	vshll.u32 v30, $0x10;
	v30 =	vand.u32 $0xFFFF0000, v30  }
0x114: {  	v17 =	vld.idx.msk [tilespmem:v17+s11+$0x0], $0xffff;
	v16 =	vshll.u32 v41, $0x10;
	v61 =	vshll.u32 v26, $0x10;
	v28 =	vshll.u32 v12, $0x10  }
0x115: {  	v44 =	vld.idx.msk [tilespmem:v13+s12+$0x0], $0xffff;
	v31 =	vand.u32 $0xFFFF0000, v12;
	v43 =	vshll.u32 v14, $0x10;
	v13 =	vand.u32 $0xFFFF0000, v14  }
0x116: {  	v47 =	vld.idx.msk [tilespmem:v20+s12+$0x0], $0xffff;
	v30 =	vmul.f32 v18, v30;
	v54 =	vshll.u32 v49, $0x10;
	v56 =	vshll.u32 v50, $0x10  }
0x117: {  	v55 =	vld.idx.msk [tilespmem:v32+s12+$0x0], $0xffff;
	v62 =	vand.u32 $0xFFFF0000, v49;
	v49 =	vshll.u32 v36, $0x10;
	v16 =	vmul.f32 v61, v16  }
0x118: {  	v36 =	vand.u32 $0xFFFF0000, v36;
	v10 =	vand.u32 $0xFFFF0000, v21;
	v12 =	vshll.u32 v21, $0x10;
	v21 =	vld.idx.msk [tilespmem:v15+s11+$0x0], $0xffff  }
0x119: {  	v15 =	vld.idx.msk [tilespmem:v19+s11+$0x0], $0xffff;
	v39 =	vand.u32 $0xFFFF0000, v11;
	v11 =	vshll.u32 v11, $0x10;
	v14 =	vmul.f32 v43, v28  }
0x11a: {  	v19 =	vld.idx.msk [tilespmem:v19+s12+$0x0], $0xffff;
	v31 =	vmul.f32 v13, v31;
	v38 =	vand.u32 $0xFFFF0000, v27;
	v40 =	vand.u32 $0xFFFF0000, v29  }
0x11b: {  	v28 =	vld.idx.msk [tilespmem:v25+s12+$0x0], $0xffff;
	v10 =	vmul.f32 v10, v39;
	v42 =	vand.u32 $0xFFFF0000, v17;
	v11 =	vmul.f32 v12, v11  }
0x11c: {  	v58 =	vld.idx.msk [tilespmem:v33+s11+$0x0], $0xffff;
	v13 =	vshll.u32 v17, $0x10;
	v29 =	vshll.u32 v29, $0x10;
	v59 =	vshll.u32 v44, $0x10  }
0x11d: {  	v17 =	vld.idx.msk [tilespmem:v20+s11+$0x0], $0xffff;
	v20 =	vand.u32 $0xFFFF0000, v44;
	v12 =	vmul.f32 v40, v42;
	v40 =	vshll.u32 v24, $0x10  }
0x11e: {  	v42 =	vld.idx.msk [tilespmem:v25+s11+$0x0], $0xffff;
	v25 =	vshll.u32 v27, $0x10;
	v27 =	vmul.f32 v34, v57;
	v13 =	vmul.f32 v29, v13  }
0x11f: {  	v45 =	vadd.f32 v14, v23;
	v38 =	vmul.f32 v20, v38;
	v31 =	vadd.f32 v31, v23  }
0x120: {  	v24 =	vand.u32 $0xFFFF0000, v24;
	v39 =	vmul.f32 v59, v25;
	v57 =	vshll.u32 v55, $0x10  }
0x121: {  	v18 =	vshll.u32 v15, $0x10;
	v29 =	vshll.u32 v19, $0x10;
	v15 =	vand.u32 $0xFFFF0000, v15  }
0x122: {  	v60 =	vld.idx.msk [tilespmem:v37+s11+$0x0], $0xffff;
	v19 =	vand.u32 $0xFFFF0000, v19;
	v48 =	vshll.u32 v28, $0x10;
	v51 =	vand.u32 $0xFFFF0000, v21  }
0x123: {  	v20 =	vshll.u32 v58, $0x10;
	v25 =	vand.u32 $0xFFFF0000, v58;
	v39 =	vadd.f32 v39, v23  }
0x124: {  	v32 =	vld.idx.msk [tilespmem:v32+s11+$0x0], $0xffff;
	v23 =	vadd.f32 v38, v23;
	v28 =	vand.u32 $0xFFFF0000, v28;
	v43 =	vmul.f32 v29, v18  }
0x125: {  	v18 =	vshll.u32 v21, $0x10;
	v46 =	vmul.f32 v19, v15;
	v19 =	vshll.u32 v35, $0x10  }
0x126: {  	v15 =	vand.u32 $0xFFFF0000, v17;
	v14 =	vshll.u32 v17, $0x10;
	v17 =	vand.u32 $0xFFFF0000, v26  }
0x127: {  	v29 =	vld.idx.msk [tilespmem:v22+s11+$0x0], $0xffff;
	v22 =	vand.u32 $0xFFFF0000, v47;
	v21 =	vshll.u32 v47, $0x10;
	v26 =	vshll.u32 v60, $0x10  }
0x128: {  	v44 =	vshll.u32 v42, $0x10;
	v18 =	vmul.f32 v19, v18;
	v19 =	vand.u32 $0xFFFF0000, v41  }
0x129: {  	v23 =	vadd.f32 v30, v23;
	v41 =	vand.u32 $0xFFFF0000, v60;
	v30 =	vshll.u32 v32, $0x10  }
0x12a: {  	v32 =	vand.u32 $0xFFFF0000, v32;
	v42 =	vand.u32 $0xFFFF0000, v42;
	v27 =	vadd.f32 v27, v39  }
0x12b: {  	v60 =	vand.u32 $0xFFFF0000, v50;
	v19 =	vmul.f32 v17, v19;
	v17 =	vand.u32 $0xFFFF0000, v35  }
0x12c: {  	v63 =	vmul.f32 v17, v51;
	v17 =	vmul.f32 v48, v44;
	v48 =	vshll.u32 v52, $0x10  }
0x12d: {  	v23 =	vadd.f32 v46, v23;
	v53 =	vand.u32 $0xFFFF0000, v29;
	v29 =	vshll.u32 v29, $0x10  }
0x12e: {  	v37 =	vld.idx.msk [tilespmem:v37+s12+$0x0], $0xffff;
	v38 =	vmul.f32 v40, v48;
	v51 =	vmul.f32 v54, v29;
	v29 =	vand.u32 $0xFFFF0000, v55  }
0x12f: {  	v54 =	vmul.f32 v56, v49;
	v56 =	vand.u32 $0xFFFF0000, v52;
	v32 =	vmul.f32 v29, v32  }
0x130: {  	v58 =	vmul.f32 v24, v56;
	v24 =	vmul.f32 v57, v30;
	v29 =	vld.idx.msk [tilespmem:v33+s12+$0x0], $0xffff;
	v30 =	vadd.f32 v38, v45  }
0x131: {  	v28 =	vmul.f32 v28, v42;
	v59 =	vadd.f32 v63, v23;
	v23 =	vmul.f32 v62, v53  }
0x132: {  	v61 =	vadd.f32 v58, v31;
	v62 =	vadd.f32 v54, v30;
	v30 =	vmul.f32 v60, v36  }
0x133: {  	v63 =	vand.u32 $0xFFFF0000, v37;
	v31 =	vadd.f32 v43, v27;
	v32 =	vadd.f32 v32, v59  }
0x134: {  	v33 =	vshll.u32 v37, $0x10;
	v30 =	vadd.f32 v30, v61;
	v27 =	vadd.f32 v51, v62  }
0x135: {  	s15 =	simm.s32 $0x1E;
	s23 =	simm.s32 $0x0;
	v32 =	vadd.f32 v28, v32;
	v28 =	vmul.f32 v63, v41;
	v34 =	vand.u32 $0xFFFF0000, v29  }
.LBB2_8:
0x136: {  	s7 =	sadd.s32 $0xFFFFFFF2, s15;
	s10 =	sadd.s32 $0xFFFFFFF4, s15;
	s20 =	sadd.s32 $0xFFFFFFF6, s15;
	v29 =	vshll.u32 v29, $0x10;
	v25 =	vmul.f32 v34, v25;
	v26 =	vmul.f32 v33, v26  }
0x137: {  	s29 =	sadd.s32 $0xFFFFFFFA, s15;
	s23 =	sadd.s32 $0x8, s23;
	v33 =	vor.u32 s7, v6;
	v34 =	vadd.s32 s10, v1;
	s10 =	sadd.s32 $0xFFFFFFF8, s15;
	v20 =	vmul.f32 v29, v20  }
0x138: {  	p1 =	slt.u32 s23, $0x18;
	v32 =	vadd.f32 v19, v32;
	v29 =	vand.u32 $0x3F, v34;
	v34 =	vadd.s32 s20, v1  }
0x139: {  	v35 =	vadd.s32 s15, v1;
	v18 =	vadd.f32 v18, v31;
	v29 =	vor.u32 v5, v29  }
0x13a: {  	v15 =	vmul.f32 v22, v15;
	v31 =	vand.u32 $0x3F, v35;
	v19 =	vxor.u32 $0x1, v29  }
0x13b: {  	v30 =	vadd.f32 v23, v30;
	v22 =	vadd.s32 s10, v1;
	s10 =	sadd.s32 $0xFFFFFFFC, s15;
	v31 =	vor.u32 v5, v31  }
0x13c: {  	v14 =	vmul.f32 v21, v14;
	v36 =	vadd.s32 s29, v1;
	v22 =	vand.u32 $0x3F, v22;
	v35 =	vld.idx.msk [tilespmem:v33+s11+$0x0], $0xffff  }
0x13d: {  	v21 =	vor.u32 s7, v7;
	s7 =	sadd.s32 $0xFFFFFFFE, s15;
	v37 =	vxor.u32 $0x1, v31;
	v22 =	vor.u32 v5, v22;
	v33 =	vld.idx.msk [tilespmem:v33+s12+$0x0], $0xffff  }
0x13e: {  	v34 =	vand.u32 $0x3F, v34;
	v40 =	vadd.s32 s10, v1;
	v39 =	vxor.u32 $0x1, v22;
	v38 =	vld.idx.msk [tilespmem:v29+s12+$0x0], $0xffff  }
0x13f: {  	v41 =	vadd.s32 s7, v1;
	v25 =	vadd.f32 v25, v30;
	v34 =	vor.u32 v5, v34;
	v23 =	vld.idx.msk [tilespmem:v19+s12+$0x0], $0xffff  }
0x140: {  	v20 =	vadd.f32 v20, v27;
	v30 =	vand.u32 $0x3F, v40;
	v40 =	vand.u32 $0x3F, v41;
	v41 =	vld.idx.msk [tilespmem:v31+s12+$0x0], $0xffff  }
0x141: {  	v18 =	vadd.f32 v24, v18;
	v24 =	vadd.f32 v28, v25;
	v27 =	vld.idx.msk [tilespmem:v29+s11+$0x0], $0xffff;
	v29 =	vor.u32 v5, v30  }
0x142: {  	v20 =	vadd.f32 v26, v20;
	v25 =	vshll.u32 v35, $0x10;
	v28 =	vand.u32 $0xFFFF0000, v35;
	v30 =	vld.idx.msk [tilespmem:v31+s11+$0x0], $0xffff  }
0x143: {  	v17 =	vadd.f32 v17, v18;
	v15 =	vadd.f32 v15, v24;
	v31 =	vor.u32 v5, v40;
	v26 =	vld.idx.msk [tilespmem:v21+s11+$0x0], $0xffff  }
0x144: {  	v18 =	vand.u32 $0x38, v36;
	v14 =	vadd.f32 v14, v20;
	v35 =	vxor.u32 $0x1, v31;
	v36 =	vld.idx.msk [tilespmem:v37+s12+$0x0], $0xffff  }
0x145: {  	v24 =	vor.u32 v9, v18;
	v20 =	vadd.f32 v12, v15;
	v40 =	vor.u32 v8, v18;
	v18 =	vld.idx.msk [tilespmem:v37+s11+$0x0], $0xffff  }
0x146: {  	v14 =	vadd.f32 v13, v14;
	v15 =	vshll.u32 v38, $0x10;
	v12 =	vand.u32 $0xFFFF0000, v41;
	v37 =	vld.idx.msk [tilespmem:v22+s12+$0x0], $0xffff  }
0x147: {  	v16 =	vadd.f32 v16, v17;
	v13 =	vand.u32 $0xFFFF0000, v38;
	v38 =	vshll.u32 v41, $0x10;
	v22 =	vld.idx.msk [tilespmem:v22+s11+$0x0], $0xffff  }
0x148: {  	v32 =	vadd.f32 v10, v32;
	v42 =	vxor.u32 $0x1, v29;
	v41 =	vxor.u32 $0x1, v34;
	v17 =	vld.idx.msk [tilespmem:v34+s11+$0x0], $0xffff  }
0x149: {  	v16 =	vadd.f32 v11, v16;
	v10 =	vand.u32 $0xFFFF0000, v30;
	v43 =	vand.u32 $0xFFFF0000, v26;
	v44 =	vld.idx.msk [tilespmem:v31+s11+$0x0], $0xffff  }
0x14a: {  	v11 =	vshll.u32 v30, $0x10;
	v10 =	vmul.f32 v12, v10;
	v30 =	vand.u32 $0xFFFF0000, v36;
	v31 =	vld.idx.msk [tilespmem:v31+s12+$0x0], $0xffff  }
0x14b: {  	v45 =	vshll.u32 v27, $0x10;
	v27 =	vand.u32 $0xFFFF0000, v27;
	v12 =	vand.u32 $0xFFFF0000, v18;
	v34 =	vld.idx.msk [tilespmem:v34+s12+$0x0], $0xffff  }
0x14c: {  	v46 =	vshll.u32 v33, $0x10;
	v33 =	vand.u32 $0xFFFF0000, v33;
	v11 =	vmul.f32 v38, v11;
	v21 =	vld.idx.msk [tilespmem:v21+s12+$0x0], $0xffff  }
0x14d: {  	v25 =	vmul.f32 v46, v25;
	v12 =	vmul.f32 v30, v12;
	v38 =	vld.idx.msk [tilespmem:v29+s12+$0x0], $0xffff  }
0x14e: {  	v28 =	vmul.f32 v33, v28;
	v27 =	vmul.f32 v13, v27;
	v13 =	vshll.u32 v18, $0x10;
	v30 =	vld.idx.msk [tilespmem:v35+s11+$0x0], $0xffff  }
0x14f: {  	v33 =	vshll.u32 v23, $0x10;
	v36 =	vshll.u32 v36, $0x10;
	v18 =	vshll.u32 v17, $0x10;
	v29 =	vld.idx.msk [tilespmem:v29+s11+$0x0], $0xffff  }
0x150: {  	v45 =	vmul.f32 v15, v45;
	v26 =	vshll.u32 v26, $0x10;
	v13 =	vmul.f32 v36, v13;
	v46 =	vld.idx.msk [tilespmem:v24+s11+$0x0], $0xffff  }
0x151: {  	v17 =	vand.u32 $0xFFFF0000, v17;
	v15 =	vshll.u32 v34, $0x10;
	v34 =	vand.u32 $0xFFFF0000, v34;
	v36 =	vld.idx.msk [tilespmem:v39+s11+$0x0], $0xffff  }
0x152: {  	v47 =	vshll.u32 v21, $0x10;
	v48 =	vmul.f32 v15, v18;
	v18 =	vshll.u32 v22, $0x10;
	v35 =	vld.idx.msk [tilespmem:v35+s12+$0x0], $0xffff  }
0x153: {  	v49 =	vadd.f32 v25, v14;
	v25 =	vshll.u32 v37, $0x10;
	v34 =	vmul.f32 v34, v17;
	v17 =	vld.idx.msk [tilespmem:v39+s12+$0x0], $0xffff  }
0x154: {  	v26 =	vmul.f32 v47, v26;
	v47 =	vshll.u32 v38, $0x10;
	v15 =	vand.u32 $0xFFFF0000, v30;
	v39 =	vld.idx.msk [tilespmem:v40+s11+$0x0], $0xffff  }
0x155: {  	v21 =	vand.u32 $0xFFFF0000, v21;
	v14 =	vshll.u32 v30, $0x10;
	v51 =	vshll.u32 v29, $0x10;
	v50 =	vld.idx.msk [tilespmem:v41+s12+$0x0], $0xffff  }
0x156: {  	v18 =	vmul.f32 v25, v18;
	v30 =	vmul.f32 v21, v43;
	v21 =	vand.u32 $0xFFFF0000, v31;
	v41 =	vld.idx.msk [tilespmem:v41+s11+$0x0], $0xffff  }
0x157: {  	v28 =	vadd.f32 v28, v20;
	v52 =	vand.u32 $0xFFFF0000, v22;
	v20 =	vshll.u32 v46, $0x10;
	v43 =	vld.idx.msk [tilespmem:v19+s11+$0x0], $0xffff  }
0x158: {  	v55 =	vshll.u32 v44, $0x10;
	v53 =	vand.u32 $0xFFFF0000, v36;
	v19 =	vand.u32 $0xFFFF0000, v44;
	v54 =	vld.idx.msk [tilespmem:v42+s11+$0x0], $0xffff  }
0x159: {  	v31 =	vshll.u32 v31, $0x10;
	v25 =	vand.u32 $0xFFFF0000, v46;
	v19 =	vmul.f32 v21, v19  }
0x15a: {  	v44 =	vadd.f32 v26, v16;
	v22 =	vand.u32 $0xFFFF0000, v35;
	v46 =	vshll.u32 v17, $0x10;
	v40 =	vld.idx.msk [tilespmem:v40+s12+$0x0], $0xffff  }
0x15b: {  	v16 =	vand.u32 $0xFFFF0000, v37;
	v21 =	vshll.u32 v35, $0x10;
	v56 =	vshll.u32 v50, $0x10  }
0x15c: {  	v35 =	vand.u32 $0xFFFF0000, v17;
	v37 =	vmul.f32 v16, v52;
	v17 =	vmul.f32 v47, v51  }
0x15d: {  	v30 =	vadd.f32 v30, v32;
	v47 =	vshll.u32 v41, $0x10;
	v32 =	vshll.u32 v43, $0x10  }
0x15e: {  	v36 =	vshll.u32 v36, $0x10;
	v16 =	vmul.f32 v31, v55;
	v26 =	vshll.u32 v54, $0x10  }
0x15f: {  	v23 =	vand.u32 $0xFFFF0000, v23;
	v27 =	vadd.f32 v27, v30;
	v36 =	vmul.f32 v46, v36  }
0x160: {  	v31 =	vand.u32 $0xFFFF0000, v38;
	v38 =	vand.u32 $0xFFFF0000, v54;
	v30 =	vand.u32 $0xFFFF0000, v40  }
0x161: {  	v27 =	vadd.f32 v34, v27;
	v34 =	vshll.u32 v39, $0x10;
	v39 =	vand.u32 $0xFFFF0000, v39  }
0x162: {  	v46 =	vand.u32 $0xFFFF0000, v29;
	v32 =	vmul.f32 v33, v32;
	v33 =	vmul.f32 v56, v47;
	v42 =	vld.idx.msk [tilespmem:v42+s12+$0x0], $0xffff  }
0x163: {  	v29 =	vand.u32 $0xFFFF0000, v43;
	v40 =	vshll.u32 v40, $0x10;
	v30 =	vmul.f32 v30, v39  }
0x164: {  	v43 =	vmul.f32 v23, v29;
	v39 =	vadd.f32 v45, v44;
	v29 =	vld.idx.msk [tilespmem:v24+s12+$0x0], $0xffff;
	v24 =	vmul.f32 v40, v34  }
0x165: {  	v27 =	vadd.f32 v37, v27;
	v37 =	vmul.f32 v31, v46;
	v32 =	vadd.f32 v32, v49  }
.Ltmp2:
0x166: {  	v31 =	vand.u32 $0xFFFF0000, v41;
	v23 =	vmul.f32 v35, v53;
	v34 =	vand.u32 $0xFFFF0000, v50;
	(pc) =	sbr.rel @p1 .LBB2_8-.Ltmp2, $4  }
0x167: {  	v28 =	vadd.f32 v43, v28;
	v32 =	vadd.f32 v33, v32;
	v33 =	vmul.f32 v34, v31  }
0x168: {  	v35 =	vadd.f32 v30, v27;
	v31 =	vadd.f32 v48, v39;
	v39 =	vand.u32 $0xFFFF0000, v42  }
0x169: {  	v27 =	vadd.f32 v36, v32;
	v30 =	vadd.f32 v33, v28;
	v33 =	vshll.u32 v42, $0x10  }
0x16a: {  	s15 =	sadd.s32 $0x10, s15;
	v32 =	vadd.f32 v37, v35;
	v28 =	vmul.f32 v39, v38;
	v34 =	vand.u32 $0xFFFF0000, v29  }
0x16b: {  	v5 =	vshll.u32 v29, $0x10;
	v6 =	vmul.f32 v34, v25;
	v7 =	vadd.f32 v23, v30  }
0x16c: {  	v8 =	vadd.f32 v18, v31;
	v5 =	vmul.f32 v5, v20  }
0x16d: {  	v6 =	vadd.f32 v6, v7  }
0x16e: {  	v9 =	vmul.f32 v33, v26;
	v8 =	vadd.f32 v24, v8;
	v5 =	vadd.f32 v5, v27  }
0x16f: {  	v7 =	vmul.f32 v22, v15;
	v6 =	vadd.f32 v28, v6  }
0x170: {  	v14 =	vmul.f32 v21, v14;
	v8 =	vadd.f32 v17, v8;
	v5 =	vadd.f32 v9, v5  }
0x171: {  	v6 =	vadd.f32 v7, v6;
	v7 =	vadd.f32 v19, v32  }
0x172: {  	v8 =	vadd.f32 v16, v8;
	v5 =	vadd.f32 v14, v5  }
0x173: {  	v6 =	vadd.f32 v12, v6;
	v7 =	vadd.f32 v10, v7  }
0x174: {  	v8 =	vadd.f32 v11, v8;
	v5 =	vadd.f32 v13, v5;
	_ =	sdelay $0x1  }
0x175: {  	v6 =	vadd.f32 v6, v7;
	v5 =	vadd.f32 v5, v8;
	_ =	sdelay $0x1  }
0x176: {  	v5 =	vadd.f32 v6, v5;
	_ =	sdelay $0x1  }
0x177: {  	v6 =	vand.u32 $0x7FFFFFFF, v5  }
0x178: {  	v6 =	vmul.f32 $-2.000000000e+00, v6;
	_ =	sdelay $0x1  }
0x179: {  	v6 =	vmul.f32 $1.442695020e+00, v6;
	_ =	sdelay $0x1  }
0x17a: {  	(erf) = vpow2.f32 v6;
	_ =	sdelay $0x8  }
0x17b: {  	v6 =	vpop (erf)  }
0x17c: {  	v7 =	vadd.f32 $1.000000000e+00, v6;
	_ =	sdelay $0x1  }
0x17d: {  	(erf) = vrcp.f32 v7;
	_ =	sdelay $0x7  }
0x17e: {  	v6 =	vsub.f32 $1.000000000e+00, v6  }
0x17f: {  	s21 =	sadd.s32 $0x1, s21;
	v7 =	vpop (erf)  }
0x180: {  	p1 =	sne.s32 s21, $0x14;
	v6 =	vmul.f32 v7, v6  }
.Ltmp3:
0x181: {  	_ = 	snop;
	(pc) =	sbr.rel @p1 .LBB2_7-.Ltmp3, $4  }
0x182: {  	v7 =	vsub.f32 $0.0e+00, v6  }
0x183: {  	vm0 =	vlt.f32 v5, $0.0e+00  }
0x184: {  	v5 =	vsel vm0, v7, v6  }
0x185: {  	[tilespmem:s24+$0x14640] =	vst v5  }
0x186: {  	s25 =	sadd.s32 $0x1, s25  }
0x187: {  	p1 =	sne.s32 s25, $0xF  }
.Ltmp4:
0x188: {  	_ = 	snop;
	(pc) =	sbr.rel @p1 .LBB2_2-.Ltmp4, $4  }
0x189: {  	s7 =	sadd.s32 s9, s17  }
0x18a: {  	s7 =	sshrl.u32 s7, $0x3  }
0x18b: {  	s29 =	simm.s32 $0x14640;
	s7 =	sadd.s32 s6, s7  }
0x18c: {  	[hbm4b:s7+s2] =	stream.linear.scatter [tilespmem:s29], [sflag:$0x8], $0x140, $0x38;
	[tilespmem:$0x1E3C0] =	vst v63  }
0x18d: {  	_ =	swait.ge [sflag:s13], $0x5000  }
0x18e: {  	[sflag:s13] =	ssyncset.done $0x0  }
0x18f: {  	[sflag:s13] =	ssyncadd.s32 $0xFFFFB000  }
0x190: {  	_ =	swait.ge [sflag:s14], $0x5000  }
0x191: {  	[sflag:s14] =	ssyncset.done $0x0  }
0x192: {  	s29 =	simm.s32 $0x7;
	[sflag:s14] =	ssyncadd.s32 $0xFFFFB000  }
0x193: {  	_ =	swait.ge [sflag:s29], $0x140  }
0x194: {  	[sflag:s29] =	ssyncset.done $0x0  }
0x195: {  	s7 =	simm.s32 $0x8;
	[sflag:s29] =	ssyncadd.s32 $0xFFFFFEC0  }
0x196: {  	_ =	swait.ge [sflag:s7], $0x140  }
0x197: {  	[sflag:s7] =	ssyncset.done $0x0  }
0x198: {  	s9 =	simm.s32 $0x0;
	s25 =	simm.s32 $0x9;
	[sflag:s7] =	ssyncadd.s32 $0xFFFFFEC0  }
.LBB2_12:
0x199: {  	s21 =	sshll.u32 s9, $0x4  }
0x19a: {  	s10 =	simm.s32 $0x2;
	v5 =	vmov s21  }
0x19b: {  	v7 =	vadd.s32 s10, v1;
	v5 =	vshll.u32 v5, $0x6  }
0x19c: {  	s15 =	simm.s32 $0x6;
	v7 =	vand.u32 $0x3F, v7;
	v5 =	vor.u32 v2, v5  }
0x19d: {  	v15 =	vadd.s32 s15, v1;
	v10 =	vor.u32 v5, v7  }
0x19e: {  	v15 =	vand.u32 $0x3F, v15  }
0x19f: {  	s7 =	simm.s32 $0x0;
	v6 =	vor.u32 v3, v5;
	v15 =	vor.u32 v5, v15  }
0x1a0: {  	s20 =	simm.s32 $0x4;
	v9 =	vor.u32 s7, v6  }
0x1a1: {  	v19 =	vadd.s32 s20, v1  }
0x1a2: {  	v19 =	vand.u32 $0x3F, v19;
	v16 =	vxor.u32 $0x1, v10;
	v18 =	vld.idx.msk [tilespmem:v10+s0+$0x0], $0xffff  }
0x1a3: {  	v19 =	vor.u32 v5, v19;
	v22 =	vxor.u32 $0x1, v15;
	v30 =	vld.idx.msk [tilespmem:v10+s31+$0x0], $0xffff  }
0x1a4: {  	s24 =	simm.s32 $0xE;
	v36 =	vxor.u32 $0x1, v19;
	v35 =	vld.idx.msk [tilespmem:v15+s0+$0x0], $0xffff  }
0x1a5: {  	v7 =	vadd.s32 s24, v1;
	v12 =	vld.idx.msk [tilespmem:v9+s31+$0x0], $0xffff  }
0x1a6: {  	v7 =	vand.u32 $0x3F, v7;
	v14 =	vld.idx.msk [tilespmem:v9+s0+$0x0], $0xffff  }
0x1a7: {  	v11 =	vor.u32 v5, v7;
	v24 =	vld.idx.msk [tilespmem:v16+s0+$0x0], $0xffff  }
0x1a8: {  	v7 =	vor.u32 v1, v5;
	v49 =	vld.idx.msk [tilespmem:v22+s0+$0x0], $0xffff  }
0x1a9: {  	s24 =	simm.s32 $0xC;
	v13 =	vor.u32 s7, v7;
	v50 =	vld.idx.msk [tilespmem:v36+s0+$0x0], $0xffff  }
0x1aa: {  	s23 =	simm.s32 $0xA;
	v26 =	vadd.s32 s24, v1;
	v17 =	vxor.u32 $0x1, v11;
	v36 =	vld.idx.msk [tilespmem:v36+s31+$0x0], $0xffff  }
0x1ab: {  	v25 =	vadd.s32 s23, v1;
	v26 =	vand.u32 $0x3F, v26;
	v52 =	vld.idx.msk [tilespmem:v16+s31+$0x0], $0xffff  }
0x1ac: {  	v25 =	vand.u32 $0x3F, v25;
	v26 =	vor.u32 v5, v26;
	v21 =	vld.idx.msk [tilespmem:v11+s0+$0x0], $0xffff  }
0x1ad: {  	v23 =	vimm.f32 $0.0e+00;
	s22 =	simm.s32 $0x8;
	v25 =	vor.u32 v5, v25;
	v11 =	vld.idx.msk [tilespmem:v11+s31+$0x0], $0xffff  }
0x1ae: {  	v20 =	vadd.s32 s22, v1;
	v8 =	vor.u32 v4, v5;
	v37 =	vxor.u32 $0x1, v25;
	v27 =	vld.idx.msk [tilespmem:v13+s31+$0x0], $0xffff  }
0x1af: {  	v10 =	vand.u32 $0x38, v20;
	v20 =	vxor.u32 $0x1, v26;
	v9 =	vor.u32 v0, v5;
	v29 =	vld.idx.msk [tilespmem:v17+s0+$0x0], $0xffff  }
0x1b0: {  	v32 =	vor.u32 v8, v10;
	v33 =	vor.u32 v9, v10;
	v17 =	vld.idx.msk [tilespmem:v17+s31+$0x0], $0xffff;
	v34 =	vshll.u32 v18, $0x10  }
0x1b1: {  	v41 =	vld.idx.msk [tilespmem:v26+s31+$0x0], $0xffff;
	v18 =	vand.u32 $0xFFFF0000, v18;
	v57 =	vshll.u32 v30, $0x10;
	v30 =	vand.u32 $0xFFFF0000, v30  }
0x1b2: {  	v44 =	vld.idx.msk [tilespmem:v13+s0+$0x0], $0xffff;
	v28 =	vshll.u32 v12, $0x10;
	v31 =	vand.u32 $0xFFFF0000, v12;
	v43 =	vshll.u32 v14, $0x10  }
0x1b3: {  	v26 =	vld.idx.msk [tilespmem:v26+s0+$0x0], $0xffff;
	v13 =	vand.u32 $0xFFFF0000, v14;
	v30 =	vmul.f32 v18, v30;
	v54 =	vshll.u32 v49, $0x10  }
0x1b4: {  	v47 =	vld.idx.msk [tilespmem:v20+s0+$0x0], $0xffff;
	v56 =	vshll.u32 v50, $0x10;
	v62 =	vand.u32 $0xFFFF0000, v49;
	v49 =	vshll.u32 v36, $0x10  }
0x1b5: {  	v55 =	vld.idx.msk [tilespmem:v32+s0+$0x0], $0xffff;
	v36 =	vand.u32 $0xFFFF0000, v36;
	v10 =	vand.u32 $0xFFFF0000, v21;
	v12 =	vshll.u32 v21, $0x10  }
0x1b6: {  	v21 =	vld.idx.msk [tilespmem:v15+s31+$0x0], $0xffff;
	v39 =	vand.u32 $0xFFFF0000, v11;
	v11 =	vshll.u32 v11, $0x10;
	v14 =	vmul.f32 v43, v28  }
0x1b7: {  	v15 =	vld.idx.msk [tilespmem:v19+s31+$0x0], $0xffff;
	v31 =	vmul.f32 v13, v31;
	v38 =	vand.u32 $0xFFFF0000, v27;
	v40 =	vand.u32 $0xFFFF0000, v29  }
0x1b8: {  	v19 =	vld.idx.msk [tilespmem:v19+s0+$0x0], $0xffff;
	v10 =	vmul.f32 v10, v39;
	v42 =	vand.u32 $0xFFFF0000, v17;
	v11 =	vmul.f32 v12, v11  }
0x1b9: {  	v28 =	vld.idx.msk [tilespmem:v25+s0+$0x0], $0xffff;
	v13 =	vshll.u32 v17, $0x10;
	v29 =	vshll.u32 v29, $0x10;
	v59 =	vshll.u32 v44, $0x10  }
0x1ba: {  	v17 =	vld.idx.msk [tilespmem:v20+s31+$0x0], $0xffff;
	v20 =	vand.u32 $0xFFFF0000, v44;
	v16 =	vshll.u32 v41, $0x10;
	v61 =	vshll.u32 v26, $0x10  }
0x1bb: {  	v12 =	vmul.f32 v40, v42;
	v40 =	vshll.u32 v24, $0x10;
	v42 =	vld.idx.msk [tilespmem:v25+s31+$0x0], $0xffff;
	v25 =	vshll.u32 v27, $0x10  }
0x1bc: {  	v58 =	vld.idx.msk [tilespmem:v33+s31+$0x0], $0xffff;
	v27 =	vmul.f32 v34, v57;
	v13 =	vmul.f32 v29, v13;
	v45 =	vadd.f32 v14, v23  }
0x1bd: {  	v38 =	vmul.f32 v20, v38;
	v31 =	vadd.f32 v31, v23;
	v16 =	vmul.f32 v61, v16  }
0x1be: {  	v24 =	vand.u32 $0xFFFF0000, v24;
	v39 =	vmul.f32 v59, v25;
	v57 =	vshll.u32 v55, $0x10  }
0x1bf: {  	v18 =	vshll.u32 v15, $0x10;
	v29 =	vshll.u32 v19, $0x10;
	v15 =	vand.u32 $0xFFFF0000, v15  }
0x1c0: {  	v60 =	vld.idx.msk [tilespmem:v37+s31+$0x0], $0xffff;
	v19 =	vand.u32 $0xFFFF0000, v19;
	v48 =	vshll.u32 v28, $0x10;
	v51 =	vand.u32 $0xFFFF0000, v21  }
0x1c1: {  	v20 =	vshll.u32 v58, $0x10;
	v25 =	vand.u32 $0xFFFF0000, v58;
	v39 =	vadd.f32 v39, v23  }
0x1c2: {  	v32 =	vld.idx.msk [tilespmem:v32+s31+$0x0], $0xffff;
	v23 =	vadd.f32 v38, v23;
	v28 =	vand.u32 $0xFFFF0000, v28;
	v43 =	vmul.f32 v29, v18  }
0x1c3: {  	v18 =	vshll.u32 v21, $0x10;
	v46 =	vmul.f32 v19, v15;
	v19 =	vshll.u32 v35, $0x10  }
0x1c4: {  	v15 =	vand.u32 $0xFFFF0000, v17;
	v14 =	vshll.u32 v17, $0x10;
	v17 =	vand.u32 $0xFFFF0000, v26  }
0x1c5: {  	v29 =	vld.idx.msk [tilespmem:v22+s31+$0x0], $0xffff;
	v22 =	vand.u32 $0xFFFF0000, v47;
	v21 =	vshll.u32 v47, $0x10;
	v26 =	vshll.u32 v60, $0x10  }
0x1c6: {  	v44 =	vshll.u32 v42, $0x10;
	v18 =	vmul.f32 v19, v18;
	v19 =	vand.u32 $0xFFFF0000, v41  }
0x1c7: {  	v23 =	vadd.f32 v30, v23;
	v41 =	vand.u32 $0xFFFF0000, v60;
	v30 =	vshll.u32 v32, $0x10  }
0x1c8: {  	v32 =	vand.u32 $0xFFFF0000, v32;
	v42 =	vand.u32 $0xFFFF0000, v42;
	v27 =	vadd.f32 v27, v39  }
0x1c9: {  	v60 =	vand.u32 $0xFFFF0000, v50;
	v19 =	vmul.f32 v17, v19;
	v17 =	vand.u32 $0xFFFF0000, v35  }
0x1ca: {  	v63 =	vmul.f32 v17, v51;
	v17 =	vmul.f32 v48, v44;
	v48 =	vshll.u32 v52, $0x10  }
0x1cb: {  	v23 =	vadd.f32 v46, v23;
	v53 =	vand.u32 $0xFFFF0000, v29;
	v29 =	vshll.u32 v29, $0x10  }
0x1cc: {  	v37 =	vld.idx.msk [tilespmem:v37+s0+$0x0], $0xffff;
	v38 =	vmul.f32 v40, v48;
	v51 =	vmul.f32 v54, v29;
	v29 =	vand.u32 $0xFFFF0000, v55  }
0x1cd: {  	v54 =	vmul.f32 v56, v49;
	v56 =	vand.u32 $0xFFFF0000, v52;
	v32 =	vmul.f32 v29, v32  }
0x1ce: {  	v58 =	vmul.f32 v24, v56;
	v24 =	vmul.f32 v57, v30;
	v29 =	vld.idx.msk [tilespmem:v33+s0+$0x0], $0xffff;
	v30 =	vadd.f32 v38, v45  }
0x1cf: {  	v28 =	vmul.f32 v28, v42;
	v59 =	vadd.f32 v63, v23;
	v23 =	vmul.f32 v62, v53  }
0x1d0: {  	v61 =	vadd.f32 v58, v31;
	v62 =	vadd.f32 v54, v30;
	v30 =	vmul.f32 v60, v36  }
0x1d1: {  	v63 =	vand.u32 $0xFFFF0000, v37;
	v31 =	vadd.f32 v43, v27;
	v32 =	vadd.f32 v32, v59  }
0x1d2: {  	v33 =	vshll.u32 v37, $0x10;
	v30 =	vadd.f32 v30, v61;
	v27 =	vadd.f32 v51, v62  }
0x1d3: {  	s23 =	simm.s32 $0x0;
	s15 =	simm.s32 $0x1E;
	v32 =	vadd.f32 v28, v32;
	v28 =	vmul.f32 v63, v41;
	v34 =	vand.u32 $0xFFFF0000, v29  }
.LBB2_13:
0x1d4: {  	s7 =	sadd.s32 $0xFFFFFFF2, s15;
	s10 =	sadd.s32 $0xFFFFFFF4, s15;
	s20 =	sadd.s32 $0xFFFFFFF6, s15;
	v29 =	vshll.u32 v29, $0x10;
	v25 =	vmul.f32 v34, v25;
	v26 =	vmul.f32 v33, v26  }
0x1d5: {  	s24 =	sadd.s32 $0xFFFFFFFA, s15;
	s23 =	sadd.s32 $0x8, s23;
	v33 =	vor.u32 s7, v6;
	v34 =	vadd.s32 s10, v1;
	s10 =	sadd.s32 $0xFFFFFFF8, s15;
	v20 =	vmul.f32 v29, v20  }
0x1d6: {  	p1 =	slt.u32 s23, $0x18;
	v32 =	vadd.f32 v19, v32;
	v29 =	vand.u32 $0x3F, v34;
	v34 =	vadd.s32 s20, v1  }
0x1d7: {  	v35 =	vadd.s32 s15, v1;
	v18 =	vadd.f32 v18, v31;
	v29 =	vor.u32 v5, v29  }
0x1d8: {  	v15 =	vmul.f32 v22, v15;
	v31 =	vand.u32 $0x3F, v35;
	v19 =	vxor.u32 $0x1, v29  }
0x1d9: {  	v30 =	vadd.f32 v23, v30;
	v22 =	vadd.s32 s10, v1;
	s10 =	sadd.s32 $0xFFFFFFFC, s15;
	v31 =	vor.u32 v5, v31  }
0x1da: {  	v14 =	vmul.f32 v21, v14;
	v36 =	vadd.s32 s24, v1;
	v22 =	vand.u32 $0x3F, v22;
	v35 =	vld.idx.msk [tilespmem:v33+s31+$0x0], $0xffff  }
0x1db: {  	v21 =	vor.u32 s7, v7;
	s7 =	sadd.s32 $0xFFFFFFFE, s15;
	v37 =	vxor.u32 $0x1, v31;
	v22 =	vor.u32 v5, v22;
	v33 =	vld.idx.msk [tilespmem:v33+s0+$0x0], $0xffff  }
0x1dc: {  	v34 =	vand.u32 $0x3F, v34;
	v40 =	vadd.s32 s10, v1;
	v39 =	vxor.u32 $0x1, v22;
	v38 =	vld.idx.msk [tilespmem:v29+s0+$0x0], $0xffff  }
0x1dd: {  	v41 =	vadd.s32 s7, v1;
	v25 =	vadd.f32 v25, v30;
	v34 =	vor.u32 v5, v34;
	v23 =	vld.idx.msk [tilespmem:v19+s0+$0x0], $0xffff  }
0x1de: {  	v20 =	vadd.f32 v20, v27;
	v30 =	vand.u32 $0x3F, v40;
	v40 =	vand.u32 $0x3F, v41;
	v41 =	vld.idx.msk [tilespmem:v31+s0+$0x0], $0xffff  }
0x1df: {  	v18 =	vadd.f32 v24, v18;
	v24 =	vadd.f32 v28, v25;
	v27 =	vld.idx.msk [tilespmem:v29+s31+$0x0], $0xffff;
	v29 =	vor.u32 v5, v30  }
0x1e0: {  	v20 =	vadd.f32 v26, v20;
	v25 =	vshll.u32 v35, $0x10;
	v28 =	vand.u32 $0xFFFF0000, v35;
	v30 =	vld.idx.msk [tilespmem:v31+s31+$0x0], $0xffff  }
0x1e1: {  	v17 =	vadd.f32 v17, v18;
	v15 =	vadd.f32 v15, v24;
	v31 =	vor.u32 v5, v40;
	v26 =	vld.idx.msk [tilespmem:v21+s31+$0x0], $0xffff  }
0x1e2: {  	v18 =	vand.u32 $0x38, v36;
	v14 =	vadd.f32 v14, v20;
	v35 =	vxor.u32 $0x1, v31;
	v36 =	vld.idx.msk [tilespmem:v37+s0+$0x0], $0xffff  }
0x1e3: {  	v24 =	vor.u32 v9, v18;
	v20 =	vadd.f32 v12, v15;
	v40 =	vor.u32 v8, v18;
	v18 =	vld.idx.msk [tilespmem:v37+s31+$0x0], $0xffff  }
0x1e4: {  	v14 =	vadd.f32 v13, v14;
	v15 =	vshll.u32 v38, $0x10;
	v12 =	vand.u32 $0xFFFF0000, v41;
	v37 =	vld.idx.msk [tilespmem:v22+s0+$0x0], $0xffff  }
0x1e5: {  	v16 =	vadd.f32 v16, v17;
	v13 =	vand.u32 $0xFFFF0000, v38;
	v38 =	vshll.u32 v41, $0x10;
	v22 =	vld.idx.msk [tilespmem:v22+s31+$0x0], $0xffff  }
0x1e6: {  	v32 =	vadd.f32 v10, v32;
	v42 =	vxor.u32 $0x1, v29;
	v41 =	vxor.u32 $0x1, v34;
	v17 =	vld.idx.msk [tilespmem:v34+s31+$0x0], $0xffff  }
0x1e7: {  	v16 =	vadd.f32 v11, v16;
	v10 =	vand.u32 $0xFFFF0000, v30;
	v43 =	vand.u32 $0xFFFF0000, v26;
	v44 =	vld.idx.msk [tilespmem:v31+s31+$0x0], $0xffff  }
0x1e8: {  	v11 =	vshll.u32 v30, $0x10;
	v10 =	vmul.f32 v12, v10;
	v30 =	vand.u32 $0xFFFF0000, v36;
	v31 =	vld.idx.msk [tilespmem:v31+s0+$0x0], $0xffff  }
0x1e9: {  	v45 =	vshll.u32 v27, $0x10;
	v27 =	vand.u32 $0xFFFF0000, v27;
	v12 =	vand.u32 $0xFFFF0000, v18;
	v34 =	vld.idx.msk [tilespmem:v34+s0+$0x0], $0xffff  }
0x1ea: {  	v46 =	vshll.u32 v33, $0x10;
	v33 =	vand.u32 $0xFFFF0000, v33;
	v11 =	vmul.f32 v38, v11;
	v21 =	vld.idx.msk [tilespmem:v21+s0+$0x0], $0xffff  }
0x1eb: {  	v25 =	vmul.f32 v46, v25;
	v12 =	vmul.f32 v30, v12;
	v38 =	vld.idx.msk [tilespmem:v29+s0+$0x0], $0xffff  }
0x1ec: {  	v28 =	vmul.f32 v33, v28;
	v27 =	vmul.f32 v13, v27;
	v13 =	vshll.u32 v18, $0x10;
	v30 =	vld.idx.msk [tilespmem:v35+s31+$0x0], $0xffff  }
0x1ed: {  	v33 =	vshll.u32 v23, $0x10;
	v36 =	vshll.u32 v36, $0x10;
	v18 =	vshll.u32 v17, $0x10;
	v29 =	vld.idx.msk [tilespmem:v29+s31+$0x0], $0xffff  }
0x1ee: {  	v45 =	vmul.f32 v15, v45;
	v26 =	vshll.u32 v26, $0x10;
	v13 =	vmul.f32 v36, v13;
	v46 =	vld.idx.msk [tilespmem:v24+s31+$0x0], $0xffff  }
0x1ef: {  	v17 =	vand.u32 $0xFFFF0000, v17;
	v15 =	vshll.u32 v34, $0x10;
	v34 =	vand.u32 $0xFFFF0000, v34;
	v36 =	vld.idx.msk [tilespmem:v39+s31+$0x0], $0xffff  }
0x1f0: {  	v47 =	vshll.u32 v21, $0x10;
	v48 =	vmul.f32 v15, v18;
	v18 =	vshll.u32 v22, $0x10;
	v35 =	vld.idx.msk [tilespmem:v35+s0+$0x0], $0xffff  }
0x1f1: {  	v49 =	vadd.f32 v25, v14;
	v25 =	vshll.u32 v37, $0x10;
	v34 =	vmul.f32 v34, v17;
	v17 =	vld.idx.msk [tilespmem:v39+s0+$0x0], $0xffff  }
0x1f2: {  	v26 =	vmul.f32 v47, v26;
	v47 =	vshll.u32 v38, $0x10;
	v15 =	vand.u32 $0xFFFF0000, v30;
	v39 =	vld.idx.msk [tilespmem:v40+s31+$0x0], $0xffff  }
0x1f3: {  	v21 =	vand.u32 $0xFFFF0000, v21;
	v14 =	vshll.u32 v30, $0x10;
	v51 =	vshll.u32 v29, $0x10;
	v50 =	vld.idx.msk [tilespmem:v41+s0+$0x0], $0xffff  }
0x1f4: {  	v18 =	vmul.f32 v25, v18;
	v30 =	vmul.f32 v21, v43;
	v21 =	vand.u32 $0xFFFF0000, v31;
	v41 =	vld.idx.msk [tilespmem:v41+s31+$0x0], $0xffff  }
0x1f5: {  	v28 =	vadd.f32 v28, v20;
	v52 =	vand.u32 $0xFFFF0000, v22;
	v20 =	vshll.u32 v46, $0x10;
	v43 =	vld.idx.msk [tilespmem:v19+s31+$0x0], $0xffff  }
0x1f6: {  	v55 =	vshll.u32 v44, $0x10;
	v53 =	vand.u32 $0xFFFF0000, v36;
	v19 =	vand.u32 $0xFFFF0000, v44;
	v54 =	vld.idx.msk [tilespmem:v42+s31+$0x0], $0xffff  }
0x1f7: {  	v31 =	vshll.u32 v31, $0x10;
	v25 =	vand.u32 $0xFFFF0000, v46;
	v19 =	vmul.f32 v21, v19  }
0x1f8: {  	v44 =	vadd.f32 v26, v16;
	v22 =	vand.u32 $0xFFFF0000, v35;
	v46 =	vshll.u32 v17, $0x10;
	v40 =	vld.idx.msk [tilespmem:v40+s0+$0x0], $0xffff  }
0x1f9: {  	v16 =	vand.u32 $0xFFFF0000, v37;
	v21 =	vshll.u32 v35, $0x10;
	v56 =	vshll.u32 v50, $0x10  }
0x1fa: {  	v35 =	vand.u32 $0xFFFF0000, v17;
	v37 =	vmul.f32 v16, v52;
	v17 =	vmul.f32 v47, v51  }
0x1fb: {  	v30 =	vadd.f32 v30, v32;
	v47 =	vshll.u32 v41, $0x10;
	v32 =	vshll.u32 v43, $0x10  }
0x1fc: {  	v36 =	vshll.u32 v36, $0x10;
	v16 =	vmul.f32 v31, v55;
	v26 =	vshll.u32 v54, $0x10  }
0x1fd: {  	v23 =	vand.u32 $0xFFFF0000, v23;
	v27 =	vadd.f32 v27, v30;
	v36 =	vmul.f32 v46, v36  }
0x1fe: {  	v31 =	vand.u32 $0xFFFF0000, v38;
	v38 =	vand.u32 $0xFFFF0000, v54;
	v30 =	vand.u32 $0xFFFF0000, v40  }
0x1ff: {  	v27 =	vadd.f32 v34, v27;
	v34 =	vshll.u32 v39, $0x10;
	v39 =	vand.u32 $0xFFFF0000, v39  }
0x200: {  	v46 =	vand.u32 $0xFFFF0000, v29;
	v32 =	vmul.f32 v33, v32;
	v33 =	vmul.f32 v56, v47;
	v42 =	vld.idx.msk [tilespmem:v42+s0+$0x0], $0xffff  }
0x201: {  	v29 =	vand.u32 $0xFFFF0000, v43;
	v40 =	vshll.u32 v40, $0x10;
	v30 =	vmul.f32 v30, v39  }
0x202: {  	v43 =	vmul.f32 v23, v29;
	v39 =	vadd.f32 v45, v44;
	v29 =	vld.idx.msk [tilespmem:v24+s0+$0x0], $0xffff;
	v24 =	vmul.f32 v40, v34  }
0x203: {  	v27 =	vadd.f32 v37, v27;
	v37 =	vmul.f32 v31, v46;
	v32 =	vadd.f32 v32, v49  }
.Ltmp5:
0x204: {  	v31 =	vand.u32 $0xFFFF0000, v41;
	v23 =	vmul.f32 v35, v53;
	v34 =	vand.u32 $0xFFFF0000, v50;
	(pc) =	sbr.rel @p1 .LBB2_13-.Ltmp5, $4  }
0x205: {  	v28 =	vadd.f32 v43, v28;
	v32 =	vadd.f32 v33, v32;
	v33 =	vmul.f32 v34, v31  }
0x206: {  	v35 =	vadd.f32 v30, v27;
	v31 =	vadd.f32 v48, v39;
	v39 =	vand.u32 $0xFFFF0000, v42  }
0x207: {  	v27 =	vadd.f32 v36, v32;
	v30 =	vadd.f32 v33, v28;
	v33 =	vshll.u32 v42, $0x10  }
0x208: {  	s15 =	sadd.s32 $0x10, s15;
	v32 =	vadd.f32 v37, v35;
	v28 =	vmul.f32 v39, v38;
	v34 =	vand.u32 $0xFFFF0000, v29  }
0x209: {  	v5 =	vshll.u32 v29, $0x10;
	v6 =	vmul.f32 v34, v25;
	v7 =	vadd.f32 v23, v30  }
0x20a: {  	v8 =	vadd.f32 v18, v31;
	v5 =	vmul.f32 v5, v20  }
0x20b: {  	v6 =	vadd.f32 v6, v7  }
0x20c: {  	v9 =	vmul.f32 v33, v26;
	v8 =	vadd.f32 v24, v8;
	v5 =	vadd.f32 v5, v27  }
0x20d: {  	v7 =	vmul.f32 v22, v15;
	v6 =	vadd.f32 v28, v6  }
0x20e: {  	v14 =	vmul.f32 v21, v14;
	v8 =	vadd.f32 v17, v8;
	v5 =	vadd.f32 v9, v5  }
0x20f: {  	v6 =	vadd.f32 v7, v6;
	v7 =	vadd.f32 v19, v32  }
0x210: {  	v8 =	vadd.f32 v16, v8;
	v5 =	vadd.f32 v14, v5  }
0x211: {  	v6 =	vadd.f32 v12, v6;
	v7 =	vadd.f32 v10, v7  }
0x212: {  	v8 =	vadd.f32 v11, v8;
	v5 =	vadd.f32 v13, v5;
	_ =	sdelay $0x1  }
0x213: {  	v6 =	vadd.f32 v6, v7;
	v5 =	vadd.f32 v5, v8;
	_ =	sdelay $0x1  }
0x214: {  	v5 =	vadd.f32 v6, v5;
	_ =	sdelay $0x1  }
0x215: {  	v6 =	vand.u32 $0x7FFFFFFF, v5  }
0x216: {  	v6 =	vmul.f32 $-2.000000000e+00, v6;
	_ =	sdelay $0x1  }
0x217: {  	v6 =	vmul.f32 $1.442695020e+00, v6;
	_ =	sdelay $0x1  }
0x218: {  	(erf) = vpow2.f32 v6;
	_ =	sdelay $0x8  }
0x219: {  	v6 =	vpop (erf)  }
0x21a: {  	v7 =	vadd.f32 $1.000000000e+00, v6;
	_ =	sdelay $0x1  }
0x21b: {  	(erf) = vrcp.f32 v7;
	_ =	sdelay $0x7  }
0x21c: {  	v6 =	vsub.f32 $1.000000000e+00, v6  }
0x21d: {  	s9 =	sadd.s32 $0x1, s9;
	v7 =	vpop (erf)  }
0x21e: {  	p1 =	sne.s32 s9, $0x14;
	v6 =	vmul.f32 v7, v6  }
.Ltmp6:
0x21f: {  	_ = 	snop;
	(pc) =	sbr.rel @p1 .LBB2_12-.Ltmp6, $4  }
0x220: {  	v7 =	vsub.f32 $0.0e+00, v6  }
0x221: {  	vm0 =	vlt.f32 v5, $0.0e+00  }
0x222: {  	v5 =	vsel vm0, v7, v6  }
0x223: {  	[tilespmem:s21+$0x14500] =	vst v5  }
0x224: {  	s9 =	simm.s32 $0x0;
	s7 =	rddreg [dreg:$0xc];
	s10 =	simm.s32 $0x14500  }
0x225: {  	[hbm4b:s7+s9] =	stream.linear.scatter [tilespmem:s10], [sflag:$0x7], $0x140, $0x38;
	[tilespmem:$0x1E3C0] =	vst v63  }
0x226: {  	s21 =	rddreg [dreg:$0xd]  }
0x227: {  	[tilespmem:s28], [sflag:$0x9] =	stream.linear.gather [hbm4b:s21+s9], $0x50, $0x38;
	[tilespmem:$0x1E3C0] =	vst v63  }
0x228: {  	_ =	swait.ge [sflag:s25], $0x50  }
0x229: {  	[sflag:s25] =	ssyncset.done $0x0  }
0x22a: {  	s23 =	simm.s32 $0x3C0;
	s22 =	rddreg [dreg:$0xe];
	[sflag:s25] =	ssyncadd.s32 $0xFFFFFFB0  }
0x22b: {  	[tilespmem:s23], [sflag:$0x9] =	stream.linear.gather [hbm4b:s22+s9], $0x50, $0x38;
	[tilespmem:$0x1E3C0] =	vst v63  }
0x22c: {  	_ =	swait.ge [sflag:s25], $0x50  }
0x22d: {  	[sflag:s25] =	ssyncset.done $0x0  }
0x22e: {  	s24 =	simm.s32 $0x50;
	[sflag:s25] =	ssyncadd.s32 $0xFFFFFFB0  }
0x22f: {  	[tilespmem:s11], [sflag:$0x4] =	stream.indirect.gather [spmem:s1], $0x40, s28, s24, $0xb8;
	[tilespmem:$0x1E3C0] =	vst v63  }
0x230: {  	_ = 	snop  }
0x231: {  	[tilespmem:s12], [sflag:$0x6] =	stream.indirect.gather [hbm4b:s3+s24], $0x40, s23, s24, $0xb8;
	[tilespmem:$0x1E3C0] =	vst v63  }
0x232: {  	_ =	swait.ge [sflag:s18], $0x1400  }
0x233: {  	[sflag:s18] =	ssyncset.done $0x0  }
0x234: {  	[sflag:s18] =	ssyncadd.s32 $0xFFFFEC00  }
0x235: {  	_ =	swait.ge [sflag:s19], $0x1400  }
0x236: {  	[sflag:s19] =	ssyncset.done $0x0  }
0x237: {  	s22 =	simm.s32 $0x3C0;
	[sflag:s19] =	ssyncadd.s32 $0xFFFFEC00  }
.LBB2_16:
0x238: {  	s21 =	sshll.u32 s9, $0x4  }
0x239: {  	s10 =	simm.s32 $0x2;
	v5 =	vmov s21  }
0x23a: {  	v7 =	vadd.s32 s10, v1;
	v5 =	vshll.u32 v5, $0x6  }
0x23b: {  	s24 =	simm.s32 $0x6;
	v7 =	vand.u32 $0x3F, v7;
	v5 =	vor.u32 v2, v5  }
0x23c: {  	v15 =	vadd.s32 s24, v1;
	s24 =	simm.s32 $0xC;
	v10 =	vor.u32 v5, v7  }
0x23d: {  	v15 =	vand.u32 $0x3F, v15;
	v26 =	vadd.s32 s24, v1  }
0x23e: {  	v26 =	vand.u32 $0x3F, v26;
	v15 =	vor.u32 v5, v15  }
0x23f: {  	v26 =	vor.u32 v5, v26  }
0x240: {  	s7 =	simm.s32 $0x0;
	v6 =	vor.u32 v3, v5  }
0x241: {  	s15 =	simm.s32 $0x4;
	v9 =	vor.u32 s7, v6;
	v18 =	vld.idx.msk [tilespmem:v10+s12+$0x0], $0xffff  }
0x242: {  	v19 =	vadd.s32 s15, v1;
	v30 =	vld.idx.msk [tilespmem:v10+s11+$0x0], $0xffff  }
0x243: {  	s20 =	simm.s32 $0x8;
	v19 =	vand.u32 $0x3F, v19;
	v16 =	vxor.u32 $0x1, v10;
	v35 =	vld.idx.msk [tilespmem:v15+s12+$0x0], $0xffff  }
0x244: {  	v20 =	vadd.s32 s20, v1;
	v19 =	vor.u32 v5, v19;
	v22 =	vxor.u32 $0x1, v15;
	v41 =	vld.idx.msk [tilespmem:v26+s11+$0x0], $0xffff  }
0x245: {  	s23 =	simm.s32 $0xE;
	v36 =	vxor.u32 $0x1, v19;
	v10 =	vand.u32 $0x38, v20;
	v20 =	vxor.u32 $0x1, v26;
	v26 =	vld.idx.msk [tilespmem:v26+s12+$0x0], $0xffff  }
0x246: {  	v7 =	vadd.s32 s23, v1;
	v12 =	vld.idx.msk [tilespmem:v9+s11+$0x0], $0xffff  }
0x247: {  	v7 =	vand.u32 $0x3F, v7;
	v14 =	vld.idx.msk [tilespmem:v9+s12+$0x0], $0xffff  }
0x248: {  	v11 =	vor.u32 v5, v7;
	v24 =	vld.idx.msk [tilespmem:v16+s12+$0x0], $0xffff  }
0x249: {  	v7 =	vor.u32 v1, v5;
	v49 =	vld.idx.msk [tilespmem:v22+s12+$0x0], $0xffff  }
0x24a: {  	s23 =	simm.s32 $0xA;
	v13 =	vor.u32 s7, v7;
	v50 =	vld.idx.msk [tilespmem:v36+s12+$0x0], $0xffff  }
0x24b: {  	v25 =	vadd.s32 s23, v1;
	v17 =	vxor.u32 $0x1, v11;
	v36 =	vld.idx.msk [tilespmem:v36+s11+$0x0], $0xffff  }
0x24c: {  	v25 =	vand.u32 $0x3F, v25;
	v52 =	vld.idx.msk [tilespmem:v16+s11+$0x0], $0xffff  }
0x24d: {  	v23 =	vimm.f32 $0.0e+00;
	v25 =	vor.u32 v5, v25;
	v21 =	vld.idx.msk [tilespmem:v11+s12+$0x0], $0xffff  }
0x24e: {  	v8 =	vor.u32 v4, v5;
	v37 =	vxor.u32 $0x1, v25;
	v9 =	vor.u32 v0, v5;
	v11 =	vld.idx.msk [tilespmem:v11+s11+$0x0], $0xffff  }
0x24f: {  	v32 =	vor.u32 v8, v10;
	v33 =	vor.u32 v9, v10;
	v27 =	vld.idx.msk [tilespmem:v13+s11+$0x0], $0xffff;
	v34 =	vshll.u32 v18, $0x10  }
0x250: {  	v29 =	vld.idx.msk [tilespmem:v17+s12+$0x0], $0xffff;
	v18 =	vand.u32 $0xFFFF0000, v18;
	v57 =	vshll.u32 v30, $0x10;
	v30 =	vand.u32 $0xFFFF0000, v30  }
0x251: {  	v17 =	vld.idx.msk [tilespmem:v17+s11+$0x0], $0xffff;
	v16 =	vshll.u32 v41, $0x10;
	v61 =	vshll.u32 v26, $0x10;
	v28 =	vshll.u32 v12, $0x10  }
0x252: {  	v44 =	vld.idx.msk [tilespmem:v13+s12+$0x0], $0xffff;
	v31 =	vand.u32 $0xFFFF0000, v12;
	v43 =	vshll.u32 v14, $0x10;
	v13 =	vand.u32 $0xFFFF0000, v14  }
0x253: {  	v47 =	vld.idx.msk [tilespmem:v20+s12+$0x0], $0xffff;
	v30 =	vmul.f32 v18, v30;
	v54 =	vshll.u32 v49, $0x10;
	v56 =	vshll.u32 v50, $0x10  }
0x254: {  	v55 =	vld.idx.msk [tilespmem:v32+s12+$0x0], $0xffff;
	v62 =	vand.u32 $0xFFFF0000, v49;
	v49 =	vshll.u32 v36, $0x10;
	v16 =	vmul.f32 v61, v16  }
0x255: {  	v36 =	vand.u32 $0xFFFF0000, v36;
	v10 =	vand.u32 $0xFFFF0000, v21;
	v12 =	vshll.u32 v21, $0x10;
	v21 =	vld.idx.msk [tilespmem:v15+s11+$0x0], $0xffff  }
0x256: {  	v15 =	vld.idx.msk [tilespmem:v19+s11+$0x0], $0xffff;
	v39 =	vand.u32 $0xFFFF0000, v11;
	v11 =	vshll.u32 v11, $0x10;
	v14 =	vmul.f32 v43, v28  }
0x257: {  	v19 =	vld.idx.msk [tilespmem:v19+s12+$0x0], $0xffff;
	v31 =	vmul.f32 v13, v31;
	v38 =	vand.u32 $0xFFFF0000, v27;
	v40 =	vand.u32 $0xFFFF0000, v29  }
0x258: {  	v28 =	vld.idx.msk [tilespmem:v25+s12+$0x0], $0xffff;
	v10 =	vmul.f32 v10, v39;
	v42 =	vand.u32 $0xFFFF0000, v17;
	v11 =	vmul.f32 v12, v11  }
0x259: {  	v58 =	vld.idx.msk [tilespmem:v33+s11+$0x0], $0xffff;
	v13 =	vshll.u32 v17, $0x10;
	v29 =	vshll.u32 v29, $0x10;
	v59 =	vshll.u32 v44, $0x10  }
0x25a: {  	v17 =	vld.idx.msk [tilespmem:v20+s11+$0x0], $0xffff;
	v20 =	vand.u32 $0xFFFF0000, v44;
	v12 =	vmul.f32 v40, v42;
	v40 =	vshll.u32 v24, $0x10  }
0x25b: {  	v42 =	vld.idx.msk [tilespmem:v25+s11+$0x0], $0xffff;
	v25 =	vshll.u32 v27, $0x10;
	v27 =	vmul.f32 v34, v57;
	v13 =	vmul.f32 v29, v13  }
0x25c: {  	v45 =	vadd.f32 v14, v23;
	v38 =	vmul.f32 v20, v38;
	v31 =	vadd.f32 v31, v23  }
0x25d: {  	v24 =	vand.u32 $0xFFFF0000, v24;
	v39 =	vmul.f32 v59, v25;
	v57 =	vshll.u32 v55, $0x10  }
0x25e: {  	v18 =	vshll.u32 v15, $0x10;
	v29 =	vshll.u32 v19, $0x10;
	v15 =	vand.u32 $0xFFFF0000, v15  }
0x25f: {  	v60 =	vld.idx.msk [tilespmem:v37+s11+$0x0], $0xffff;
	v19 =	vand.u32 $0xFFFF0000, v19;
	v48 =	vshll.u32 v28, $0x10;
	v51 =	vand.u32 $0xFFFF0000, v21  }
0x260: {  	v20 =	vshll.u32 v58, $0x10;
	v25 =	vand.u32 $0xFFFF0000, v58;
	v39 =	vadd.f32 v39, v23  }
0x261: {  	v32 =	vld.idx.msk [tilespmem:v32+s11+$0x0], $0xffff;
	v23 =	vadd.f32 v38, v23;
	v28 =	vand.u32 $0xFFFF0000, v28;
	v43 =	vmul.f32 v29, v18  }
0x262: {  	v18 =	vshll.u32 v21, $0x10;
	v46 =	vmul.f32 v19, v15;
	v19 =	vshll.u32 v35, $0x10  }
0x263: {  	v15 =	vand.u32 $0xFFFF0000, v17;
	v14 =	vshll.u32 v17, $0x10;
	v17 =	vand.u32 $0xFFFF0000, v26  }
0x264: {  	v29 =	vld.idx.msk [tilespmem:v22+s11+$0x0], $0xffff;
	v22 =	vand.u32 $0xFFFF0000, v47;
	v21 =	vshll.u32 v47, $0x10;
	v26 =	vshll.u32 v60, $0x10  }
0x265: {  	v44 =	vshll.u32 v42, $0x10;
	v18 =	vmul.f32 v19, v18;
	v19 =	vand.u32 $0xFFFF0000, v41  }
0x266: {  	v23 =	vadd.f32 v30, v23;
	v41 =	vand.u32 $0xFFFF0000, v60;
	v30 =	vshll.u32 v32, $0x10  }
0x267: {  	v32 =	vand.u32 $0xFFFF0000, v32;
	v42 =	vand.u32 $0xFFFF0000, v42;
	v27 =	vadd.f32 v27, v39  }
0x268: {  	v60 =	vand.u32 $0xFFFF0000, v50;
	v19 =	vmul.f32 v17, v19;
	v17 =	vand.u32 $0xFFFF0000, v35  }
0x269: {  	v63 =	vmul.f32 v17, v51;
	v17 =	vmul.f32 v48, v44;
	v48 =	vshll.u32 v52, $0x10  }
0x26a: {  	v23 =	vadd.f32 v46, v23;
	v53 =	vand.u32 $0xFFFF0000, v29;
	v29 =	vshll.u32 v29, $0x10  }
0x26b: {  	v37 =	vld.idx.msk [tilespmem:v37+s12+$0x0], $0xffff;
	v38 =	vmul.f32 v40, v48;
	v51 =	vmul.f32 v54, v29;
	v29 =	vand.u32 $0xFFFF0000, v55  }
0x26c: {  	v54 =	vmul.f32 v56, v49;
	v56 =	vand.u32 $0xFFFF0000, v52;
	v32 =	vmul.f32 v29, v32  }
0x26d: {  	v58 =	vmul.f32 v24, v56;
	v24 =	vmul.f32 v57, v30;
	v29 =	vld.idx.msk [tilespmem:v33+s12+$0x0], $0xffff;
	v30 =	vadd.f32 v38, v45  }
0x26e: {  	v28 =	vmul.f32 v28, v42;
	v59 =	vadd.f32 v63, v23;
	v23 =	vmul.f32 v62, v53  }
0x26f: {  	v61 =	vadd.f32 v58, v31;
	v62 =	vadd.f32 v54, v30;
	v30 =	vmul.f32 v60, v36  }
0x270: {  	v63 =	vand.u32 $0xFFFF0000, v37;
	v31 =	vadd.f32 v43, v27;
	v32 =	vadd.f32 v32, v59  }
0x271: {  	v33 =	vshll.u32 v37, $0x10;
	v30 =	vadd.f32 v30, v61;
	v27 =	vadd.f32 v51, v62  }
0x272: {  	s15 =	simm.s32 $0x1E;
	s23 =	simm.s32 $0x0;
	v32 =	vadd.f32 v28, v32;
	v28 =	vmul.f32 v63, v41;
	v34 =	vand.u32 $0xFFFF0000, v29  }
.LBB2_17:
0x273: {  	s7 =	sadd.s32 $0xFFFFFFF2, s15;
	s10 =	sadd.s32 $0xFFFFFFF4, s15;
	s20 =	sadd.s32 $0xFFFFFFF6, s15;
	v29 =	vshll.u32 v29, $0x10;
	v25 =	vmul.f32 v34, v25;
	v26 =	vmul.f32 v33, v26  }
0x274: {  	s24 =	sadd.s32 $0xFFFFFFFA, s15;
	s23 =	sadd.s32 $0x8, s23;
	v33 =	vor.u32 s7, v6;
	v34 =	vadd.s32 s10, v1;
	s10 =	sadd.s32 $0xFFFFFFF8, s15;
	v20 =	vmul.f32 v29, v20  }
0x275: {  	p1 =	slt.u32 s23, $0x18;
	v32 =	vadd.f32 v19, v32;
	v29 =	vand.u32 $0x3F, v34;
	v34 =	vadd.s32 s20, v1  }
0x276: {  	v35 =	vadd.s32 s15, v1;
	v18 =	vadd.f32 v18, v31;
	v29 =	vor.u32 v5, v29  }
0x277: {  	v15 =	vmul.f32 v22, v15;
	v31 =	vand.u32 $0x3F, v35;
	v19 =	vxor.u32 $0x1, v29  }
0x278: {  	v30 =	vadd.f32 v23, v30;
	v22 =	vadd.s32 s10, v1;
	s10 =	sadd.s32 $0xFFFFFFFC, s15;
	v31 =	vor.u32 v5, v31  }
0x279: {  	v14 =	vmul.f32 v21, v14;
	v36 =	vadd.s32 s24, v1;
	v22 =	vand.u32 $0x3F, v22;
	v35 =	vld.idx.msk [tilespmem:v33+s11+$0x0], $0xffff  }
0x27a: {  	v21 =	vor.u32 s7, v7;
	s7 =	sadd.s32 $0xFFFFFFFE, s15;
	v37 =	vxor.u32 $0x1, v31;
	v22 =	vor.u32 v5, v22;
	v33 =	vld.idx.msk [tilespmem:v33+s12+$0x0], $0xffff  }
0x27b: {  	v34 =	vand.u32 $0x3F, v34;
	v40 =	vadd.s32 s10, v1;
	v39 =	vxor.u32 $0x1, v22;
	v38 =	vld.idx.msk [tilespmem:v29+s12+$0x0], $0xffff  }
0x27c: {  	v41 =	vadd.s32 s7, v1;
	v25 =	vadd.f32 v25, v30;
	v34 =	vor.u32 v5, v34;
	v23 =	vld.idx.msk [tilespmem:v19+s12+$0x0], $0xffff  }
0x27d: {  	v20 =	vadd.f32 v20, v27;
	v30 =	vand.u32 $0x3F, v40;
	v40 =	vand.u32 $0x3F, v41;
	v41 =	vld.idx.msk [tilespmem:v31+s12+$0x0], $0xffff  }
0x27e: {  	v18 =	vadd.f32 v24, v18;
	v24 =	vadd.f32 v28, v25;
	v27 =	vld.idx.msk [tilespmem:v29+s11+$0x0], $0xffff;
	v29 =	vor.u32 v5, v30  }
0x27f: {  	v20 =	vadd.f32 v26, v20;
	v25 =	vshll.u32 v35, $0x10;
	v28 =	vand.u32 $0xFFFF0000, v35;
	v30 =	vld.idx.msk [tilespmem:v31+s11+$0x0], $0xffff  }
0x280: {  	v17 =	vadd.f32 v17, v18;
	v15 =	vadd.f32 v15, v24;
	v31 =	vor.u32 v5, v40;
	v26 =	vld.idx.msk [tilespmem:v21+s11+$0x0], $0xffff  }
0x281: {  	v18 =	vand.u32 $0x38, v36;
	v14 =	vadd.f32 v14, v20;
	v35 =	vxor.u32 $0x1, v31;
	v36 =	vld.idx.msk [tilespmem:v37+s12+$0x0], $0xffff  }
0x282: {  	v24 =	vor.u32 v9, v18;
	v20 =	vadd.f32 v12, v15;
	v40 =	vor.u32 v8, v18;
	v18 =	vld.idx.msk [tilespmem:v37+s11+$0x0], $0xffff  }
0x283: {  	v14 =	vadd.f32 v13, v14;
	v15 =	vshll.u32 v38, $0x10;
	v12 =	vand.u32 $0xFFFF0000, v41;
	v37 =	vld.idx.msk [tilespmem:v22+s12+$0x0], $0xffff  }
0x284: {  	v16 =	vadd.f32 v16, v17;
	v13 =	vand.u32 $0xFFFF0000, v38;
	v38 =	vshll.u32 v41, $0x10;
	v22 =	vld.idx.msk [tilespmem:v22+s11+$0x0], $0xffff  }
0x285: {  	v32 =	vadd.f32 v10, v32;
	v42 =	vxor.u32 $0x1, v29;
	v41 =	vxor.u32 $0x1, v34;
	v17 =	vld.idx.msk [tilespmem:v34+s11+$0x0], $0xffff  }
0x286: {  	v16 =	vadd.f32 v11, v16;
	v10 =	vand.u32 $0xFFFF0000, v30;
	v43 =	vand.u32 $0xFFFF0000, v26;
	v44 =	vld.idx.msk [tilespmem:v31+s11+$0x0], $0xffff  }
0x287: {  	v11 =	vshll.u32 v30, $0x10;
	v10 =	vmul.f32 v12, v10;
	v30 =	vand.u32 $0xFFFF0000, v36;
	v31 =	vld.idx.msk [tilespmem:v31+s12+$0x0], $0xffff  }
0x288: {  	v45 =	vshll.u32 v27, $0x10;
	v27 =	vand.u32 $0xFFFF0000, v27;
	v12 =	vand.u32 $0xFFFF0000, v18;
	v34 =	vld.idx.msk [tilespmem:v34+s12+$0x0], $0xffff  }
0x289: {  	v46 =	vshll.u32 v33, $0x10;
	v33 =	vand.u32 $0xFFFF0000, v33;
	v11 =	vmul.f32 v38, v11;
	v21 =	vld.idx.msk [tilespmem:v21+s12+$0x0], $0xffff  }
0x28a: {  	v25 =	vmul.f32 v46, v25;
	v12 =	vmul.f32 v30, v12;
	v38 =	vld.idx.msk [tilespmem:v29+s12+$0x0], $0xffff  }
0x28b: {  	v28 =	vmul.f32 v33, v28;
	v27 =	vmul.f32 v13, v27;
	v13 =	vshll.u32 v18, $0x10;
	v30 =	vld.idx.msk [tilespmem:v35+s11+$0x0], $0xffff  }
0x28c: {  	v33 =	vshll.u32 v23, $0x10;
	v36 =	vshll.u32 v36, $0x10;
	v18 =	vshll.u32 v17, $0x10;
	v29 =	vld.idx.msk [tilespmem:v29+s11+$0x0], $0xffff  }
0x28d: {  	v45 =	vmul.f32 v15, v45;
	v26 =	vshll.u32 v26, $0x10;
	v13 =	vmul.f32 v36, v13;
	v46 =	vld.idx.msk [tilespmem:v24+s11+$0x0], $0xffff  }
0x28e: {  	v17 =	vand.u32 $0xFFFF0000, v17;
	v15 =	vshll.u32 v34, $0x10;
	v34 =	vand.u32 $0xFFFF0000, v34;
	v36 =	vld.idx.msk [tilespmem:v39+s11+$0x0], $0xffff  }
0x28f: {  	v47 =	vshll.u32 v21, $0x10;
	v48 =	vmul.f32 v15, v18;
	v18 =	vshll.u32 v22, $0x10;
	v35 =	vld.idx.msk [tilespmem:v35+s12+$0x0], $0xffff  }
0x290: {  	v49 =	vadd.f32 v25, v14;
	v25 =	vshll.u32 v37, $0x10;
	v34 =	vmul.f32 v34, v17;
	v17 =	vld.idx.msk [tilespmem:v39+s12+$0x0], $0xffff  }
0x291: {  	v26 =	vmul.f32 v47, v26;
	v47 =	vshll.u32 v38, $0x10;
	v15 =	vand.u32 $0xFFFF0000, v30;
	v39 =	vld.idx.msk [tilespmem:v40+s11+$0x0], $0xffff  }
0x292: {  	v21 =	vand.u32 $0xFFFF0000, v21;
	v14 =	vshll.u32 v30, $0x10;
	v51 =	vshll.u32 v29, $0x10;
	v50 =	vld.idx.msk [tilespmem:v41+s12+$0x0], $0xffff  }
0x293: {  	v18 =	vmul.f32 v25, v18;
	v30 =	vmul.f32 v21, v43;
	v21 =	vand.u32 $0xFFFF0000, v31;
	v41 =	vld.idx.msk [tilespmem:v41+s11+$0x0], $0xffff  }
0x294: {  	v28 =	vadd.f32 v28, v20;
	v52 =	vand.u32 $0xFFFF0000, v22;
	v20 =	vshll.u32 v46, $0x10;
	v43 =	vld.idx.msk [tilespmem:v19+s11+$0x0], $0xffff  }
0x295: {  	v55 =	vshll.u32 v44, $0x10;
	v53 =	vand.u32 $0xFFFF0000, v36;
	v19 =	vand.u32 $0xFFFF0000, v44;
	v54 =	vld.idx.msk [tilespmem:v42+s11+$0x0], $0xffff  }
0x296: {  	v31 =	vshll.u32 v31, $0x10;
	v25 =	vand.u32 $0xFFFF0000, v46;
	v19 =	vmul.f32 v21, v19  }
0x297: {  	v44 =	vadd.f32 v26, v16;
	v22 =	vand.u32 $0xFFFF0000, v35;
	v46 =	vshll.u32 v17, $0x10;
	v40 =	vld.idx.msk [tilespmem:v40+s12+$0x0], $0xffff  }
0x298: {  	v16 =	vand.u32 $0xFFFF0000, v37;
	v21 =	vshll.u32 v35, $0x10;
	v56 =	vshll.u32 v50, $0x10  }
0x299: {  	v35 =	vand.u32 $0xFFFF0000, v17;
	v37 =	vmul.f32 v16, v52;
	v17 =	vmul.f32 v47, v51  }
0x29a: {  	v30 =	vadd.f32 v30, v32;
	v47 =	vshll.u32 v41, $0x10;
	v32 =	vshll.u32 v43, $0x10  }
0x29b: {  	v36 =	vshll.u32 v36, $0x10;
	v16 =	vmul.f32 v31, v55;
	v26 =	vshll.u32 v54, $0x10  }
0x29c: {  	v23 =	vand.u32 $0xFFFF0000, v23;
	v27 =	vadd.f32 v27, v30;
	v36 =	vmul.f32 v46, v36  }
0x29d: {  	v31 =	vand.u32 $0xFFFF0000, v38;
	v38 =	vand.u32 $0xFFFF0000, v54;
	v30 =	vand.u32 $0xFFFF0000, v40  }
0x29e: {  	v27 =	vadd.f32 v34, v27;
	v34 =	vshll.u32 v39, $0x10;
	v39 =	vand.u32 $0xFFFF0000, v39  }
0x29f: {  	v46 =	vand.u32 $0xFFFF0000, v29;
	v32 =	vmul.f32 v33, v32;
	v33 =	vmul.f32 v56, v47;
	v42 =	vld.idx.msk [tilespmem:v42+s12+$0x0], $0xffff  }
0x2a0: {  	v29 =	vand.u32 $0xFFFF0000, v43;
	v40 =	vshll.u32 v40, $0x10;
	v30 =	vmul.f32 v30, v39  }
0x2a1: {  	v43 =	vmul.f32 v23, v29;
	v39 =	vadd.f32 v45, v44;
	v29 =	vld.idx.msk [tilespmem:v24+s12+$0x0], $0xffff;
	v24 =	vmul.f32 v40, v34  }
0x2a2: {  	v27 =	vadd.f32 v37, v27;
	v37 =	vmul.f32 v31, v46;
	v32 =	vadd.f32 v32, v49  }
.Ltmp7:
0x2a3: {  	v31 =	vand.u32 $0xFFFF0000, v41;
	v23 =	vmul.f32 v35, v53;
	v34 =	vand.u32 $0xFFFF0000, v50;
	(pc) =	sbr.rel @p1 .LBB2_17-.Ltmp7, $4  }
0x2a4: {  	v28 =	vadd.f32 v43, v28;
	v32 =	vadd.f32 v33, v32;
	v33 =	vmul.f32 v34, v31  }
0x2a5: {  	v35 =	vadd.f32 v30, v27;
	v31 =	vadd.f32 v48, v39;
	v39 =	vand.u32 $0xFFFF0000, v42  }
0x2a6: {  	v27 =	vadd.f32 v36, v32;
	v30 =	vadd.f32 v33, v28;
	v33 =	vshll.u32 v42, $0x10  }
0x2a7: {  	s15 =	sadd.s32 $0x10, s15;
	v32 =	vadd.f32 v37, v35;
	v28 =	vmul.f32 v39, v38;
	v34 =	vand.u32 $0xFFFF0000, v29  }
0x2a8: {  	v5 =	vshll.u32 v29, $0x10;
	v6 =	vmul.f32 v34, v25;
	v7 =	vadd.f32 v23, v30  }
0x2a9: {  	v8 =	vadd.f32 v18, v31;
	v5 =	vmul.f32 v5, v20  }
0x2aa: {  	v6 =	vadd.f32 v6, v7  }
0x2ab: {  	v9 =	vmul.f32 v33, v26;
	v8 =	vadd.f32 v24, v8;
	v5 =	vadd.f32 v5, v27  }
0x2ac: {  	v7 =	vmul.f32 v22, v15;
	v6 =	vadd.f32 v28, v6  }
0x2ad: {  	v14 =	vmul.f32 v21, v14;
	v8 =	vadd.f32 v17, v8;
	v5 =	vadd.f32 v9, v5  }
0x2ae: {  	v6 =	vadd.f32 v7, v6;
	v7 =	vadd.f32 v19, v32  }
0x2af: {  	v8 =	vadd.f32 v16, v8;
	v5 =	vadd.f32 v14, v5  }
0x2b0: {  	v6 =	vadd.f32 v12, v6;
	v7 =	vadd.f32 v10, v7  }
0x2b1: {  	v8 =	vadd.f32 v11, v8;
	v5 =	vadd.f32 v13, v5;
	_ =	sdelay $0x1  }
0x2b2: {  	v6 =	vadd.f32 v6, v7;
	v5 =	vadd.f32 v5, v8;
	_ =	sdelay $0x1  }
0x2b3: {  	v5 =	vadd.f32 v6, v5;
	_ =	sdelay $0x1  }
0x2b4: {  	v6 =	vand.u32 $0x7FFFFFFF, v5  }
0x2b5: {  	v6 =	vmul.f32 $-2.000000000e+00, v6;
	_ =	sdelay $0x1  }
0x2b6: {  	v6 =	vmul.f32 $1.442695020e+00, v6;
	_ =	sdelay $0x1  }
0x2b7: {  	(erf) = vpow2.f32 v6;
	_ =	sdelay $0x8  }
0x2b8: {  	v6 =	vpop (erf)  }
0x2b9: {  	v7 =	vadd.f32 $1.000000000e+00, v6;
	_ =	sdelay $0x1  }
0x2ba: {  	(erf) = vrcp.f32 v7;
	_ =	sdelay $0x7  }
0x2bb: {  	v6 =	vsub.f32 $1.000000000e+00, v6  }
0x2bc: {  	s9 =	sadd.s32 $0x1, s9;
	v7 =	vpop (erf)  }
0x2bd: {  	p1 =	sne.s32 s9, $0x5;
	v6 =	vmul.f32 v7, v6  }
.Ltmp8:
0x2be: {  	_ = 	snop;
	(pc) =	sbr.rel @p1 .LBB2_16-.Ltmp8, $4  }
0x2bf: {  	v7 =	vsub.f32 $0.0e+00, v6  }
0x2c0: {  	vm0 =	vlt.f32 v5, $0.0e+00  }
0x2c1: {  	v5 =	vsel vm0, v7, v6  }
0x2c2: {  	[tilespmem:s21+$0x14640] =	vst v5  }
0x2c3: {  	_ =	swait.ge [sflag:s29], $0x140  }
0x2c4: {  	[sflag:s29] =	ssyncset.done $0x0  }
0x2c5: {  	s9 =	simm.s32 $0x14640;
	s7 =	rddreg [dreg:$0xf];
	[sflag:s29] =	ssyncadd.s32 $0xFFFFFEC0  }
0x2c6: {  	[hbm4b:s7+s2] =	stream.linear.scatter [tilespmem:s9], [sflag:$0x9], $0x50, $0x38;
	[tilespmem:$0x1E3C0] =	vst v63  }
0x2c7: {  	_ =	swait.ge [sflag:s25], $0x50  }
0x2c8: {  	s24 =	rddreg [dreg:$0x13]  }
0x2c9: {  	s29 =	rddreg [dreg:$0x10];
	s9 =	sadd.s32 $0x1, s24  }
0x2ca: {  	p1 =	sne.s32 s9, s29  }
.Ltmp9:
0x2cb: {  	_ = 	snop;
	(pc) =	sbr.rel @p1 .LBB2_1-.Ltmp9, $3  }
0x2cc: {  	_ =	sdelay $0x1  }
0x2cd: {  	[sflag:s25] =	ssyncset.done $0x0  }
0x2ce: {  	[sflag:s25] =	ssyncadd.s32 $0xFFFFFFB0  }
0x2cf: {  	_ =	sfence.sel $0x180000  }
0x2d0: {  	[bflag:$0x0] =	sbarrier.arrive $0xFFFF  }
0x2d1: {  	_ =	strace $0x90000047  }
0x2d2: {  	[bflag:$0x2] =	sbarrier.arrive $0xFFFF  }
0x2d3: {  	s0 =	rddreg [dreg:$0x2]  }
0x2d4: {  	s0 =	sadd.s32 @!p0 $0x100000, s0  }
0x2d5: {  	[sflag:s0] =	ssyncadd.tile.s32 @!p0 $0x1;
	_ =	shalt  }
.Lfunc_end2:
_tile_overlayer_lowered:
.L_overlay_start_2:
0x2d6: {  	(tag) =	ssettag $0x2  }
0x2d7: {  	s0 =	rddreg [dreg:$0x0];
	s2 =	stileid.u32  }
0x2d8: {  	s1 =	rddreg [dreg:$0x1];
	p0 =	sne.s32 s2, $0x0  }
0x2d9: {  	s3 =	rddreg [dreg:$0x2];
	[bflag:$0x3] =	sbarrier.arrive $0xFFFF;
	s2 =	simm.s32 @!p0 $0x1C09  }
0x2da: {  	[timem:s3], [sflag:s2] =	dma.local @!p0 [hbm:s0], s1  }
0x2db: {  	s0 =	simm.s32 @!p0 $0x9  }
0x2dc: {  	_ =	swait.ge @!p0 [sflag:s0], s1  }
0x2dd: {  	s1 =	ssub.s32 @!p0 $0x0, s1;
	[sflag:s0] =	ssyncset.done @!p0 $0x0  }
0x2de: {  	[sflag:s0] =	ssyncadd.s32 @!p0 s1  }
0x2df: {  	[bflag:$0x3] =	sbarrier.arrive $0xFFFF  }
0x2e0: {  	_ =	shalt  }

</sc_bundles>
